<compile_context>
chip_gen: v7x
topology: tpu7x:2x2x1
jax: 0.10.2.dev20260603
libtpu: 0.0.44.dev20260713+nightly
codegen_flags: <defaults>
</compile_context>

<pallas_src>
import functools

import jax
import jax.numpy as jnp
from jax import lax
from jax.experimental import pallas as pl
from jax.experimental.pallas import tpu as pltpu
from jax.experimental.pallas import tpu_sc as plsc

N = 10000
E = 320000
H = 128
G = 64

N_PAD = 10240
E_PAD = 323584
CHUNK = 128
N_WORKERS = 32
CHUNKS_PER_W = E_PAD // (CHUNK * N_WORKERS)
ROWS_PER_TILE = N_PAD // 16
POOL_ROWS = N_PAD // N_WORKERS
ACC_G = 72
TRASH = N

FLT_MIN = jnp.finfo(jnp.float32).min



def _enc_body(x_ref, w_ref, b_ref, o_ref):
    o_ref[...] = jnp.maximum(
        jnp.dot(x_ref[...], w_ref[...], preferred_element_type=jnp.float32)
        + b_ref[...], 0.0)


def _encode(x, w, b, block_rows):
    rows, k = x.shape
    h_out = w.shape[1]
    grid = rows // block_rows
    return pl.pallas_call(
        _enc_body,
        grid=(grid,),
        in_specs=[
            pl.BlockSpec((block_rows, k), lambda i: (i, 0)),
            pl.BlockSpec((k, h_out), lambda i: (0, 0)),
            pl.BlockSpec((1, h_out), lambda i: (0, 0)),
        ],
        out_specs=pl.BlockSpec((block_rows, h_out), lambda i: (i, 0)),
        out_shape=jax.ShapeDtypeStruct((rows, h_out), jnp.float32),
    )(x, w, b.reshape(1, h_out))


def _mlp_body(h_ref, agg_ref, w1_ref, b1_ref, w2_ref, b2_ref, o_ref):
    z = h_ref[...] + agg_ref[0] + agg_ref[1]
    t = jnp.maximum(
        jnp.dot(z, w1_ref[...], preferred_element_type=jnp.float32)
        + b1_ref[...], 0.0)
    o_ref[...] = jnp.maximum(
        jnp.dot(t, w2_ref[...], preferred_element_type=jnp.float32)
        + b2_ref[...], 0.0)


def _conv_mlp(h, agg, w1, b1, w2, b2):
    block = 2048
    grid = N_PAD // block
    return pl.pallas_call(
        _mlp_body,
        grid=(grid,),
        in_specs=[
            pl.BlockSpec((block, H), lambda i: (i, 0)),
            pl.BlockSpec((2, block, H), lambda i: (0, i, 0)),
            pl.BlockSpec((H, H), lambda i: (0, 0)),
            pl.BlockSpec((1, H), lambda i: (0, 0)),
            pl.BlockSpec((H, H), lambda i: (0, 0)),
            pl.BlockSpec((1, H), lambda i: (0, 0)),
        ],
        out_specs=pl.BlockSpec((block, H), lambda i: (i, 0)),
        out_shape=jax.ShapeDtypeStruct((N_PAD, H), jnp.float32),
    )(h, agg, w1, b1.reshape(1, H), w2, b2.reshape(1, H))


def _head_body(ps_ref, pm_ref, pc_ref, w1_ref, b1_ref, w2_ref, b2_ref, o_ref):
    s = jnp.sum(ps_ref[...], axis=0)[:G]
    m = jnp.max(pm_ref[...], axis=0)[:G]
    cnt = jnp.sum(pc_ref[...], axis=0)[:G, :1]
    mean = s / jnp.maximum(cnt, 1.0)
    pooled = jnp.concatenate([mean, m], axis=1)
    t = jnp.maximum(
        jnp.dot(pooled, w1_ref[...], preferred_element_type=jnp.float32)
        + b1_ref[...], 0.0)
    o_ref[...] = (
        jnp.dot(t, w2_ref[...], preferred_element_type=jnp.float32)
        + b2_ref[...])


def _head(psum, pmax, pcnt, h1_w, h1_b, h2_w, h2_b):
    return pl.pallas_call(
        _head_body,
        out_shape=jax.ShapeDtypeStruct((G, 1), jnp.float32),
    )(psum, pmax, pcnt, h1_w, h1_b.reshape(1, H), h2_w, h2_b.reshape(1, 1))



@functools.lru_cache(maxsize=None)
def _sc_mesh():
    return plsc.VectorSubcoreMesh(core_axis_name="c", subcore_axis_name="s")


def _msg_body(h_hbm, e_hbm, src_hbm, dst_hbm, out_hbm,
              idx_s, idx_d, rows, ebuf, agg, sem):
    cid = lax.axis_index("c")
    sid = lax.axis_index("s")
    wid = sid * 2 + cid

    def _zrow(i, _):
        for j in range(8):
            rows[i, pl.ds(j * 16, 16)] = jnp.zeros((16,), jnp.float32)
        return 0
    lax.fori_loop(0, CHUNK, _zrow, 0)

    def _zslab(k, _):
        pltpu.sync_copy(rows, agg.at[pl.ds(sid * ROWS_PER_TILE + k * CHUNK,
                                           CHUNK)])
        return 0
    lax.fori_loop(0, ROWS_PER_TILE // CHUNK, _zslab, 0)
    plsc.subcore_barrier()

    def _chunk(c, _):
        base = (wid * CHUNKS_PER_W + c) * CHUNK
        pltpu.sync_copy(src_hbm.at[pl.ds(base, CHUNK)], idx_s)
        pltpu.sync_copy(dst_hbm.at[pl.ds(base, CHUNK)], idx_d)
        pltpu.async_copy(h_hbm.at[idx_s], rows, sem).wait()
        pltpu.sync_copy(e_hbm.at[pl.ds(base, CHUNK)], ebuf)

        def _row(i, _):
            for j in range(8):
                sl = pl.ds(j * 16, 16)
                rows[i, sl] = jnp.maximum(rows[i, sl] + ebuf[i, sl], 0.0)
            return 0
        lax.fori_loop(0, CHUNK, _row, 0)

        pltpu.sync_copy(rows, agg.at[idx_d], add=True)
        return 0
    lax.fori_loop(0, CHUNKS_PER_W, _chunk, 0)
    plsc.subcore_barrier()

    pltpu.sync_copy(agg.at[pl.ds(sid * ROWS_PER_TILE, ROWS_PER_TILE)],
                    out_hbm.at[cid, pl.ds(sid * ROWS_PER_TILE, ROWS_PER_TILE)])


@functools.lru_cache(maxsize=None)
def _sc_message_kernel():
    return pl.kernel(
        _msg_body,
        out_type=jax.ShapeDtypeStruct((2, N_PAD, H), jnp.float32),
        mesh=_sc_mesh(),
        scratch_types=[
            pltpu.VMEM((CHUNK,), jnp.int32),
            pltpu.VMEM((CHUNK,), jnp.int32),
            pltpu.VMEM((CHUNK, H), jnp.float32),
            pltpu.VMEM((CHUNK, H), jnp.float32),
            pltpu.VMEM_SHARED((N_PAD, H), jnp.float32),
            pltpu.SemaphoreType.DMA,
        ],
    )


def _sc_message(h, e, src, dst):
    return _sc_message_kernel()(h, e, src, dst)


def _pool_body(h_hbm, b_hbm, os_hbm, om_hbm, oc_hbm,
               hbuf, bbuf, asum, amax, acnt, sem):
    cid = lax.axis_index("c")
    sid = lax.axis_index("s")
    wid = sid * 2 + cid

    def _zacc(i, _):
        for j in range(8):
            sl = pl.ds(j * 16, 16)
            asum[i, sl] = jnp.zeros((16,), jnp.float32)
            amax[i, sl] = jnp.full((16,), FLT_MIN, jnp.float32)
        acnt[i, :] = jnp.zeros((16,), jnp.float32)
        return 0
    lax.fori_loop(0, ACC_G, _zacc, 0)

    base = wid * POOL_ROWS
    pltpu.sync_copy(b_hbm.at[pl.ds(base, POOL_ROWS)], bbuf.at[pl.ds(0, POOL_ROWS)])
    pltpu.async_copy(h_hbm.at[pl.ds(base, POOL_ROWS)], hbuf, sem).wait()

    def _row(i, _):
        g = bbuf[pl.ds(i, 16)][0]
        for j in range(8):
            sl = pl.ds(j * 16, 16)
            v = hbuf[i, sl]
            asum[g, sl] = asum[g, sl] + v
            amax[g, sl] = jnp.maximum(amax[g, sl], v)
        acnt[g, :] = acnt[g, :] + 1.0
        return 0
    lax.fori_loop(0, POOL_ROWS, _row, 0)

    pltpu.sync_copy(asum, os_hbm.at[wid])
    pltpu.sync_copy(amax, om_hbm.at[wid])
    pltpu.sync_copy(acnt, oc_hbm.at[wid])


@functools.lru_cache(maxsize=None)
def _sc_pool_kernel():
    return pl.kernel(
        _pool_body,
        out_type=(
            jax.ShapeDtypeStruct((N_WORKERS, ACC_G, H), jnp.float32),
            jax.ShapeDtypeStruct((N_WORKERS, ACC_G, H), jnp.float32),
            jax.ShapeDtypeStruct((N_WORKERS, ACC_G, 16), jnp.float32),
        ),
        mesh=_sc_mesh(),
        scratch_types=[
            pltpu.VMEM((POOL_ROWS, H), jnp.float32),
            pltpu.VMEM((POOL_ROWS + 16,), jnp.int32),
            pltpu.VMEM((ACC_G, H), jnp.float32),
            pltpu.VMEM((ACC_G, H), jnp.float32),
            pltpu.VMEM((ACC_G, 16), jnp.float32),
            pltpu.SemaphoreType.DMA,
        ],
    )


def _sc_pool(h, batch_pad):
    return _sc_pool_kernel()(h, batch_pad)



def kernel(x, edge_index, edge_attr, batch, w_node, b_node, w_edge, b_edge,
           c0_w1, c0_b1, c0_w2, c0_b2, c1_w1, c1_b1, c1_w2, c1_b2,
           c2_w1, c2_b1, c2_w2, c2_b2, h1_w, h1_b, h2_w, h2_b):
    x_pad = jnp.zeros((N_PAD, x.shape[1]), x.dtype).at[:N].set(x)
    batch_pad = jnp.full((N_PAD,), G, jnp.int32).at[:N].set(batch)
    src_pad = jnp.zeros((E_PAD,), jnp.int32).at[:E].set(edge_index[0])
    dst_pad = jnp.full((E_PAD,), TRASH, jnp.int32).at[:E].set(edge_index[1])
    ea_pad = jnp.zeros((E_PAD, edge_attr.shape[1]), edge_attr.dtype
                       ).at[:E].set(edge_attr)

    h = _encode(x_pad, w_node, b_node, 2048)
    e = _encode(ea_pad, w_edge, b_edge, 2048)

    for (w1, b1, w2, b2) in ((c0_w1, c0_b1, c0_w2, c0_b2),
                             (c1_w1, c1_b1, c1_w2, c1_b2),
                             (c2_w1, c2_b1, c2_w2, c2_b2)):
        agg = _sc_message(h, e, src_pad, dst_pad)
        h = _conv_mlp(h, agg, w1, b1, w2, b2)

    psum, pmax, pcnt = _sc_pool(h, batch_pad)
    out = _head(psum, pmax, pcnt, h1_w, h1_b, h2_w, h2_b)
    return out.reshape(-1)

# --- scband reference (transcript-rebuilt; emitter-appended) ---
"""Pipeline reference for scband-graph-regressor-78030965834327 (READ-ONLY COPY).

The authoritative reference and input builder live on the scoring server;
editing this copy changes nothing except your own understanding.
"""

import jax, jax.numpy as jnp
import numpy as np

N = 10000
E = 320000
NODE_DIM = 128
EDGE_DIM = 16
H = 128
G = 64


def _lin_init(k, fan_in, fan_out):
    lim = 1.0 / np.sqrt(fan_in)
    kw, kb = jax.random.split(k)
    w = jax.random.uniform(kw, (fan_in, fan_out), jnp.float32, -lim, lim)
    b = jax.random.uniform(kb, (fan_out,), jnp.float32, -lim, lim)
    return w, b


def setup_inputs(seed: int = 0) -> dict:
    key = jax.random.key(seed)
    ks = jax.random.split(key, 16)
    inp = {}
    inp["x"] = jax.random.normal(ks[0], (N, NODE_DIM), jnp.float32)
    inp["edge_index"] = jax.random.randint(ks[1], (2, E), 0, N, dtype=jnp.int32)
    inp["edge_attr"] = jax.random.normal(ks[2], (E, EDGE_DIM), jnp.float32)
    inp["batch"] = jnp.sort(jax.random.randint(ks[3], (N,), 0, G, dtype=jnp.int32))
    inp["w_node"], inp["b_node"] = _lin_init(ks[4], NODE_DIM, H)
    inp["w_edge"], inp["b_edge"] = _lin_init(ks[5], EDGE_DIM, H)
    for i in range(3):
        w1, b1 = _lin_init(ks[6 + 2 * i], H, H)
        w2, b2 = _lin_init(ks[7 + 2 * i], H, H)
        inp[f"c{i}_w1"] = w1
        inp[f"c{i}_b1"] = b1
        inp[f"c{i}_w2"] = w2
        inp[f"c{i}_b2"] = b2
    inp["h1_w"], inp["h1_b"] = _lin_init(ks[12], 2 * H, H)
    inp["h2_w"], inp["h2_b"] = _lin_init(ks[13], H, 1)
    return inp


def _forward(x, edge_attr, w_node, b_node, w_edge, b_edge, convs, h1_w, h1_b, h2_w, h2_b, edge_index, batch):
    h = jax.nn.relu(x @ w_node + b_node)
    e = jax.nn.relu(edge_attr @ w_edge + b_edge)
    src = edge_index[0]
    dst = edge_index[1]
    for (w1, b1, w2, b2) in convs:
        # GINEConv: nn((1+eps)*x + sum_j relu(x_j + e_ji)), eps=0 (train_eps=False)
        m = jax.nn.relu(h[src] + e)
        agg = jax.ops.segment_sum(m, dst, num_segments=N)
        z = h + agg
        z = jax.nn.relu(z @ w1 + b1) @ w2 + b2
        h = jax.nn.relu(z)
    counts = jax.ops.segment_sum(jnp.ones((N,), jnp.float32), batch, num_segments=G)
    mean = jax.ops.segment_sum(h, batch, num_segments=G) / jnp.clip(counts, 1.0)[:, None]
    mx = jax.ops.segment_max(h, batch, num_segments=G)
    pooled = jnp.concatenate([mean, mx], axis=1)
    out = jax.nn.relu(pooled @ h1_w + h1_b) @ h2_w + h2_b
    return out.reshape(-1)


def reference(x, edge_index, edge_attr, batch, w_node, b_node, w_edge, b_edge, c0_w1, c0_b1, c0_w2, c0_b2, c1_w1, c1_b1, c1_w2, c1_b2, c2_w1, c2_b1, c2_w2, c2_b2, h1_w, h1_b, h2_w, h2_b):
    convs = [(c0_w1, c0_b1, c0_w2, c0_b2), (c1_w1, c1_b1, c1_w2, c1_b2), (c2_w1, c2_b1, c2_w2, c2_b2)]
    return _forward(x, edge_attr, w_node, b_node, w_edge, b_edge, convs, h1_w, h1_b, h2_w, h2_b, edge_index, batch)

if __name__ == "__main__":
    import jax
    _d = setup_inputs()
    print(jax.jit(kernel)(*tuple(_d.values())))

</pallas_src>

<mosaic_0001>
#map = affine_map<(d0, d1) -> (0, 0)>
#map1 = affine_map<(d0, d1) -> (0)>
#map2 = affine_map<(d0, d1) -> (0, 0, 0)>
module attributes {stable_mosaic.version = 14 : i64} {
  func.func @_msg_body(%arg0: i32, %arg1: i32, %arg2: memref<10240x128xf32, #tpu.memory_space<hbm>>, %arg3: memref<323584x128xf32, #tpu.memory_space<hbm>>, %arg4: memref<323584xi32, #tpu.memory_space<hbm>>, %arg5: memref<323584xi32, #tpu.memory_space<hbm>>, %arg6: memref<2x10240x128xf32, #tpu.memory_space<hbm>>, %arg7: memref<128xi32, #tpu.memory_space<vmem>>, %arg8: memref<128xi32, #tpu.memory_space<vmem>>, %arg9: memref<128x128xf32, #tpu.memory_space<vmem>>, %arg10: memref<128x128xf32, #tpu.memory_space<vmem>>, %arg11: memref<10240x128xf32, #tpu.memory_space<vmem_shared>>, %arg12: memref<!tpu.dma_semaphore, #tpu.memory_space<semaphore_mem>>) attributes {dimension_semantics = [#tpu.dimension_semantics<core_parallel>, #tpu.dimension_semantics<subcore_parallel>], iteration_bounds = array<i64: 2, 16>, scalar_prefetch = 0 : i64, scratch_operands = 6 : i64, tpu.core_type = #tpu.core_type<sc_vector_subcore>, window_params = [{transform_indices = #map}, {transform_indices = #map}, {transform_indices = #map1}, {transform_indices = #map1}, {transform_indices = #map2}]} {
    %mul3A = arith.constant 2 : i32
    %mul3A_0 = arith.muli %arg1, %mul3A : i32
    %add3A = arith.addi %mul3A_0, %arg0 : i32
    %scan3A = arith.constant 0 : i32
    %scan3A_1 = arith.constant 0 : i32
    %scan3A_2 = arith.constant 128 : i32
    %scan3A_3 = arith.addi %scan3A_1, %scan3A_2 : i32
    %scan3A_4 = arith.constant 1 : i32
    %scan3A_5 = scf.for %scan3A_26 = %scan3A_1 to %scan3A_3 step %scan3A_4 iter_args(%scan3A_27 = %scan3A) -> (i32)  : i32 {
      %broadcast_in_dim3A = arith.constant 0.000000e+00 : f32
      %broadcast_in_dim3A_28 = vector.broadcast %broadcast_in_dim3A : f32 to vector<16xf32>
      %swap3A = arith.index_cast %scan3A_26 : i32 to index
      %swap3A_29 = arith.constant 0 : index
      %swap3A_30 = tpu.vector_load %arg9[%swap3A, %swap3A_29] {strides = array<i32>} : memref<128x128xf32, #tpu.memory_space<vmem>>, vector<1x16xf32>,
      %swap3A_31 = vector.shape_cast %swap3A_30 : vector<1x16xf32> to vector<16xf32>
      %swap3A_32 = vector.shape_cast %broadcast_in_dim3A_28 : vector<16xf32> to vector<1x16xf32>
      tpu.vector_store %arg9[%swap3A, %swap3A_29], %swap3A_32 {strides = array<i32>} : memref<128x128xf32, #tpu.memory_space<vmem>>, vector<1x16xf32>,
      %broadcast_in_dim3A_33 = arith.constant 0.000000e+00 : f32
      %broadcast_in_dim3A_34 = vector.broadcast %broadcast_in_dim3A_33 : f32 to vector<16xf32>
      %swap3A_35 = arith.index_cast %scan3A_26 : i32 to index
      %swap3A_36 = arith.constant 16 : index
      %swap3A_37 = tpu.vector_load %arg9[%swap3A_35, %swap3A_36] {strides = array<i32>} : memref<128x128xf32, #tpu.memory_space<vmem>>, vector<1x16xf32>,
      %swap3A_38 = vector.shape_cast %swap3A_37 : vector<1x16xf32> to vector<16xf32>
      %swap3A_39 = vector.shape_cast %broadcast_in_dim3A_34 : vector<16xf32> to vector<1x16xf32>
      tpu.vector_store %arg9[%swap3A_35, %swap3A_36], %swap3A_39 {strides = array<i32>} : memref<128x128xf32, #tpu.memory_space<vmem>>, vector<1x16xf32>,
      %broadcast_in_dim3A_40 = arith.constant 0.000000e+00 : f32
      %broadcast_in_dim3A_41 = vector.broadcast %broadcast_in_dim3A_40 : f32 to vector<16xf32>
      %swap3A_42 = arith.index_cast %scan3A_26 : i32 to index
      %swap3A_43 = arith.constant 32 : index
      %swap3A_44 = tpu.vector_load %arg9[%swap3A_42, %swap3A_43] {strides = array<i32>} : memref<128x128xf32, #tpu.memory_space<vmem>>, vector<1x16xf32>,
      %swap3A_45 = vector.shape_cast %swap3A_44 : vector<1x16xf32> to vector<16xf32>
      %swap3A_46 = vector.shape_cast %broadcast_in_dim3A_41 : vector<16xf32> to vector<1x16xf32>
      tpu.vector_store %arg9[%swap3A_42, %swap3A_43], %swap3A_46 {strides = array<i32>} : memref<128x128xf32, #tpu.memory_space<vmem>>, vector<1x16xf32>,
      %broadcast_in_dim3A_47 = arith.constant 0.000000e+00 : f32
      %broadcast_in_dim3A_48 = vector.broadcast %broadcast_in_dim3A_47 : f32 to vector<16xf32>
      %swap3A_49 = arith.index_cast %scan3A_26 : i32 to index
      %swap3A_50 = arith.constant 48 : index
      %swap3A_51 = tpu.vector_load %arg9[%swap3A_49, %swap3A_50] {strides = array<i32>} : memref<128x128xf32, #tpu.memory_space<vmem>>, vector<1x16xf32>,
      %swap3A_52 = vector.shape_cast %swap3A_51 : vector<1x16xf32> to vector<16xf32>
      %swap3A_53 = vector.shape_cast %broadcast_in_dim3A_48 : vector<16xf32> to vector<1x16xf32>
      tpu.vector_store %arg9[%swap3A_49, %swap3A_50], %swap3A_53 {strides = array<i32>} : memref<128x128xf32, #tpu.memory_space<vmem>>, vector<1x16xf32>,
      %broadcast_in_dim3A_54 = arith.constant 0.000000e+00 : f32
      %broadcast_in_dim3A_55 = vector.broadcast %broadcast_in_dim3A_54 : f32 to vector<16xf32>
      %swap3A_56 = arith.index_cast %scan3A_26 : i32 to index
      %swap3A_57 = arith.constant 64 : index
      %swap3A_58 = tpu.vector_load %arg9[%swap3A_56, %swap3A_57] {strides = array<i32>} : memref<128x128xf32, #tpu.memory_space<vmem>>, vector<1x16xf32>,
      %swap3A_59 = vector.shape_cast %swap3A_58 : vector<1x16xf32> to vector<16xf32>
      %swap3A_60 = vector.shape_cast %broadcast_in_dim3A_55 : vector<16xf32> to vector<1x16xf32>
      tpu.vector_store %arg9[%swap3A_56, %swap3A_57], %swap3A_60 {strides = array<i32>} : memref<128x128xf32, #tpu.memory_space<vmem>>, vector<1x16xf32>,
      %broadcast_in_dim3A_61 = arith.constant 0.000000e+00 : f32
      %broadcast_in_dim3A_62 = vector.broadcast %broadcast_in_dim3A_61 : f32 to vector<16xf32>
      %swap3A_63 = arith.index_cast %scan3A_26 : i32 to index
      %swap3A_64 = arith.constant 80 : index
      %swap3A_65 = tpu.vector_load %arg9[%swap3A_63, %swap3A_64] {strides = array<i32>} : memref<128x128xf32, #tpu.memory_space<vmem>>, vector<1x16xf32>,
      %swap3A_66 = vector.shape_cast %swap3A_65 : vector<1x16xf32> to vector<16xf32>
      %swap3A_67 = vector.shape_cast %broadcast_in_dim3A_62 : vector<16xf32> to vector<1x16xf32>
      tpu.vector_store %arg9[%swap3A_63, %swap3A_64], %swap3A_67 {strides = array<i32>} : memref<128x128xf32, #tpu.memory_space<vmem>>, vector<1x16xf32>,
      %broadcast_in_dim3A_68 = arith.constant 0.000000e+00 : f32
      %broadcast_in_dim3A_69 = vector.broadcast %broadcast_in_dim3A_68 : f32 to vector<16xf32>
      %swap3A_70 = arith.index_cast %scan3A_26 : i32 to index
      %swap3A_71 = arith.constant 96 : index
      %swap3A_72 = tpu.vector_load %arg9[%swap3A_70, %swap3A_71] {strides = array<i32>} : memref<128x128xf32, #tpu.memory_space<vmem>>, vector<1x16xf32>,
      %swap3A_73 = vector.shape_cast %swap3A_72 : vector<1x16xf32> to vector<16xf32>
      %swap3A_74 = vector.shape_cast %broadcast_in_dim3A_69 : vector<16xf32> to vector<1x16xf32>
      tpu.vector_store %arg9[%swap3A_70, %swap3A_71], %swap3A_74 {strides = array<i32>} : memref<128x128xf32, #tpu.memory_space<vmem>>, vector<1x16xf32>,
      %broadcast_in_dim3A_75 = arith.constant 0.000000e+00 : f32
      %broadcast_in_dim3A_76 = vector.broadcast %broadcast_in_dim3A_75 : f32 to vector<16xf32>
      %swap3A_77 = arith.index_cast %scan3A_26 : i32 to index
      %swap3A_78 = arith.constant 112 : index
      %swap3A_79 = tpu.vector_load %arg9[%swap3A_77, %swap3A_78] {strides = array<i32>} : memref<128x128xf32, #tpu.memory_space<vmem>>, vector<1x16xf32>,
      %swap3A_80 = vector.shape_cast %swap3A_79 : vector<1x16xf32> to vector<16xf32>
      %swap3A_81 = vector.shape_cast %broadcast_in_dim3A_76 : vector<16xf32> to vector<1x16xf32>
      tpu.vector_store %arg9[%swap3A_77, %swap3A_78], %swap3A_81 {strides = array<i32>} : memref<128x128xf32, #tpu.memory_space<vmem>>, vector<1x16xf32>,
      %scan3A_82 = arith.constant 0 : i32
      scf.yield %scan3A_82 : i32
    }
    %scan3A_6 = arith.constant 128 : i32
    %scan3A_7 = arith.constant 0 : i32
    %scan3A_8 = arith.constant 0 : i32
    %scan3A_9 = arith.constant 5 : i32
    %scan3A_10 = arith.addi %scan3A_8, %scan3A_9 : i32
    %scan3A_11 = arith.constant 1 : i32
    %scan3A_12 = scf.for %scan3A_26 = %scan3A_8 to %scan3A_10 step %scan3A_11 iter_args(%scan3A_27 = %scan3A_7) -> (i32)  : i32 {
      %mul3A_28 = arith.constant 640 : i32
      %mul3A_29 = arith.muli %arg1, %mul3A_28 : i32
      %mul3A_30 = arith.constant 128 : i32
      %mul3A_31 = arith.muli %scan3A_26, %mul3A_30 : i32
      %add3A_32 = arith.addi %mul3A_29, %mul3A_31 : i32
      "tpu.region"() ({
        %run_scoped3A = tpu.sem_alloc : memref<!tpu.dma_semaphore, #tpu.memory_space<semaphore_mem>>
        %dma_start3A = arith.constant 0 : i32
        %dma_start3A_34 = tpu.memref_slice %arg11[%add3A_32, %dma_start3A] : memref<10240x128xf32, #tpu.memory_space<vmem_shared>> -> memref<128x128xf32, #tpu.memory_space<vmem_shared>>
        %dma_start3A_35 = arith.constant 0 : i32
        %dma_start3A_36 = tpu.memref_slice %arg11[%add3A_32, %dma_start3A_35] : memref<10240x128xf32, #tpu.memory_space<vmem_shared>> -> memref<128x128xf32, #tpu.memory_space<vmem_shared>>
        tpu.enqueue_dma source(%arg9 : memref<128x128xf32, #tpu.memory_space<vmem>>) target(%dma_start3A_36 : memref<128x128xf32, #tpu.memory_space<vmem_shared>>) target_semaphore(%run_scoped3A : memref<!tpu.dma_semaphore, #tpu.memory_space<semaphore_mem>>)
        %dma_wait3A = arith.constant 0 : i32
        %dma_wait3A_37 = tpu.memref_slice %arg11[%add3A_32, %dma_wait3A] : memref<10240x128xf32, #tpu.memory_space<vmem_shared>> -> memref<128x128xf32, #tpu.memory_space<vmem_shared>>
        %dma_wait3A_38 = arith.constant 0 : i32
        %dma_wait3A_39 = tpu.memref_slice %arg11[%add3A_32, %dma_wait3A_38] : memref<10240x128xf32, #tpu.memory_space<vmem_shared>> -> memref<128x128xf32, #tpu.memory_space<vmem_shared>>
        tpu.wait_dma2 semaphore(%run_scoped3A : memref<!tpu.dma_semaphore, #tpu.memory_space<semaphore_mem>>) src(%arg9 : memref<128x128xf32, #tpu.memory_space<vmem>>) dst(%dma_wait3A_39 : memref<128x128xf32, #tpu.memory_space<vmem_shared>>)
        tpu.yield
      }) : () -> ()
      %scan3A_33 = arith.constant 0 : i32
      scf.yield %scan3A_33 : i32
    }
    %scan3A_13 = arith.constant 5 : i32
    %barrier3A = arith.constant 0 : index
    tpu.barrier barrier_id(%barrier3A)
    %scan3A_14 = arith.constant 0 : i32
    %scan3A_15 = arith.constant 0 : i32
    %scan3A_16 = arith.constant 79 : i32
    %scan3A_17 = arith.addi %scan3A_15, %scan3A_16 : i32
    %scan3A_18 = arith.constant 1 : i32
    %scan3A_19 = scf.for %scan3A_26 = %scan3A_15 to %scan3A_17 step %scan3A_18 iter_args(%scan3A_27 = %scan3A_14) -> (i32)  : i32 {
      %mul3A_28 = arith.constant 79 : i32
      %mul3A_29 = arith.muli %add3A, %mul3A_28 : i32
      %add3A_30 = arith.addi %mul3A_29, %scan3A_26 : i32
      %mul3A_31 = arith.constant 128 : i32
      %mul3A_32 = arith.muli %add3A_30, %mul3A_31 : i32
      "tpu.region"() ({
        %run_scoped3A = tpu.sem_alloc : memref<!tpu.dma_semaphore, #tpu.memory_space<semaphore_mem>>
        %dma_start3A_45 = tpu.memref_slice %arg4[%mul3A_32] : memref<323584xi32, #tpu.memory_space<hbm>> -> memref<128xi32, #tpu.memory_space<hbm>>
        %dma_start3A_46 = tpu.memref_slice %arg4[%mul3A_32] : memref<323584xi32, #tpu.memory_space<hbm>> -> memref<128xi32, #tpu.memory_space<hbm>>
        tpu.enqueue_dma source(%dma_start3A_46 : memref<128xi32, #tpu.memory_space<hbm>>) target(%arg7 : memref<128xi32, #tpu.memory_space<vmem>>) target_semaphore(%run_scoped3A : memref<!tpu.dma_semaphore, #tpu.memory_space<semaphore_mem>>)
        %dma_wait3A_47 = tpu.memref_slice %arg4[%mul3A_32] : memref<323584xi32, #tpu.memory_space<hbm>> -> memref<128xi32, #tpu.memory_space<hbm>>
        %dma_wait3A_48 = tpu.memref_slice %arg4[%mul3A_32] : memref<323584xi32, #tpu.memory_space<hbm>> -> memref<128xi32, #tpu.memory_space<hbm>>
        tpu.wait_dma2 semaphore(%run_scoped3A : memref<!tpu.dma_semaphore, #tpu.memory_space<semaphore_mem>>) src(%dma_wait3A_48 : memref<128xi32, #tpu.memory_space<hbm>>) dst(%arg7 : memref<128xi32, #tpu.memory_space<vmem>>)
        tpu.yield
      }) : () -> ()
      "tpu.region"() ({
        %run_scoped3A = tpu.sem_alloc : memref<!tpu.dma_semaphore, #tpu.memory_space<semaphore_mem>>
        %dma_start3A_45 = tpu.memref_slice %arg5[%mul3A_32] : memref<323584xi32, #tpu.memory_space<hbm>> -> memref<128xi32, #tpu.memory_space<hbm>>
        %dma_start3A_46 = tpu.memref_slice %arg5[%mul3A_32] : memref<323584xi32, #tpu.memory_space<hbm>> -> memref<128xi32, #tpu.memory_space<hbm>>
        tpu.enqueue_dma source(%dma_start3A_46 : memref<128xi32, #tpu.memory_space<hbm>>) target(%arg8 : memref<128xi32, #tpu.memory_space<vmem>>) target_semaphore(%run_scoped3A : memref<!tpu.dma_semaphore, #tpu.memory_space<semaphore_mem>>)
        %dma_wait3A_47 = tpu.memref_slice %arg5[%mul3A_32] : memref<323584xi32, #tpu.memory_space<hbm>> -> memref<128xi32, #tpu.memory_space<hbm>>
        %dma_wait3A_48 = tpu.memref_slice %arg5[%mul3A_32] : memref<323584xi32, #tpu.memory_space<hbm>> -> memref<128xi32, #tpu.memory_space<hbm>>
        tpu.wait_dma2 semaphore(%run_scoped3A : memref<!tpu.dma_semaphore, #tpu.memory_space<semaphore_mem>>) src(%dma_wait3A_48 : memref<128xi32, #tpu.memory_space<hbm>>) dst(%arg8 : memref<128xi32, #tpu.memory_space<vmem>>)
        tpu.yield
      }) : () -> ()
      %dma_start3A = arith.constant 0 : i32
      %dma_start3A_33 = arith.constant 0 : i32
      %dma_start3A_34 = tpu.memref_slice %arg2[%dma_start3A, %dma_start3A_33] : memref<10240x128xf32, #tpu.memory_space<hbm>> -> memref<10240x128xf32, #tpu.memory_space<hbm>>
      tpu.enqueue_indirect_dma source(%dma_start3A_34 : memref<10240x128xf32, #tpu.memory_space<hbm>>) target(%arg9 : memref<128x128xf32, #tpu.memory_space<vmem>>) offsets(%arg7 : memref<128xi32, #tpu.memory_space<vmem>>) semaphore(%arg12 : memref<!tpu.dma_semaphore, #tpu.memory_space<semaphore_mem>>)
      %dma_wait3A = arith.constant 0 : i32
      %dma_wait3A_35 = arith.constant 0 : i32
      %dma_wait3A_36 = tpu.memref_slice %arg2[%dma_wait3A, %dma_wait3A_35] : memref<10240x128xf32, #tpu.memory_space<hbm>> -> memref<10240x128xf32, #tpu.memory_space<hbm>>
      tpu.wait_indirect_dma semaphore(%arg12 : memref<!tpu.dma_semaphore, #tpu.memory_space<semaphore_mem>>) src(%dma_wait3A_36 : memref<10240x128xf32, #tpu.memory_space<hbm>>) dst(%arg9 : memref<128x128xf32, #tpu.memory_space<vmem>>)
      "tpu.region"() ({
        %run_scoped3A = tpu.sem_alloc : memref<!tpu.dma_semaphore, #tpu.memory_space<semaphore_mem>>
        %dma_start3A_45 = arith.constant 0 : i32
        %dma_start3A_46 = tpu.memref_slice %arg3[%mul3A_32, %dma_start3A_45] : memref<323584x128xf32, #tpu.memory_space<hbm>> -> memref<128x128xf32, #tpu.memory_space<hbm>>
        %dma_start3A_47 = arith.constant 0 : i32
        %dma_start3A_48 = tpu.memref_slice %arg3[%mul3A_32, %dma_start3A_47] : memref<323584x128xf32, #tpu.memory_space<hbm>> -> memref<128x128xf32, #tpu.memory_space<hbm>>
        tpu.enqueue_dma source(%dma_start3A_48 : memref<128x128xf32, #tpu.memory_space<hbm>>) target(%arg10 : memref<128x128xf32, #tpu.memory_space<vmem>>) target_semaphore(%run_scoped3A : memref<!tpu.dma_semaphore, #tpu.memory_space<semaphore_mem>>)
        %dma_wait3A_49 = arith.constant 0 : i32
        %dma_wait3A_50 = tpu.memref_slice %arg3[%mul3A_32, %dma_wait3A_49] : memref<323584x128xf32, #tpu.memory_space<hbm>> -> memref<128x128xf32, #tpu.memory_space<hbm>>
        %dma_wait3A_51 = arith.constant 0 : i32
        %dma_wait3A_52 = tpu.memref_slice %arg3[%mul3A_32, %dma_wait3A_51] : memref<323584x128xf32, #tpu.memory_space<hbm>> -> memref<128x128xf32, #tpu.memory_space<hbm>>
        tpu.wait_dma2 semaphore(%run_scoped3A : memref<!tpu.dma_semaphore, #tpu.memory_space<semaphore_mem>>) src(%dma_wait3A_52 : memref<128x128xf32, #tpu.memory_space<hbm>>) dst(%arg10 : memref<128x128xf32, #tpu.memory_space<vmem>>)
        tpu.yield
      }) : () -> ()
      %scan3A_37 = arith.constant 0 : i32
      %scan3A_38 = arith.constant 0 : i32
      %scan3A_39 = arith.constant 128 : i32
      %scan3A_40 = arith.addi %scan3A_38, %scan3A_39 : i32
      %scan3A_41 = arith.constant 1 : i32
      %scan3A_42 = scf.for %scan3A_45 = %scan3A_38 to %scan3A_40 step %scan3A_41 iter_args(%scan3A_46 = %scan3A_37) -> (i32)  : i32 {
        %get3A = arith.index_cast %scan3A_45 : i32 to index
        %get3A_47 = arith.constant 0 : index
        %get3A_48 = tpu.vector_load %arg9[%get3A, %get3A_47] {strides = array<i32>} : memref<128x128xf32, #tpu.memory_space<vmem>>, vector<1x16xf32>,
        %get3A_49 = vector.shape_cast %get3A_48 : vector<1x16xf32> to vector<16xf32>
        %get3A_50 = arith.index_cast %scan3A_45 : i32 to index
        %get3A_51 = arith.constant 0 : index
        %get3A_52 = tpu.vector_load %arg10[%get3A_50, %get3A_51] {strides = array<i32>} : memref<128x128xf32, #tpu.memory_space<vmem>>, vector<1x16xf32>,
        %get3A_53 = vector.shape_cast %get3A_52 : vector<1x16xf32> to vector<16xf32>
        %add3A_54 = arith.addf %get3A_49, %get3A_53 : vector<16xf32>
        %max3A = arith.constant 0.000000e+00 : f32
        %max3A_55 = vector.broadcast %max3A : f32 to vector<16xf32>
        %max3A_56 = arith.maximumf %add3A_54, %max3A_55 : vector<16xf32>
        %swap3A = arith.index_cast %scan3A_45 : i32 to index
        %swap3A_57 = arith.constant 0 : index
        %swap3A_58 = tpu.vector_load %arg9[%swap3A, %swap3A_57] {strides = array<i32>} : memref<128x128xf32, #tpu.memory_space<vmem>>, vector<1x16xf32>,
        %swap3A_59 = vector.shape_cast %swap3A_58 : vector<1x16xf32> to vector<16xf32>
        %swap3A_60 = vector.shape_cast %max3A_56 : vector<16xf32> to vector<1x16xf32>
        tpu.vector_store %arg9[%swap3A, %swap3A_57], %swap3A_60 {strides = array<i32>} : memref<128x128xf32, #tpu.memory_space<vmem>>, vector<1x16xf32>,
        %get3A_61 = arith.index_cast %scan3A_45 : i32 to index
        %get3A_62 = arith.constant 16 : index
        %get3A_63 = tpu.vector_load %arg9[%get3A_61, %get3A_62] {strides = array<i32>} : memref<128x128xf32, #tpu.memory_space<vmem>>, vector<1x16xf32>,
        %get3A_64 = vector.shape_cast %get3A_63 : vector<1x16xf32> to vector<16xf32>
        %get3A_65 = arith.index_cast %scan3A_45 : i32 to index
        %get3A_66 = arith.constant 16 : index
        %get3A_67 = tpu.vector_load %arg10[%get3A_65, %get3A_66] {strides = array<i32>} : memref<128x128xf32, #tpu.memory_space<vmem>>, vector<1x16xf32>,
        %get3A_68 = vector.shape_cast %get3A_67 : vector<1x16xf32> to vector<16xf32>
        %add3A_69 = arith.addf %get3A_64, %get3A_68 : vector<16xf32>
        %max3A_70 = arith.constant 0.000000e+00 : f32
        %max3A_71 = vector.broadcast %max3A_70 : f32 to vector<16xf32>
        %max3A_72 = arith.maximumf %add3A_69, %max3A_71 : vector<16xf32>
        %swap3A_73 = arith.index_cast %scan3A_45 : i32 to index
        %swap3A_74 = arith.constant 16 : index
        %swap3A_75 = tpu.vector_load %arg9[%swap3A_73, %swap3A_74] {strides = array<i32>} : memref<128x128xf32, #tpu.memory_space<vmem>>, vector<1x16xf32>,
        %swap3A_76 = vector.shape_cast %swap3A_75 : vector<1x16xf32> to vector<16xf32>
        %swap3A_77 = vector.shape_cast %max3A_72 : vector<16xf32> to vector<1x16xf32>
        tpu.vector_store %arg9[%swap3A_73, %swap3A_74], %swap3A_77 {strides = array<i32>} : memref<128x128xf32, #tpu.memory_space<vmem>>, vector<1x16xf32>,
        %get3A_78 = arith.index_cast %scan3A_45 : i32 to index
        %get3A_79 = arith.constant 32 : index
        %get3A_80 = tpu.vector_load %arg9[%get3A_78, %get3A_79] {strides = array<i32>} : memref<128x128xf32, #tpu.memory_space<vmem>>, vector<1x16xf32>,
        %get3A_81 = vector.shape_cast %get3A_80 : vector<1x16xf32> to vector<16xf32>
        %get3A_82 = arith.index_cast %scan3A_45 : i32 to index
        %get3A_83 = arith.constant 32 : index
        %get3A_84 = tpu.vector_load %arg10[%get3A_82, %get3A_83] {strides = array<i32>} : memref<128x128xf32, #tpu.memory_space<vmem>>, vector<1x16xf32>,
        %get3A_85 = vector.shape_cast %get3A_84 : vector<1x16xf32> to vector<16xf32>
        %add3A_86 = arith.addf %get3A_81, %get3A_85 : vector<16xf32>
        %max3A_87 = arith.constant 0.000000e+00 : f32
        %max3A_88 = vector.broadcast %max3A_87 : f32 to vector<16xf32>
        %max3A_89 = arith.maximumf %add3A_86, %max3A_88 : vector<16xf32>
        %swap3A_90 = arith.index_cast %scan3A_45 : i32 to index
        %swap3A_91 = arith.constant 32 : index
        %swap3A_92 = tpu.vector_load %arg9[%swap3A_90, %swap3A_91] {strides = array<i32>} : memref<128x128xf32, #tpu.memory_space<vmem>>, vector<1x16xf32>,
        %swap3A_93 = vector.shape_cast %swap3A_92 : vector<1x16xf32> to vector<16xf32>
        %swap3A_94 = vector.shape_cast %max3A_89 : vector<16xf32> to vector<1x16xf32>
        tpu.vector_store %arg9[%swap3A_90, %swap3A_91], %swap3A_94 {strides = array<i32>} : memref<128x128xf32, #tpu.memory_space<vmem>>, vector<1x16xf32>,
        %get3A_95 = arith.index_cast %scan3A_45 : i32 to index
        %get3A_96 = arith.constant 48 : index
        %get3A_97 = tpu.vector_load %arg9[%get3A_95, %get3A_96] {strides = array<i32>} : memref<128x128xf32, #tpu.memory_space<vmem>>, vector<1x16xf32>,
        %get3A_98 = vector.shape_cast %get3A_97 : vector<1x16xf32> to vector<16xf32>
        %get3A_99 = arith.index_cast %scan3A_45 : i32 to index
        %get3A_100 = arith.constant 48 : index
        %get3A_101 = tpu.vector_load %arg10[%get3A_99, %get3A_100] {strides = array<i32>} : memref<128x128xf32, #tpu.memory_space<vmem>>, vector<1x16xf32>,
        %get3A_102 = vector.shape_cast %get3A_101 : vector<1x16xf32> to vector<16xf32>
        %add3A_103 = arith.addf %get3A_98, %get3A_102 : vector<16xf32>
        %max3A_104 = arith.constant 0.000000e+00 : f32
        %max3A_105 = vector.broadcast %max3A_104 : f32 to vector<16xf32>
        %max3A_106 = arith.maximumf %add3A_103, %max3A_105 : vector<16xf32>
        %swap3A_107 = arith.index_cast %scan3A_45 : i32 to index
        %swap3A_108 = arith.constant 48 : index
        %swap3A_109 = tpu.vector_load %arg9[%swap3A_107, %swap3A_108] {strides = array<i32>} : memref<128x128xf32, #tpu.memory_space<vmem>>, vector<1x16xf32>,
        %swap3A_110 = vector.shape_cast %swap3A_109 : vector<1x16xf32> to vector<16xf32>
        %swap3A_111 = vector.shape_cast %max3A_106 : vector<16xf32> to vector<1x16xf32>
        tpu.vector_store %arg9[%swap3A_107, %swap3A_108], %swap3A_111 {strides = array<i32>} : memref<128x128xf32, #tpu.memory_space<vmem>>, vector<1x16xf32>,
        %get3A_112 = arith.index_cast %scan3A_45 : i32 to index
        %get3A_113 = arith.constant 64 : index
        %get3A_114 = tpu.vector_load %arg9[%get3A_112, %get3A_113] {strides = array<i32>} : memref<128x128xf32, #tpu.memory_space<vmem>>, vector<1x16xf32>,
        %get3A_115 = vector.shape_cast %get3A_114 : vector<1x16xf32> to vector<16xf32>
        %get3A_116 = arith.index_cast %scan3A_45 : i32 to index
        %get3A_117 = arith.constant 64 : index
        %get3A_118 = tpu.vector_load %arg10[%get3A_116, %get3A_117] {strides = array<i32>} : memref<128x128xf32, #tpu.memory_space<vmem>>, vector<1x16xf32>,
        %get3A_119 = vector.shape_cast %get3A_118 : vector<1x16xf32> to vector<16xf32>
        %add3A_120 = arith.addf %get3A_115, %get3A_119 : vector<16xf32>
        %max3A_121 = arith.constant 0.000000e+00 : f32
        %max3A_122 = vector.broadcast %max3A_121 : f32 to vector<16xf32>
        %max3A_123 = arith.maximumf %add3A_120, %max3A_122 : vector<16xf32>
        %swap3A_124 = arith.index_cast %scan3A_45 : i32 to index
        %swap3A_125 = arith.constant 64 : index
        %swap3A_126 = tpu.vector_load %arg9[%swap3A_124, %swap3A_125] {strides = array<i32>} : memref<128x128xf32, #tpu.memory_space<vmem>>, vector<1x16xf32>,
        %swap3A_127 = vector.shape_cast %swap3A_126 : vector<1x16xf32> to vector<16xf32>
        %swap3A_128 = vector.shape_cast %max3A_123 : vector<16xf32> to vector<1x16xf32>
        tpu.vector_store %arg9[%swap3A_124, %swap3A_125], %swap3A_128 {strides = array<i32>} : memref<128x128xf32, #tpu.memory_space<vmem>>, vector<1x16xf32>,
        %get3A_129 = arith.index_cast %scan3A_45 : i32 to index
        %get3A_130 = arith.constant 80 : index
        %get3A_131 = tpu.vector_load %arg9[%get3A_129, %get3A_130] {strides = array<i32>} : memref<128x128xf32, #tpu.memory_space<vmem>>, vector<1x16xf32>,
        %get3A_132 = vector.shape_cast %get3A_131 : vector<1x16xf32> to vector<16xf32>
        %get3A_133 = arith.index_cast %scan3A_45 : i32 to index
        %get3A_134 = arith.constant 80 : index
        %get3A_135 = tpu.vector_load %arg10[%get3A_133, %get3A_134] {strides = array<i32>} : memref<128x128xf32, #tpu.memory_space<vmem>>, vector<1x16xf32>,
        %get3A_136 = vector.shape_cast %get3A_135 : vector<1x16xf32> to vector<16xf32>
        %add3A_137 = arith.addf %get3A_132, %get3A_136 : vector<16xf32>
        %max3A_138 = arith.constant 0.000000e+00 : f32
        %max3A_139 = vector.broadcast %max3A_138 : f32 to vector<16xf32>
        %max3A_140 = arith.maximumf %add3A_137, %max3A_139 : vector<16xf32>
        %swap3A_141 = arith.index_cast %scan3A_45 : i32 to index
        %swap3A_142 = arith.constant 80 : index
        %swap3A_143 = tpu.vector_load %arg9[%swap3A_141, %swap3A_142] {strides = array<i32>} : memref<128x128xf32, #tpu.memory_space<vmem>>, vector<1x16xf32>,
        %swap3A_144 = vector.shape_cast %swap3A_143 : vector<1x16xf32> to vector<16xf32>
        %swap3A_145 = vector.shape_cast %max3A_140 : vector<16xf32> to vector<1x16xf32>
        tpu.vector_store %arg9[%swap3A_141, %swap3A_142], %swap3A_145 {strides = array<i32>} : memref<128x128xf32, #tpu.memory_space<vmem>>, vector<1x16xf32>,
        %get3A_146 = arith.index_cast %scan3A_45 : i32 to index
        %get3A_147 = arith.constant 96 : index
        %get3A_148 = tpu.vector_load %arg9[%get3A_146, %get3A_147] {strides = array<i32>} : memref<128x128xf32, #tpu.memory_space<vmem>>, vector<1x16xf32>,
        %get3A_149 = vector.shape_cast %get3A_148 : vector<1x16xf32> to vector<16xf32>
        %get3A_150 = arith.index_cast %scan3A_45 : i32 to index
        %get3A_151 = arith.constant 96 : index
        %get3A_152 = tpu.vector_load %arg10[%get3A_150, %get3A_151] {strides = array<i32>} : memref<128x128xf32, #tpu.memory_space<vmem>>, vector<1x16xf32>,
        %get3A_153 = vector.shape_cast %get3A_152 : vector<1x16xf32> to vector<16xf32>
        %add3A_154 = arith.addf %get3A_149, %get3A_153 : vector<16xf32>
        %max3A_155 = arith.constant 0.000000e+00 : f32
        %max3A_156 = vector.broadcast %max3A_155 : f32 to vector<16xf32>
        %max3A_157 = arith.maximumf %add3A_154, %max3A_156 : vector<16xf32>
        %swap3A_158 = arith.index_cast %scan3A_45 : i32 to index
        %swap3A_159 = arith.constant 96 : index
        %swap3A_160 = tpu.vector_load %arg9[%swap3A_158, %swap3A_159] {strides = array<i32>} : memref<128x128xf32, #tpu.memory_space<vmem>>, vector<1x16xf32>,
        %swap3A_161 = vector.shape_cast %swap3A_160 : vector<1x16xf32> to vector<16xf32>
        %swap3A_162 = vector.shape_cast %max3A_157 : vector<16xf32> to vector<1x16xf32>
        tpu.vector_store %arg9[%swap3A_158, %swap3A_159], %swap3A_162 {strides = array<i32>} : memref<128x128xf32, #tpu.memory_space<vmem>>, vector<1x16xf32>,
        %get3A_163 = arith.index_cast %scan3A_45 : i32 to index
        %get3A_164 = arith.constant 112 : index
        %get3A_165 = tpu.vector_load %arg9[%get3A_163, %get3A_164] {strides = array<i32>} : memref<128x128xf32, #tpu.memory_space<vmem>>, vector<1x16xf32>,
        %get3A_166 = vector.shape_cast %get3A_165 : vector<1x16xf32> to vector<16xf32>
        %get3A_167 = arith.index_cast %scan3A_45 : i32 to index
        %get3A_168 = arith.constant 112 : index
        %get3A_169 = tpu.vector_load %arg10[%get3A_167, %get3A_168] {strides = array<i32>} : memref<128x128xf32, #tpu.memory_space<vmem>>, vector<1x16xf32>,
        %get3A_170 = vector.shape_cast %get3A_169 : vector<1x16xf32> to vector<16xf32>
        %add3A_171 = arith.addf %get3A_166, %get3A_170 : vector<16xf32>
        %max3A_172 = arith.constant 0.000000e+00 : f32
        %max3A_173 = vector.broadcast %max3A_172 : f32 to vector<16xf32>
        %max3A_174 = arith.maximumf %add3A_171, %max3A_173 : vector<16xf32>
        %swap3A_175 = arith.index_cast %scan3A_45 : i32 to index
        %swap3A_176 = arith.constant 112 : index
        %swap3A_177 = tpu.vector_load %arg9[%swap3A_175, %swap3A_176] {strides = array<i32>} : memref<128x128xf32, #tpu.memory_space<vmem>>, vector<1x16xf32>,
        %swap3A_178 = vector.shape_cast %swap3A_177 : vector<1x16xf32> to vector<16xf32>
        %swap3A_179 = vector.shape_cast %max3A_174 : vector<16xf32> to vector<1x16xf32>
        tpu.vector_store %arg9[%swap3A_175, %swap3A_176], %swap3A_179 {strides = array<i32>} : memref<128x128xf32, #tpu.memory_space<vmem>>, vector<1x16xf32>,
        %scan3A_180 = arith.constant 0 : i32
        scf.yield %scan3A_180 : i32
      }
      %scan3A_43 = arith.constant 128 : i32
      "tpu.region"() ({
        %run_scoped3A = tpu.sem_alloc : memref<!tpu.dma_semaphore, #tpu.memory_space<semaphore_mem>>
        %dma_start3A_45 = arith.constant 0 : i32
        %dma_start3A_46 = arith.constant 0 : i32
        %dma_start3A_47 = tpu.memref_slice %arg11[%dma_start3A_45, %dma_start3A_46] : memref<10240x128xf32, #tpu.memory_space<vmem_shared>> -> memref<10240x128xf32, #tpu.memory_space<vmem_shared>>
        tpu.enqueue_indirect_dma source(%arg9 : memref<128x128xf32, #tpu.memory_space<vmem>>) target(%dma_start3A_47 : memref<10240x128xf32, #tpu.memory_space<vmem_shared>>) offsets(%arg8 : memref<128xi32, #tpu.memory_space<vmem>>) semaphore(%run_scoped3A : memref<!tpu.dma_semaphore, #tpu.memory_space<semaphore_mem>>) {add = true}
        %dma_wait3A_48 = arith.constant 0 : i32
        %dma_wait3A_49 = arith.constant 0 : i32
        %dma_wait3A_50 = tpu.memref_slice %arg11[%dma_wait3A_48, %dma_wait3A_49] : memref<10240x128xf32, #tpu.memory_space<vmem_shared>> -> memref<10240x128xf32, #tpu.memory_space<vmem_shared>>
        tpu.wait_indirect_dma semaphore(%run_scoped3A : memref<!tpu.dma_semaphore, #tpu.memory_space<semaphore_mem>>) src(%arg9 : memref<128x128xf32, #tpu.memory_space<vmem>>) dst(%dma_wait3A_50 : memref<10240x128xf32, #tpu.memory_space<vmem_shared>>)
        tpu.yield
      }) : () -> ()
      %scan3A_44 = arith.constant 0 : i32
      scf.yield %scan3A_44 : i32
    }
    %scan3A_20 = arith.constant 79 : i32
    %barrier3A_21 = arith.constant 0 : index
    tpu.barrier barrier_id(%barrier3A_21)
    %mul3A_22 = arith.constant 640 : i32
    %mul3A_23 = arith.muli %arg1, %mul3A_22 : i32
    %mul3A_24 = arith.constant 640 : i32
    %mul3A_25 = arith.muli %arg1, %mul3A_24 : i32
    "tpu.region"() ({
      %run_scoped3A = tpu.sem_alloc : memref<!tpu.dma_semaphore, #tpu.memory_space<semaphore_mem>>
      %dma_start3A = arith.constant 0 : i32
      %dma_start3A_26 = tpu.memref_slice %arg6[%arg0, %mul3A_25, %dma_start3A] : memref<2x10240x128xf32, #tpu.memory_space<hbm>> -> memref<1x640x128xf32, #tpu.memory_space<hbm>>
      %dma_start3A_27 = tpu.memref_squeeze %dma_start3A_26 : memref<1x640x128xf32, #tpu.memory_space<hbm>> -> memref<640x128xf32, #tpu.memory_space<hbm>>
      %dma_start3A_28 = arith.constant 0 : i32
      %dma_start3A_29 = tpu.memref_slice %arg11[%mul3A_23, %dma_start3A_28] : memref<10240x128xf32, #tpu.memory_space<vmem_shared>> -> memref<640x128xf32, #tpu.memory_space<vmem_shared>>
      tpu.enqueue_dma source(%dma_start3A_29 : memref<640x128xf32, #tpu.memory_space<vmem_shared>>) target(%dma_start3A_27 : memref<640x128xf32, #tpu.memory_space<hbm>>) target_semaphore(%run_scoped3A : memref<!tpu.dma_semaphore, #tpu.memory_space<semaphore_mem>>)
      %dma_wait3A = arith.constant 0 : i32
      %dma_wait3A_30 = tpu.memref_slice %arg6[%arg0, %mul3A_25, %dma_wait3A] : memref<2x10240x128xf32, #tpu.memory_space<hbm>> -> memref<1x640x128xf32, #tpu.memory_space<hbm>>
      %dma_wait3A_31 = tpu.memref_squeeze %dma_wait3A_30 : memref<1x640x128xf32, #tpu.memory_space<hbm>> -> memref<640x128xf32, #tpu.memory_space<hbm>>
      %dma_wait3A_32 = arith.constant 0 : i32
      %dma_wait3A_33 = tpu.memref_slice %arg11[%mul3A_23, %dma_wait3A_32] : memref<10240x128xf32, #tpu.memory_space<vmem_shared>> -> memref<640x128xf32, #tpu.memory_space<vmem_shared>>
      tpu.wait_dma2 semaphore(%run_scoped3A : memref<!tpu.dma_semaphore, #tpu.memory_space<semaphore_mem>>) src(%dma_wait3A_33 : memref<640x128xf32, #tpu.memory_space<vmem_shared>>) dst(%dma_wait3A_31 : memref<640x128xf32, #tpu.memory_space<hbm>>)
      tpu.yield
    }) : () -> ()
    return
  }
}

#map = affine_map<(d0, d1) -> (0, 0)>
#map1 = affine_map<(d0, d1) -> (0)>
#map2 = affine_map<(d0, d1) -> (0, 0, 0)>
module attributes {stable_mosaic.version = 14 : i64} {
  func.func @_pool_body(%arg0: i32, %arg1: i32, %arg2: memref<10240x128xf32, #tpu.memory_space<hbm>>, %arg3: memref<10240xi32, #tpu.memory_space<hbm>>, %arg4: memref<32x72x128xf32, #tpu.memory_space<hbm>>, %arg5: memref<32x72x128xf32, #tpu.memory_space<hbm>>, %arg6: memref<32x72x16xf32, #tpu.memory_space<hbm>>, %arg7: memref<320x128xf32, #tpu.memory_space<vmem>>, %arg8: memref<336xi32, #tpu.memory_space<vmem>>, %arg9: memref<72x128xf32, #tpu.memory_space<vmem>>, %arg10: memref<72x128xf32, #tpu.memory_space<vmem>>, %arg11: memref<72x16xf32, #tpu.memory_space<vmem>>, %arg12: memref<!tpu.dma_semaphore, #tpu.memory_space<semaphore_mem>>) attributes {dimension_semantics = [#tpu.dimension_semantics<core_parallel>, #tpu.dimension_semantics<subcore_parallel>], iteration_bounds = array<i64: 2, 16>, scalar_prefetch = 0 : i64, scratch_operands = 6 : i64, tpu.core_type = #tpu.core_type<sc_vector_subcore>, window_params = [{transform_indices = #map}, {transform_indices = #map1}, {transform_indices = #map2}, {transform_indices = #map2}, {transform_indices = #map2}]} {
    %mul3A = arith.constant 2 : i32
    %mul3A_0 = arith.muli %arg1, %mul3A : i32
    %add3A = arith.addi %mul3A_0, %arg0 : i32
    %scan3A = arith.constant 0 : i32
    %scan3A_1 = arith.constant 0 : i32
    %scan3A_2 = arith.constant 72 : i32
    %scan3A_3 = arith.addi %scan3A_1, %scan3A_2 : i32
    %scan3A_4 = arith.constant 1 : i32
    %scan3A_5 = scf.for %scan3A_22 = %scan3A_1 to %scan3A_3 step %scan3A_4 iter_args(%scan3A_23 = %scan3A) -> (i32)  : i32 {
      %broadcast_in_dim3A = arith.constant 0.000000e+00 : f32
      %broadcast_in_dim3A_24 = vector.broadcast %broadcast_in_dim3A : f32 to vector<16xf32>
      %swap3A = arith.index_cast %scan3A_22 : i32 to index
      %swap3A_25 = arith.constant 0 : index
      %swap3A_26 = tpu.vector_load %arg9[%swap3A, %swap3A_25] {strides = array<i32>} : memref<72x128xf32, #tpu.memory_space<vmem>>, vector<1x16xf32>,
      %swap3A_27 = vector.shape_cast %swap3A_26 : vector<1x16xf32> to vector<16xf32>
      %swap3A_28 = vector.shape_cast %broadcast_in_dim3A_24 : vector<16xf32> to vector<1x16xf32>
      tpu.vector_store %arg9[%swap3A, %swap3A_25], %swap3A_28 {strides = array<i32>} : memref<72x128xf32, #tpu.memory_space<vmem>>, vector<1x16xf32>,
      %broadcast_in_dim3A_29 = arith.constant -3.40282347E+38 : f32
      %broadcast_in_dim3A_30 = vector.broadcast %broadcast_in_dim3A_29 : f32 to vector<16xf32>
      %swap3A_31 = arith.index_cast %scan3A_22 : i32 to index
      %swap3A_32 = arith.constant 0 : index
      %swap3A_33 = tpu.vector_load %arg10[%swap3A_31, %swap3A_32] {strides = array<i32>} : memref<72x128xf32, #tpu.memory_space<vmem>>, vector<1x16xf32>,
      %swap3A_34 = vector.shape_cast %swap3A_33 : vector<1x16xf32> to vector<16xf32>
      %swap3A_35 = vector.shape_cast %broadcast_in_dim3A_30 : vector<16xf32> to vector<1x16xf32>
      tpu.vector_store %arg10[%swap3A_31, %swap3A_32], %swap3A_35 {strides = array<i32>} : memref<72x128xf32, #tpu.memory_space<vmem>>, vector<1x16xf32>,
      %broadcast_in_dim3A_36 = arith.constant 0.000000e+00 : f32
      %broadcast_in_dim3A_37 = vector.broadcast %broadcast_in_dim3A_36 : f32 to vector<16xf32>
      %swap3A_38 = arith.index_cast %scan3A_22 : i32 to index
      %swap3A_39 = arith.constant 16 : index
      %swap3A_40 = tpu.vector_load %arg9[%swap3A_38, %swap3A_39] {strides = array<i32>} : memref<72x128xf32, #tpu.memory_space<vmem>>, vector<1x16xf32>,
      %swap3A_41 = vector.shape_cast %swap3A_40 : vector<1x16xf32> to vector<16xf32>
      %swap3A_42 = vector.shape_cast %broadcast_in_dim3A_37 : vector<16xf32> to vector<1x16xf32>
      tpu.vector_store %arg9[%swap3A_38, %swap3A_39], %swap3A_42 {strides = array<i32>} : memref<72x128xf32, #tpu.memory_space<vmem>>, vector<1x16xf32>,
      %broadcast_in_dim3A_43 = arith.constant -3.40282347E+38 : f32
      %broadcast_in_dim3A_44 = vector.broadcast %broadcast_in_dim3A_43 : f32 to vector<16xf32>
      %swap3A_45 = arith.index_cast %scan3A_22 : i32 to index
      %swap3A_46 = arith.constant 16 : index
      %swap3A_47 = tpu.vector_load %arg10[%swap3A_45, %swap3A_46] {strides = array<i32>} : memref<72x128xf32, #tpu.memory_space<vmem>>, vector<1x16xf32>,
      %swap3A_48 = vector.shape_cast %swap3A_47 : vector<1x16xf32> to vector<16xf32>
      %swap3A_49 = vector.shape_cast %broadcast_in_dim3A_44 : vector<16xf32> to vector<1x16xf32>
      tpu.vector_store %arg10[%swap3A_45, %swap3A_46], %swap3A_49 {strides = array<i32>} : memref<72x128xf32, #tpu.memory_space<vmem>>, vector<1x16xf32>,
      %broadcast_in_dim3A_50 = arith.constant 0.000000e+00 : f32
      %broadcast_in_dim3A_51 = vector.broadcast %broadcast_in_dim3A_50 : f32 to vector<16xf32>
      %swap3A_52 = arith.index_cast %scan3A_22 : i32 to index
      %swap3A_53 = arith.constant 32 : index
      %swap3A_54 = tpu.vector_load %arg9[%swap3A_52, %swap3A_53] {strides = array<i32>} : memref<72x128xf32, #tpu.memory_space<vmem>>, vector<1x16xf32>,
      %swap3A_55 = vector.shape_cast %swap3A_54 : vector<1x16xf32> to vector<16xf32>
      %swap3A_56 = vector.shape_cast %broadcast_in_dim3A_51 : vector<16xf32> to vector<1x16xf32>
      tpu.vector_store %arg9[%swap3A_52, %swap3A_53], %swap3A_56 {strides = array<i32>} : memref<72x128xf32, #tpu.memory_space<vmem>>, vector<1x16xf32>,
      %broadcast_in_dim3A_57 = arith.constant -3.40282347E+38 : f32
      %broadcast_in_dim3A_58 = vector.broadcast %broadcast_in_dim3A_57 : f32 to vector<16xf32>
      %swap3A_59 = arith.index_cast %scan3A_22 : i32 to index
      %swap3A_60 = arith.constant 32 : index
      %swap3A_61 = tpu.vector_load %arg10[%swap3A_59, %swap3A_60] {strides = array<i32>} : memref<72x128xf32, #tpu.memory_space<vmem>>, vector<1x16xf32>,
      %swap3A_62 = vector.shape_cast %swap3A_61 : vector<1x16xf32> to vector<16xf32>
      %swap3A_63 = vector.shape_cast %broadcast_in_dim3A_58 : vector<16xf32> to vector<1x16xf32>
      tpu.vector_store %arg10[%swap3A_59, %swap3A_60], %swap3A_63 {strides = array<i32>} : memref<72x128xf32, #tpu.memory_space<vmem>>, vector<1x16xf32>,
      %broadcast_in_dim3A_64 = arith.constant 0.000000e+00 : f32
      %broadcast_in_dim3A_65 = vector.broadcast %broadcast_in_dim3A_64 : f32 to vector<16xf32>
      %swap3A_66 = arith.index_cast %scan3A_22 : i32 to index
      %swap3A_67 = arith.constant 48 : index
      %swap3A_68 = tpu.vector_load %arg9[%swap3A_66, %swap3A_67] {strides = array<i32>} : memref<72x128xf32, #tpu.memory_space<vmem>>, vector<1x16xf32>,
      %swap3A_69 = vector.shape_cast %swap3A_68 : vector<1x16xf32> to vector<16xf32>
      %swap3A_70 = vector.shape_cast %broadcast_in_dim3A_65 : vector<16xf32> to vector<1x16xf32>
      tpu.vector_store %arg9[%swap3A_66, %swap3A_67], %swap3A_70 {strides = array<i32>} : memref<72x128xf32, #tpu.memory_space<vmem>>, vector<1x16xf32>,
      %broadcast_in_dim3A_71 = arith.constant -3.40282347E+38 : f32
      %broadcast_in_dim3A_72 = vector.broadcast %broadcast_in_dim3A_71 : f32 to vector<16xf32>
      %swap3A_73 = arith.index_cast %scan3A_22 : i32 to index
      %swap3A_74 = arith.constant 48 : index
      %swap3A_75 = tpu.vector_load %arg10[%swap3A_73, %swap3A_74] {strides = array<i32>} : memref<72x128xf32, #tpu.memory_space<vmem>>, vector<1x16xf32>,
      %swap3A_76 = vector.shape_cast %swap3A_75 : vector<1x16xf32> to vector<16xf32>
      %swap3A_77 = vector.shape_cast %broadcast_in_dim3A_72 : vector<16xf32> to vector<1x16xf32>
      tpu.vector_store %arg10[%swap3A_73, %swap3A_74], %swap3A_77 {strides = array<i32>} : memref<72x128xf32, #tpu.memory_space<vmem>>, vector<1x16xf32>,
      %broadcast_in_dim3A_78 = arith.constant 0.000000e+00 : f32
      %broadcast_in_dim3A_79 = vector.broadcast %broadcast_in_dim3A_78 : f32 to vector<16xf32>
      %swap3A_80 = arith.index_cast %scan3A_22 : i32 to index
      %swap3A_81 = arith.constant 64 : index
      %swap3A_82 = tpu.vector_load %arg9[%swap3A_80, %swap3A_81] {strides = array<i32>} : memref<72x128xf32, #tpu.memory_space<vmem>>, vector<1x16xf32>,
      %swap3A_83 = vector.shape_cast %swap3A_82 : vector<1x16xf32> to vector<16xf32>
      %swap3A_84 = vector.shape_cast %broadcast_in_dim3A_79 : vector<16xf32> to vector<1x16xf32>
      tpu.vector_store %arg9[%swap3A_80, %swap3A_81], %swap3A_84 {strides = array<i32>} : memref<72x128xf32, #tpu.memory_space<vmem>>, vector<1x16xf32>,
      %broadcast_in_dim3A_85 = arith.constant -3.40282347E+38 : f32
      %broadcast_in_dim3A_86 = vector.broadcast %broadcast_in_dim3A_85 : f32 to vector<16xf32>
      %swap3A_87 = arith.index_cast %scan3A_22 : i32 to index
      %swap3A_88 = arith.constant 64 : index
      %swap3A_89 = tpu.vector_load %arg10[%swap3A_87, %swap3A_88] {strides = array<i32>} : memref<72x128xf32, #tpu.memory_space<vmem>>, vector<1x16xf32>,
      %swap3A_90 = vector.shape_cast %swap3A_89 : vector<1x16xf32> to vector<16xf32>
      %swap3A_91 = vector.shape_cast %broadcast_in_dim3A_86 : vector<16xf32> to vector<1x16xf32>
      tpu.vector_store %arg10[%swap3A_87, %swap3A_88], %swap3A_91 {strides = array<i32>} : memref<72x128xf32, #tpu.memory_space<vmem>>, vector<1x16xf32>,
      %broadcast_in_dim3A_92 = arith.constant 0.000000e+00 : f32
      %broadcast_in_dim3A_93 = vector.broadcast %broadcast_in_dim3A_92 : f32 to vector<16xf32>
      %swap3A_94 = arith.index_cast %scan3A_22 : i32 to index
      %swap3A_95 = arith.constant 80 : index
      %swap3A_96 = tpu.vector_load %arg9[%swap3A_94, %swap3A_95] {strides = array<i32>} : memref<72x128xf32, #tpu.memory_space<vmem>>, vector<1x16xf32>,
      %swap3A_97 = vector.shape_cast %swap3A_96 : vector<1x16xf32> to vector<16xf32>
      %swap3A_98 = vector.shape_cast %broadcast_in_dim3A_93 : vector<16xf32> to vector<1x16xf32>
      tpu.vector_store %arg9[%swap3A_94, %swap3A_95], %swap3A_98 {strides = array<i32>} : memref<72x128xf32, #tpu.memory_space<vmem>>, vector<1x16xf32>,
      %broadcast_in_dim3A_99 = arith.constant -3.40282347E+38 : f32
      %broadcast_in_dim3A_100 = vector.broadcast %broadcast_in_dim3A_99 : f32 to vector<16xf32>
      %swap3A_101 = arith.index_cast %scan3A_22 : i32 to index
      %swap3A_102 = arith.constant 80 : index
      %swap3A_103 = tpu.vector_load %arg10[%swap3A_101, %swap3A_102] {strides = array<i32>} : memref<72x128xf32, #tpu.memory_space<vmem>>, vector<1x16xf32>,
      %swap3A_104 = vector.shape_cast %swap3A_103 : vector<1x16xf32> to vector<16xf32>
      %swap3A_105 = vector.shape_cast %broadcast_in_dim3A_100 : vector<16xf32> to vector<1x16xf32>
      tpu.vector_store %arg10[%swap3A_101, %swap3A_102], %swap3A_105 {strides = array<i32>} : memref<72x128xf32, #tpu.memory_space<vmem>>, vector<1x16xf32>,
      %broadcast_in_dim3A_106 = arith.constant 0.000000e+00 : f32
      %broadcast_in_dim3A_107 = vector.broadcast %broadcast_in_dim3A_106 : f32 to vector<16xf32>
      %swap3A_108 = arith.index_cast %scan3A_22 : i32 to index
      %swap3A_109 = arith.constant 96 : index
      %swap3A_110 = tpu.vector_load %arg9[%swap3A_108, %swap3A_109] {strides = array<i32>} : memref<72x128xf32, #tpu.memory_space<vmem>>, vector<1x16xf32>,
      %swap3A_111 = vector.shape_cast %swap3A_110 : vector<1x16xf32> to vector<16xf32>
      %swap3A_112 = vector.shape_cast %broadcast_in_dim3A_107 : vector<16xf32> to vector<1x16xf32>
      tpu.vector_store %arg9[%swap3A_108, %swap3A_109], %swap3A_112 {strides = array<i32>} : memref<72x128xf32, #tpu.memory_space<vmem>>, vector<1x16xf32>,
      %broadcast_in_dim3A_113 = arith.constant -3.40282347E+38 : f32
      %broadcast_in_dim3A_114 = vector.broadcast %broadcast_in_dim3A_113 : f32 to vector<16xf32>
      %swap3A_115 = arith.index_cast %scan3A_22 : i32 to index
      %swap3A_116 = arith.constant 96 : index
      %swap3A_117 = tpu.vector_load %arg10[%swap3A_115, %swap3A_116] {strides = array<i32>} : memref<72x128xf32, #tpu.memory_space<vmem>>, vector<1x16xf32>,
      %swap3A_118 = vector.shape_cast %swap3A_117 : vector<1x16xf32> to vector<16xf32>
      %swap3A_119 = vector.shape_cast %broadcast_in_dim3A_114 : vector<16xf32> to vector<1x16xf32>
      tpu.vector_store %arg10[%swap3A_115, %swap3A_116], %swap3A_119 {strides = array<i32>} : memref<72x128xf32, #tpu.memory_space<vmem>>, vector<1x16xf32>,
      %broadcast_in_dim3A_120 = arith.constant 0.000000e+00 : f32
      %broadcast_in_dim3A_121 = vector.broadcast %broadcast_in_dim3A_120 : f32 to vector<16xf32>
      %swap3A_122 = arith.index_cast %scan3A_22 : i32 to index
      %swap3A_123 = arith.constant 112 : index
      %swap3A_124 = tpu.vector_load %arg9[%swap3A_122, %swap3A_123] {strides = array<i32>} : memref<72x128xf32, #tpu.memory_space<vmem>>, vector<1x16xf32>,
      %swap3A_125 = vector.shape_cast %swap3A_124 : vector<1x16xf32> to vector<16xf32>
      %swap3A_126 = vector.shape_cast %broadcast_in_dim3A_121 : vector<16xf32> to vector<1x16xf32>
      tpu.vector_store %arg9[%swap3A_122, %swap3A_123], %swap3A_126 {strides = array<i32>} : memref<72x128xf32, #tpu.memory_space<vmem>>, vector<1x16xf32>,
      %broadcast_in_dim3A_127 = arith.constant -3.40282347E+38 : f32
      %broadcast_in_dim3A_128 = vector.broadcast %broadcast_in_dim3A_127 : f32 to vector<16xf32>
      %swap3A_129 = arith.index_cast %scan3A_22 : i32 to index
      %swap3A_130 = arith.constant 112 : index
      %swap3A_131 = tpu.vector_load %arg10[%swap3A_129, %swap3A_130] {strides = array<i32>} : memref<72x128xf32, #tpu.memory_space<vmem>>, vector<1x16xf32>,
      %swap3A_132 = vector.shape_cast %swap3A_131 : vector<1x16xf32> to vector<16xf32>
      %swap3A_133 = vector.shape_cast %broadcast_in_dim3A_128 : vector<16xf32> to vector<1x16xf32>
      tpu.vector_store %arg10[%swap3A_129, %swap3A_130], %swap3A_133 {strides = array<i32>} : memref<72x128xf32, #tpu.memory_space<vmem>>, vector<1x16xf32>,
      %broadcast_in_dim3A_134 = arith.constant 0.000000e+00 : f32
      %broadcast_in_dim3A_135 = vector.broadcast %broadcast_in_dim3A_134 : f32 to vector<16xf32>
      %swap3A_136 = arith.index_cast %scan3A_22 : i32 to index
      %swap3A_137 = arith.constant 0 : index
      %swap3A_138 = tpu.vector_load %arg11[%swap3A_136, %swap3A_137] {strides = array<i32>} : memref<72x16xf32, #tpu.memory_space<vmem>>, vector<1x16xf32>,
      %swap3A_139 = vector.shape_cast %swap3A_138 : vector<1x16xf32> to vector<16xf32>
      %swap3A_140 = vector.shape_cast %broadcast_in_dim3A_135 : vector<16xf32> to vector<1x16xf32>
      tpu.vector_store %arg11[%swap3A_136, %swap3A_137], %swap3A_140 {strides = array<i32>} : memref<72x16xf32, #tpu.memory_space<vmem>>, vector<1x16xf32>,
      %scan3A_141 = arith.constant 0 : i32
      scf.yield %scan3A_141 : i32
    }
    %scan3A_6 = arith.constant 72 : i32
    %mul3A_7 = arith.constant 320 : i32
    %mul3A_8 = arith.muli %add3A, %mul3A_7 : i32
    "tpu.region"() ({
      %run_scoped3A = tpu.sem_alloc : memref<!tpu.dma_semaphore, #tpu.memory_space<semaphore_mem>>
      %dma_start3A_22 = arith.constant 0 : i32
      %dma_start3A_23 = tpu.memref_slice %arg8[%dma_start3A_22] : memref<336xi32, #tpu.memory_space<vmem>> -> memref<320xi32, #tpu.memory_space<vmem>>
      %dma_start3A_24 = tpu.memref_slice %arg3[%mul3A_8] : memref<10240xi32, #tpu.memory_space<hbm>> -> memref<320xi32, #tpu.memory_space<hbm>>
      %dma_start3A_25 = arith.constant 0 : i32
      %dma_start3A_26 = tpu.memref_slice %arg8[%dma_start3A_25] : memref<336xi32, #tpu.memory_space<vmem>> -> memref<320xi32, #tpu.memory_space<vmem>>
      %dma_start3A_27 = tpu.memref_slice %arg3[%mul3A_8] : memref<10240xi32, #tpu.memory_space<hbm>> -> memref<320xi32, #tpu.memory_space<hbm>>
      tpu.enqueue_dma source(%dma_start3A_27 : memref<320xi32, #tpu.memory_space<hbm>>) target(%dma_start3A_26 : memref<320xi32, #tpu.memory_space<vmem>>) target_semaphore(%run_scoped3A : memref<!tpu.dma_semaphore, #tpu.memory_space<semaphore_mem>>)
      %dma_wait3A_28 = arith.constant 0 : i32
      %dma_wait3A_29 = tpu.memref_slice %arg8[%dma_wait3A_28] : memref<336xi32, #tpu.memory_space<vmem>> -> memref<320xi32, #tpu.memory_space<vmem>>
      %dma_wait3A_30 = tpu.memref_slice %arg3[%mul3A_8] : memref<10240xi32, #tpu.memory_space<hbm>> -> memref<320xi32, #tpu.memory_space<hbm>>
      %dma_wait3A_31 = arith.constant 0 : i32
      %dma_wait3A_32 = tpu.memref_slice %arg8[%dma_wait3A_31] : memref<336xi32, #tpu.memory_space<vmem>> -> memref<320xi32, #tpu.memory_space<vmem>>
      %dma_wait3A_33 = tpu.memref_slice %arg3[%mul3A_8] : memref<10240xi32, #tpu.memory_space<hbm>> -> memref<320xi32, #tpu.memory_space<hbm>>
      tpu.wait_dma2 semaphore(%run_scoped3A : memref<!tpu.dma_semaphore, #tpu.memory_space<semaphore_mem>>) src(%dma_wait3A_33 : memref<320xi32, #tpu.memory_space<hbm>>) dst(%dma_wait3A_32 : memref<320xi32, #tpu.memory_space<vmem>>)
      tpu.yield
    }) : () -> ()
    %dma_start3A = arith.constant 0 : i32
    %dma_start3A_9 = tpu.memref_slice %arg2[%mul3A_8, %dma_start3A] : memref<10240x128xf32, #tpu.memory_space<hbm>> -> memref<320x128xf32, #tpu.memory_space<hbm>>
    %dma_start3A_10 = arith.constant 0 : i32
    %dma_start3A_11 = tpu.memref_slice %arg2[%mul3A_8, %dma_start3A_10] : memref<10240x128xf32, #tpu.memory_space<hbm>> -> memref<320x128xf32, #tpu.memory_space<hbm>>
    tpu.enqueue_dma source(%dma_start3A_11 : memref<320x128xf32, #tpu.memory_space<hbm>>) target(%arg7 : memref<320x128xf32, #tpu.memory_space<vmem>>) target_semaphore(%arg12 : memref<!tpu.dma_semaphore, #tpu.memory_space<semaphore_mem>>)
    %dma_wait3A = arith.constant 0 : i32
    %dma_wait3A_12 = tpu.memref_slice %arg2[%mul3A_8, %dma_wait3A] : memref<10240x128xf32, #tpu.memory_space<hbm>> -> memref<320x128xf32, #tpu.memory_space<hbm>>
    %dma_wait3A_13 = arith.constant 0 : i32
    %dma_wait3A_14 = tpu.memref_slice %arg2[%mul3A_8, %dma_wait3A_13] : memref<10240x128xf32, #tpu.memory_space<hbm>> -> memref<320x128xf32, #tpu.memory_space<hbm>>
    tpu.wait_dma2 semaphore(%arg12 : memref<!tpu.dma_semaphore, #tpu.memory_space<semaphore_mem>>) src(%dma_wait3A_14 : memref<320x128xf32, #tpu.memory_space<hbm>>) dst(%arg7 : memref<320x128xf32, #tpu.memory_space<vmem>>)
    %scan3A_15 = arith.constant 0 : i32
    %scan3A_16 = arith.constant 0 : i32
    %scan3A_17 = arith.constant 320 : i32
    %scan3A_18 = arith.addi %scan3A_16, %scan3A_17 : i32
    %scan3A_19 = arith.constant 1 : i32
    %scan3A_20 = scf.for %scan3A_22 = %scan3A_16 to %scan3A_18 step %scan3A_19 iter_args(%scan3A_23 = %scan3A_15) -> (i32)  : i32 {
      %get3A = arith.index_cast %scan3A_22 : i32 to index
      %get3A_24 = tpu.vector_load %arg8[%get3A] {strides = array<i32>} : memref<336xi32, #tpu.memory_space<vmem>>, vector<16xi32>,
      %get3A_25 = vector.shape_cast %get3A_24 : vector<16xi32> to vector<16xi32>
      %slice3A = vector.extract_strided_slice %get3A_25 {offsets = [0], sizes = [1], strides = [1]} : vector<16xi32> to vector<1xi32>
      %squeeze3A = vector.extract %slice3A[0] : i32 from vector<1xi32>
      %get3A_26 = arith.index_cast %scan3A_22 : i32 to index
      %get3A_27 = arith.constant 0 : index
      %get3A_28 = tpu.vector_load %arg7[%get3A_26, %get3A_27] {strides = array<i32>} : memref<320x128xf32, #tpu.memory_space<vmem>>, vector<1x16xf32>,
      %get3A_29 = vector.shape_cast %get3A_28 : vector<1x16xf32> to vector<16xf32>
      %get3A_30 = arith.index_cast %squeeze3A : i32 to index
      %get3A_31 = arith.constant 0 : index
      %get3A_32 = tpu.vector_load %arg9[%get3A_30, %get3A_31] {strides = array<i32>} : memref<72x128xf32, #tpu.memory_space<vmem>>, vector<1x16xf32>,
      %get3A_33 = vector.shape_cast %get3A_32 : vector<1x16xf32> to vector<16xf32>
      %add3A_34 = arith.addf %get3A_33, %get3A_29 : vector<16xf32>
      %swap3A = arith.index_cast %squeeze3A : i32 to index
      %swap3A_35 = arith.constant 0 : index
      %swap3A_36 = tpu.vector_load %arg9[%swap3A, %swap3A_35] {strides = array<i32>} : memref<72x128xf32, #tpu.memory_space<vmem>>, vector<1x16xf32>,
      %swap3A_37 = vector.shape_cast %swap3A_36 : vector<1x16xf32> to vector<16xf32>
      %swap3A_38 = vector.shape_cast %add3A_34 : vector<16xf32> to vector<1x16xf32>
      tpu.vector_store %arg9[%swap3A, %swap3A_35], %swap3A_38 {strides = array<i32>} : memref<72x128xf32, #tpu.memory_space<vmem>>, vector<1x16xf32>,
      %get3A_39 = arith.index_cast %squeeze3A : i32 to index
      %get3A_40 = arith.constant 0 : index
      %get3A_41 = tpu.vector_load %arg10[%get3A_39, %get3A_40] {strides = array<i32>} : memref<72x128xf32, #tpu.memory_space<vmem>>, vector<1x16xf32>,
      %get3A_42 = vector.shape_cast %get3A_41 : vector<1x16xf32> to vector<16xf32>
      %max3A = arith.maximumf %get3A_42, %get3A_29 : vector<16xf32>
      %swap3A_43 = arith.index_cast %squeeze3A : i32 to index
      %swap3A_44 = arith.constant 0 : index
      %swap3A_45 = tpu.vector_load %arg10[%swap3A_43, %swap3A_44] {strides = array<i32>} : memref<72x128xf32, #tpu.memory_space<vmem>>, vector<1x16xf32>,
      %swap3A_46 = vector.shape_cast %swap3A_45 : vector<1x16xf32> to vector<16xf32>
      %swap3A_47 = vector.shape_cast %max3A : vector<16xf32> to vector<1x16xf32>
      tpu.vector_store %arg10[%swap3A_43, %swap3A_44], %swap3A_47 {strides = array<i32>} : memref<72x128xf32, #tpu.memory_space<vmem>>, vector<1x16xf32>,
      %get3A_48 = arith.index_cast %scan3A_22 : i32 to index
      %get3A_49 = arith.constant 16 : index
      %get3A_50 = tpu.vector_load %arg7[%get3A_48, %get3A_49] {strides = array<i32>} : memref<320x128xf32, #tpu.memory_space<vmem>>, vector<1x16xf32>,
      %get3A_51 = vector.shape_cast %get3A_50 : vector<1x16xf32> to vector<16xf32>
      %get3A_52 = arith.index_cast %squeeze3A : i32 to index
      %get3A_53 = arith.constant 16 : index
      %get3A_54 = tpu.vector_load %arg9[%get3A_52, %get3A_53] {strides = array<i32>} : memref<72x128xf32, #tpu.memory_space<vmem>>, vector<1x16xf32>,
      %get3A_55 = vector.shape_cast %get3A_54 : vector<1x16xf32> to vector<16xf32>
      %add3A_56 = arith.addf %get3A_55, %get3A_51 : vector<16xf32>
      %swap3A_57 = arith.index_cast %squeeze3A : i32 to index
      %swap3A_58 = arith.constant 16 : index
      %swap3A_59 = tpu.vector_load %arg9[%swap3A_57, %swap3A_58] {strides = array<i32>} : memref<72x128xf32, #tpu.memory_space<vmem>>, vector<1x16xf32>,
      %swap3A_60 = vector.shape_cast %swap3A_59 : vector<1x16xf32> to vector<16xf32>
      %swap3A_61 = vector.shape_cast %add3A_56 : vector<16xf32> to vector<1x16xf32>
      tpu.vector_store %arg9[%swap3A_57, %swap3A_58], %swap3A_61 {strides = array<i32>} : memref<72x128xf32, #tpu.memory_space<vmem>>, vector<1x16xf32>,
      %get3A_62 = arith.index_cast %squeeze3A : i32 to index
      %get3A_63 = arith.constant 16 : index
      %get3A_64 = tpu.vector_load %arg10[%get3A_62, %get3A_63] {strides = array<i32>} : memref<72x128xf32, #tpu.memory_space<vmem>>, vector<1x16xf32>,
      %get3A_65 = vector.shape_cast %get3A_64 : vector<1x16xf32> to vector<16xf32>
      %max3A_66 = arith.maximumf %get3A_65, %get3A_51 : vector<16xf32>
      %swap3A_67 = arith.index_cast %squeeze3A : i32 to index
      %swap3A_68 = arith.constant 16 : index
      %swap3A_69 = tpu.vector_load %arg10[%swap3A_67, %swap3A_68] {strides = array<i32>} : memref<72x128xf32, #tpu.memory_space<vmem>>, vector<1x16xf32>,
      %swap3A_70 = vector.shape_cast %swap3A_69 : vector<1x16xf32> to vector<16xf32>
      %swap3A_71 = vector.shape_cast %max3A_66 : vector<16xf32> to vector<1x16xf32>
      tpu.vector_store %arg10[%swap3A_67, %swap3A_68], %swap3A_71 {strides = array<i32>} : memref<72x128xf32, #tpu.memory_space<vmem>>, vector<1x16xf32>,
      %get3A_72 = arith.index_cast %scan3A_22 : i32 to index
      %get3A_73 = arith.constant 32 : index
      %get3A_74 = tpu.vector_load %arg7[%get3A_72, %get3A_73] {strides = array<i32>} : memref<320x128xf32, #tpu.memory_space<vmem>>, vector<1x16xf32>,
      %get3A_75 = vector.shape_cast %get3A_74 : vector<1x16xf32> to vector<16xf32>
      %get3A_76 = arith.index_cast %squeeze3A : i32 to index
      %get3A_77 = arith.constant 32 : index
      %get3A_78 = tpu.vector_load %arg9[%get3A_76, %get3A_77] {strides = array<i32>} : memref<72x128xf32, #tpu.memory_space<vmem>>, vector<1x16xf32>,
      %get3A_79 = vector.shape_cast %get3A_78 : vector<1x16xf32> to vector<16xf32>
      %add3A_80 = arith.addf %get3A_79, %get3A_75 : vector<16xf32>
      %swap3A_81 = arith.index_cast %squeeze3A : i32 to index
      %swap3A_82 = arith.constant 32 : index
      %swap3A_83 = tpu.vector_load %arg9[%swap3A_81, %swap3A_82] {strides = array<i32>} : memref<72x128xf32, #tpu.memory_space<vmem>>, vector<1x16xf32>,
      %swap3A_84 = vector.shape_cast %swap3A_83 : vector<1x16xf32> to vector<16xf32>
      %swap3A_85 = vector.shape_cast %add3A_80 : vector<16xf32> to vector<1x16xf32>
      tpu.vector_store %arg9[%swap3A_81, %swap3A_82], %swap3A_85 {strides = array<i32>} : memref<72x128xf32, #tpu.memory_space<vmem>>, vector<1x16xf32>,
      %get3A_86 = arith.index_cast %squeeze3A : i32 to index
      %get3A_87 = arith.constant 32 : index
      %get3A_88 = tpu.vector_load %arg10[%get3A_86, %get3A_87] {strides = array<i32>} : memref<72x128xf32, #tpu.memory_space<vmem>>, vector<1x16xf32>,
      %get3A_89 = vector.shape_cast %get3A_88 : vector<1x16xf32> to vector<16xf32>
      %max3A_90 = arith.maximumf %get3A_89, %get3A_75 : vector<16xf32>
      %swap3A_91 = arith.index_cast %squeeze3A : i32 to index
      %swap3A_92 = arith.constant 32 : index
      %swap3A_93 = tpu.vector_load %arg10[%swap3A_91, %swap3A_92] {strides = array<i32>} : memref<72x128xf32, #tpu.memory_space<vmem>>, vector<1x16xf32>,
      %swap3A_94 = vector.shape_cast %swap3A_93 : vector<1x16xf32> to vector<16xf32>
      %swap3A_95 = vector.shape_cast %max3A_90 : vector<16xf32> to vector<1x16xf32>
      tpu.vector_store %arg10[%swap3A_91, %swap3A_92], %swap3A_95 {strides = array<i32>} : memref<72x128xf32, #tpu.memory_space<vmem>>, vector<1x16xf32>,
      %get3A_96 = arith.index_cast %scan3A_22 : i32 to index
      %get3A_97 = arith.constant 48 : index
      %get3A_98 = tpu.vector_load %arg7[%get3A_96, %get3A_97] {strides = array<i32>} : memref<320x128xf32, #tpu.memory_space<vmem>>, vector<1x16xf32>,
      %get3A_99 = vector.shape_cast %get3A_98 : vector<1x16xf32> to vector<16xf32>
      %get3A_100 = arith.index_cast %squeeze3A : i32 to index
      %get3A_101 = arith.constant 48 : index
      %get3A_102 = tpu.vector_load %arg9[%get3A_100, %get3A_101] {strides = array<i32>} : memref<72x128xf32, #tpu.memory_space<vmem>>, vector<1x16xf32>,
      %get3A_103 = vector.shape_cast %get3A_102 : vector<1x16xf32> to vector<16xf32>
      %add3A_104 = arith.addf %get3A_103, %get3A_99 : vector<16xf32>
      %swap3A_105 = arith.index_cast %squeeze3A : i32 to index
      %swap3A_106 = arith.constant 48 : index
      %swap3A_107 = tpu.vector_load %arg9[%swap3A_105, %swap3A_106] {strides = array<i32>} : memref<72x128xf32, #tpu.memory_space<vmem>>, vector<1x16xf32>,
      %swap3A_108 = vector.shape_cast %swap3A_107 : vector<1x16xf32> to vector<16xf32>
      %swap3A_109 = vector.shape_cast %add3A_104 : vector<16xf32> to vector<1x16xf32>
      tpu.vector_store %arg9[%swap3A_105, %swap3A_106], %swap3A_109 {strides = array<i32>} : memref<72x128xf32, #tpu.memory_space<vmem>>, vector<1x16xf32>,
      %get3A_110 = arith.index_cast %squeeze3A : i32 to index
      %get3A_111 = arith.constant 48 : index
      %get3A_112 = tpu.vector_load %arg10[%get3A_110, %get3A_111] {strides = array<i32>} : memref<72x128xf32, #tpu.memory_space<vmem>>, vector<1x16xf32>,
      %get3A_113 = vector.shape_cast %get3A_112 : vector<1x16xf32> to vector<16xf32>
      %max3A_114 = arith.maximumf %get3A_113, %get3A_99 : vector<16xf32>
      %swap3A_115 = arith.index_cast %squeeze3A : i32 to index
      %swap3A_116 = arith.constant 48 : index
      %swap3A_117 = tpu.vector_load %arg10[%swap3A_115, %swap3A_116] {strides = array<i32>} : memref<72x128xf32, #tpu.memory_space<vmem>>, vector<1x16xf32>,
      %swap3A_118 = vector.shape_cast %swap3A_117 : vector<1x16xf32> to vector<16xf32>
      %swap3A_119 = vector.shape_cast %max3A_114 : vector<16xf32> to vector<1x16xf32>
      tpu.vector_store %arg10[%swap3A_115, %swap3A_116], %swap3A_119 {strides = array<i32>} : memref<72x128xf32, #tpu.memory_space<vmem>>, vector<1x16xf32>,
      %get3A_120 = arith.index_cast %scan3A_22 : i32 to index
      %get3A_121 = arith.constant 64 : index
      %get3A_122 = tpu.vector_load %arg7[%get3A_120, %get3A_121] {strides = array<i32>} : memref<320x128xf32, #tpu.memory_space<vmem>>, vector<1x16xf32>,
      %get3A_123 = vector.shape_cast %get3A_122 : vector<1x16xf32> to vector<16xf32>
      %get3A_124 = arith.index_cast %squeeze3A : i32 to index
      %get3A_125 = arith.constant 64 : index
      %get3A_126 = tpu.vector_load %arg9[%get3A_124, %get3A_125] {strides = array<i32>} : memref<72x128xf32, #tpu.memory_space<vmem>>, vector<1x16xf32>,
      %get3A_127 = vector.shape_cast %get3A_126 : vector<1x16xf32> to vector<16xf32>
      %add3A_128 = arith.addf %get3A_127, %get3A_123 : vector<16xf32>
      %swap3A_129 = arith.index_cast %squeeze3A : i32 to index
      %swap3A_130 = arith.constant 64 : index
      %swap3A_131 = tpu.vector_load %arg9[%swap3A_129, %swap3A_130] {strides = array<i32>} : memref<72x128xf32, #tpu.memory_space<vmem>>, vector<1x16xf32>,
      %swap3A_132 = vector.shape_cast %swap3A_131 : vector<1x16xf32> to vector<16xf32>
      %swap3A_133 = vector.shape_cast %add3A_128 : vector<16xf32> to vector<1x16xf32>
      tpu.vector_store %arg9[%swap3A_129, %swap3A_130], %swap3A_133 {strides = array<i32>} : memref<72x128xf32, #tpu.memory_space<vmem>>, vector<1x16xf32>,
      %get3A_134 = arith.index_cast %squeeze3A : i32 to index
      %get3A_135 = arith.constant 64 : index
      %get3A_136 = tpu.vector_load %arg10[%get3A_134, %get3A_135] {strides = array<i32>} : memref<72x128xf32, #tpu.memory_space<vmem>>, vector<1x16xf32>,
      %get3A_137 = vector.shape_cast %get3A_136 : vector<1x16xf32> to vector<16xf32>
      %max3A_138 = arith.maximumf %get3A_137, %get3A_123 : vector<16xf32>
      %swap3A_139 = arith.index_cast %squeeze3A : i32 to index
      %swap3A_140 = arith.constant 64 : index
      %swap3A_141 = tpu.vector_load %arg10[%swap3A_139, %swap3A_140] {strides = array<i32>} : memref<72x128xf32, #tpu.memory_space<vmem>>, vector<1x16xf32>,
      %swap3A_142 = vector.shape_cast %swap3A_141 : vector<1x16xf32> to vector<16xf32>
      %swap3A_143 = vector.shape_cast %max3A_138 : vector<16xf32> to vector<1x16xf32>
      tpu.vector_store %arg10[%swap3A_139, %swap3A_140], %swap3A_143 {strides = array<i32>} : memref<72x128xf32, #tpu.memory_space<vmem>>, vector<1x16xf32>,
      %get3A_144 = arith.index_cast %scan3A_22 : i32 to index
      %get3A_145 = arith.constant 80 : index
      %get3A_146 = tpu.vector_load %arg7[%get3A_144, %get3A_145] {strides = array<i32>} : memref<320x128xf32, #tpu.memory_space<vmem>>, vector<1x16xf32>,
      %get3A_147 = vector.shape_cast %get3A_146 : vector<1x16xf32> to vector<16xf32>
      %get3A_148 = arith.index_cast %squeeze3A : i32 to index
      %get3A_149 = arith.constant 80 : index
      %get3A_150 = tpu.vector_load %arg9[%get3A_148, %get3A_149] {strides = array<i32>} : memref<72x128xf32, #tpu.memory_space<vmem>>, vector<1x16xf32>,
      %get3A_151 = vector.shape_cast %get3A_150 : vector<1x16xf32> to vector<16xf32>
      %add3A_152 = arith.addf %get3A_151, %get3A_147 : vector<16xf32>
      %swap3A_153 = arith.index_cast %squeeze3A : i32 to index
      %swap3A_154 = arith.constant 80 : index
      %swap3A_155 = tpu.vector_load %arg9[%swap3A_153, %swap3A_154] {strides = array<i32>} : memref<72x128xf32, #tpu.memory_space<vmem>>, vector<1x16xf32>,
      %swap3A_156 = vector.shape_cast %swap3A_155 : vector<1x16xf32> to vector<16xf32>
      %swap3A_157 = vector.shape_cast %add3A_152 : vector<16xf32> to vector<1x16xf32>
      tpu.vector_store %arg9[%swap3A_153, %swap3A_154], %swap3A_157 {strides = array<i32>} : memref<72x128xf32, #tpu.memory_space<vmem>>, vector<1x16xf32>,
      %get3A_158 = arith.index_cast %squeeze3A : i32 to index
      %get3A_159 = arith.constant 80 : index
      %get3A_160 = tpu.vector_load %arg10[%get3A_158, %get3A_159] {strides = array<i32>} : memref<72x128xf32, #tpu.memory_space<vmem>>, vector<1x16xf32>,
      %get3A_161 = vector.shape_cast %get3A_160 : vector<1x16xf32> to vector<16xf32>
      %max3A_162 = arith.maximumf %get3A_161, %get3A_147 : vector<16xf32>
      %swap3A_163 = arith.index_cast %squeeze3A : i32 to index
      %swap3A_164 = arith.constant 80 : index
      %swap3A_165 = tpu.vector_load %arg10[%swap3A_163, %swap3A_164] {strides = array<i32>} : memref<72x128xf32, #tpu.memory_space<vmem>>, vector<1x16xf32>,
      %swap3A_166 = vector.shape_cast %swap3A_165 : vector<1x16xf32> to vector<16xf32>
      %swap3A_167 = vector.shape_cast %max3A_162 : vector<16xf32> to vector<1x16xf32>
      tpu.vector_store %arg10[%swap3A_163, %swap3A_164], %swap3A_167 {strides = array<i32>} : memref<72x128xf32, #tpu.memory_space<vmem>>, vector<1x16xf32>,
      %get3A_168 = arith.index_cast %scan3A_22 : i32 to index
      %get3A_169 = arith.constant 96 : index
      %get3A_170 = tpu.vector_load %arg7[%get3A_168, %get3A_169] {strides = array<i32>} : memref<320x128xf32, #tpu.memory_space<vmem>>, vector<1x16xf32>,
      %get3A_171 = vector.shape_cast %get3A_170 : vector<1x16xf32> to vector<16xf32>
      %get3A_172 = arith.index_cast %squeeze3A : i32 to index
      %get3A_173 = arith.constant 96 : index
      %get3A_174 = tpu.vector_load %arg9[%get3A_172, %get3A_173] {strides = array<i32>} : memref<72x128xf32, #tpu.memory_space<vmem>>, vector<1x16xf32>,
      %get3A_175 = vector.shape_cast %get3A_174 : vector<1x16xf32> to vector<16xf32>
      %add3A_176 = arith.addf %get3A_175, %get3A_171 : vector<16xf32>
      %swap3A_177 = arith.index_cast %squeeze3A : i32 to index
      %swap3A_178 = arith.constant 96 : index
      %swap3A_179 = tpu.vector_load %arg9[%swap3A_177, %swap3A_178] {strides = array<i32>} : memref<72x128xf32, #tpu.memory_space<vmem>>, vector<1x16xf32>,
      %swap3A_180 = vector.shape_cast %swap3A_179 : vector<1x16xf32> to vector<16xf32>
      %swap3A_181 = vector.shape_cast %add3A_176 : vector<16xf32> to vector<1x16xf32>
      tpu.vector_store %arg9[%swap3A_177, %swap3A_178], %swap3A_181 {strides = array<i32>} : memref<72x128xf32, #tpu.memory_space<vmem>>, vector<1x16xf32>,
      %get3A_182 = arith.index_cast %squeeze3A : i32 to index
      %get3A_183 = arith.constant 96 : index
      %get3A_184 = tpu.vector_load %arg10[%get3A_182, %get3A_183] {strides = array<i32>} : memref<72x128xf32, #tpu.memory_space<vmem>>, vector<1x16xf32>,
      %get3A_185 = vector.shape_cast %get3A_184 : vector<1x16xf32> to vector<16xf32>
      %max3A_186 = arith.maximumf %get3A_185, %get3A_171 : vector<16xf32>
      %swap3A_187 = arith.index_cast %squeeze3A : i32 to index
      %swap3A_188 = arith.constant 96 : index
      %swap3A_189 = tpu.vector_load %arg10[%swap3A_187, %swap3A_188] {strides = array<i32>} : memref<72x128xf32, #tpu.memory_space<vmem>>, vector<1x16xf32>,
      %swap3A_190 = vector.shape_cast %swap3A_189 : vector<1x16xf32> to vector<16xf32>
      %swap3A_191 = vector.shape_cast %max3A_186 : vector<16xf32> to vector<1x16xf32>
      tpu.vector_store %arg10[%swap3A_187, %swap3A_188], %swap3A_191 {strides = array<i32>} : memref<72x128xf32, #tpu.memory_space<vmem>>, vector<1x16xf32>,
      %get3A_192 = arith.index_cast %scan3A_22 : i32 to index
      %get3A_193 = arith.constant 112 : index
      %get3A_194 = tpu.vector_load %arg7[%get3A_192, %get3A_193] {strides = array<i32>} : memref<320x128xf32, #tpu.memory_space<vmem>>, vector<1x16xf32>,
      %get3A_195 = vector.shape_cast %get3A_194 : vector<1x16xf32> to vector<16xf32>
      %get3A_196 = arith.index_cast %squeeze3A : i32 to index
      %get3A_197 = arith.constant 112 : index
      %get3A_198 = tpu.vector_load %arg9[%get3A_196, %get3A_197] {strides = array<i32>} : memref<72x128xf32, #tpu.memory_space<vmem>>, vector<1x16xf32>,
      %get3A_199 = vector.shape_cast %get3A_198 : vector<1x16xf32> to vector<16xf32>
      %add3A_200 = arith.addf %get3A_199, %get3A_195 : vector<16xf32>
      %swap3A_201 = arith.index_cast %squeeze3A : i32 to index
      %swap3A_202 = arith.constant 112 : index
      %swap3A_203 = tpu.vector_load %arg9[%swap3A_201, %swap3A_202] {strides = array<i32>} : memref<72x128xf32, #tpu.memory_space<vmem>>, vector<1x16xf32>,
      %swap3A_204 = vector.shape_cast %swap3A_203 : vector<1x16xf32> to vector<16xf32>
      %swap3A_205 = vector.shape_cast %add3A_200 : vector<16xf32> to vector<1x16xf32>
      tpu.vector_store %arg9[%swap3A_201, %swap3A_202], %swap3A_205 {strides = array<i32>} : memref<72x128xf32, #tpu.memory_space<vmem>>, vector<1x16xf32>,
      %get3A_206 = arith.index_cast %squeeze3A : i32 to index
      %get3A_207 = arith.constant 112 : index
      %get3A_208 = tpu.vector_load %arg10[%get3A_206, %get3A_207] {strides = array<i32>} : memref<72x128xf32, #tpu.memory_space<vmem>>, vector<1x16xf32>,
      %get3A_209 = vector.shape_cast %get3A_208 : vector<1x16xf32> to vector<16xf32>
      %max3A_210 = arith.maximumf %get3A_209, %get3A_195 : vector<16xf32>
      %swap3A_211 = arith.index_cast %squeeze3A : i32 to index
      %swap3A_212 = arith.constant 112 : index
      %swap3A_213 = tpu.vector_load %arg10[%swap3A_211, %swap3A_212] {strides = array<i32>} : memref<72x128xf32, #tpu.memory_space<vmem>>, vector<1x16xf32>,
      %swap3A_214 = vector.shape_cast %swap3A_213 : vector<1x16xf32> to vector<16xf32>
      %swap3A_215 = vector.shape_cast %max3A_210 : vector<16xf32> to vector<1x16xf32>
      tpu.vector_store %arg10[%swap3A_211, %swap3A_212], %swap3A_215 {strides = array<i32>} : memref<72x128xf32, #tpu.memory_space<vmem>>, vector<1x16xf32>,
      %get3A_216 = arith.index_cast %squeeze3A : i32 to index
      %get3A_217 = arith.constant 0 : index
      %get3A_218 = tpu.vector_load %arg11[%get3A_216, %get3A_217] {strides = array<i32>} : memref<72x16xf32, #tpu.memory_space<vmem>>, vector<1x16xf32>,
      %get3A_219 = vector.shape_cast %get3A_218 : vector<1x16xf32> to vector<16xf32>
      %add3A_220 = arith.constant 1.000000e+00 : f32
      %add3A_221 = vector.broadcast %add3A_220 : f32 to vector<16xf32>
      %add3A_222 = arith.addf %get3A_219, %add3A_221 : vector<16xf32>
      %swap3A_223 = arith.index_cast %squeeze3A : i32 to index
      %swap3A_224 = arith.constant 0 : index
      %swap3A_225 = tpu.vector_load %arg11[%swap3A_223, %swap3A_224] {strides = array<i32>} : memref<72x16xf32, #tpu.memory_space<vmem>>, vector<1x16xf32>,
      %swap3A_226 = vector.shape_cast %swap3A_225 : vector<1x16xf32> to vector<16xf32>
      %swap3A_227 = vector.shape_cast %add3A_222 : vector<16xf32> to vector<1x16xf32>
      tpu.vector_store %arg11[%swap3A_223, %swap3A_224], %swap3A_227 {strides = array<i32>} : memref<72x16xf32, #tpu.memory_space<vmem>>, vector<1x16xf32>,
      %scan3A_228 = arith.constant 0 : i32
      scf.yield %scan3A_228 : i32
    }
    %scan3A_21 = arith.constant 320 : i32
    "tpu.region"() ({
      %run_scoped3A = tpu.sem_alloc : memref<!tpu.dma_semaphore, #tpu.memory_space<semaphore_mem>>
      %dma_start3A_22 = arith.constant 0 : i32
      %dma_start3A_23 = arith.constant 0 : i32
      %dma_start3A_24 = tpu.memref_slice %arg4[%add3A, %dma_start3A_22, %dma_start3A_23] : memref<32x72x128xf32, #tpu.memory_space<hbm>> -> memref<1x72x128xf32, #tpu.memory_space<hbm>>
      %dma_start3A_25 = tpu.memref_squeeze %dma_start3A_24 : memref<1x72x128xf32, #tpu.memory_space<hbm>> -> memref<72x128xf32, #tpu.memory_space<hbm>>
      %dma_start3A_26 = arith.constant 0 : i32
      %dma_start3A_27 = arith.constant 0 : i32
      %dma_start3A_28 = tpu.memref_slice %arg4[%add3A, %dma_start3A_26, %dma_start3A_27] : memref<32x72x128xf32, #tpu.memory_space<hbm>> -> memref<1x72x128xf32, #tpu.memory_space<hbm>>
      %dma_start3A_29 = tpu.memref_squeeze %dma_start3A_28 : memref<1x72x128xf32, #tpu.memory_space<hbm>> -> memref<72x128xf32, #tpu.memory_space<hbm>>
      tpu.enqueue_dma source(%arg9 : memref<72x128xf32, #tpu.memory_space<vmem>>) target(%dma_start3A_29 : memref<72x128xf32, #tpu.memory_space<hbm>>) target_semaphore(%run_scoped3A : memref<!tpu.dma_semaphore, #tpu.memory_space<semaphore_mem>>)
      %dma_wait3A_30 = arith.constant 0 : i32
      %dma_wait3A_31 = arith.constant 0 : i32
      %dma_wait3A_32 = tpu.memref_slice %arg4[%add3A, %dma_wait3A_30, %dma_wait3A_31] : memref<32x72x128xf32, #tpu.memory_space<hbm>> -> memref<1x72x128xf32, #tpu.memory_space<hbm>>
      %dma_wait3A_33 = tpu.memref_squeeze %dma_wait3A_32 : memref<1x72x128xf32, #tpu.memory_space<hbm>> -> memref<72x128xf32, #tpu.memory_space<hbm>>
      %dma_wait3A_34 = arith.constant 0 : i32
      %dma_wait3A_35 = arith.constant 0 : i32
      %dma_wait3A_36 = tpu.memref_slice %arg4[%add3A, %dma_wait3A_34, %dma_wait3A_35] : memref<32x72x128xf32, #tpu.memory_space<hbm>> -> memref<1x72x128xf32, #tpu.memory_space<hbm>>
      %dma_wait3A_37 = tpu.memref_squeeze %dma_wait3A_36 : memref<1x72x128xf32, #tpu.memory_space<hbm>> -> memref<72x128xf32, #tpu.memory_space<hbm>>
      tpu.wait_dma2 semaphore(%run_scoped3A : memref<!tpu.dma_semaphore, #tpu.memory_space<semaphore_mem>>) src(%arg9 : memref<72x128xf32, #tpu.memory_space<vmem>>) dst(%dma_wait3A_37 : memref<72x128xf32, #tpu.memory_space<hbm>>)
      tpu.yield
    }) : () -> ()
    "tpu.region"() ({
      %run_scoped3A = tpu.sem_alloc : memref<!tpu.dma_semaphore, #tpu.memory_space<semaphore_mem>>
      %dma_start3A_22 = arith.constant 0 : i32
      %dma_start3A_23 = arith.constant 0 : i32
      %dma_start3A_24 = tpu.memref_slice %arg5[%add3A, %dma_start3A_22, %dma_start3A_23] : memref<32x72x128xf32, #tpu.memory_space<hbm>> -> memref<1x72x128xf32, #tpu.memory_space<hbm>>
      %dma_start3A_25 = tpu.memref_squeeze %dma_start3A_24 : memref<1x72x128xf32, #tpu.memory_space<hbm>> -> memref<72x128xf32, #tpu.memory_space<hbm>>
      %dma_start3A_26 = arith.constant 0 : i32
      %dma_start3A_27 = arith.constant 0 : i32
      %dma_start3A_28 = tpu.memref_slice %arg5[%add3A, %dma_start3A_26, %dma_start3A_27] : memref<32x72x128xf32, #tpu.memory_space<hbm>> -> memref<1x72x128xf32, #tpu.memory_space<hbm>>
      %dma_start3A_29 = tpu.memref_squeeze %dma_start3A_28 : memref<1x72x128xf32, #tpu.memory_space<hbm>> -> memref<72x128xf32, #tpu.memory_space<hbm>>
      tpu.enqueue_dma source(%arg10 : memref<72x128xf32, #tpu.memory_space<vmem>>) target(%dma_start3A_29 : memref<72x128xf32, #tpu.memory_space<hbm>>) target_semaphore(%run_scoped3A : memref<!tpu.dma_semaphore, #tpu.memory_space<semaphore_mem>>)
      %dma_wait3A_30 = arith.constant 0 : i32
      %dma_wait3A_31 = arith.constant 0 : i32
      %dma_wait3A_32 = tpu.memref_slice %arg5[%add3A, %dma_wait3A_30, %dma_wait3A_31] : memref<32x72x128xf32, #tpu.memory_space<hbm>> -> memref<1x72x128xf32, #tpu.memory_space<hbm>>
      %dma_wait3A_33 = tpu.memref_squeeze %dma_wait3A_32 : memref<1x72x128xf32, #tpu.memory_space<hbm>> -> memref<72x128xf32, #tpu.memory_space<hbm>>
      %dma_wait3A_34 = arith.constant 0 : i32
      %dma_wait3A_35 = arith.constant 0 : i32
      %dma_wait3A_36 = tpu.memref_slice %arg5[%add3A, %dma_wait3A_34, %dma_wait3A_35] : memref<32x72x128xf32, #tpu.memory_space<hbm>> -> memref<1x72x128xf32, #tpu.memory_space<hbm>>
      %dma_wait3A_37 = tpu.memref_squeeze %dma_wait3A_36 : memref<1x72x128xf32, #tpu.memory_space<hbm>> -> memref<72x128xf32, #tpu.memory_space<hbm>>
      tpu.wait_dma2 semaphore(%run_scoped3A : memref<!tpu.dma_semaphore, #tpu.memory_space<semaphore_mem>>) src(%arg10 : memref<72x128xf32, #tpu.memory_space<vmem>>) dst(%dma_wait3A_37 : memref<72x128xf32, #tpu.memory_space<hbm>>)
      tpu.yield
    }) : () -> ()
    "tpu.region"() ({
      %run_scoped3A = tpu.sem_alloc : memref<!tpu.dma_semaphore, #tpu.memory_space<semaphore_mem>>
      %dma_start3A_22 = arith.constant 0 : i32
      %dma_start3A_23 = arith.constant 0 : i32
      %dma_start3A_24 = tpu.memref_slice %arg6[%add3A, %dma_start3A_22, %dma_start3A_23] : memref<32x72x16xf32, #tpu.memory_space<hbm>> -> memref<1x72x16xf32, #tpu.memory_space<hbm>>
      %dma_start3A_25 = tpu.memref_squeeze %dma_start3A_24 : memref<1x72x16xf32, #tpu.memory_space<hbm>> -> memref<72x16xf32, #tpu.memory_space<hbm>>
      %dma_start3A_26 = arith.constant 0 : i32
      %dma_start3A_27 = arith.constant 0 : i32
      %dma_start3A_28 = tpu.memref_slice %arg6[%add3A, %dma_start3A_26, %dma_start3A_27] : memref<32x72x16xf32, #tpu.memory_space<hbm>> -> memref<1x72x16xf32, #tpu.memory_space<hbm>>
      %dma_start3A_29 = tpu.memref_squeeze %dma_start3A_28 : memref<1x72x16xf32, #tpu.memory_space<hbm>> -> memref<72x16xf32, #tpu.memory_space<hbm>>
      tpu.enqueue_dma source(%arg11 : memref<72x16xf32, #tpu.memory_space<vmem>>) target(%dma_start3A_29 : memref<72x16xf32, #tpu.memory_space<hbm>>) target_semaphore(%run_scoped3A : memref<!tpu.dma_semaphore, #tpu.memory_space<semaphore_mem>>)
      %dma_wait3A_30 = arith.constant 0 : i32
      %dma_wait3A_31 = arith.constant 0 : i32
      %dma_wait3A_32 = tpu.memref_slice %arg6[%add3A, %dma_wait3A_30, %dma_wait3A_31] : memref<32x72x16xf32, #tpu.memory_space<hbm>> -> memref<1x72x16xf32, #tpu.memory_space<hbm>>
      %dma_wait3A_33 = tpu.memref_squeeze %dma_wait3A_32 : memref<1x72x16xf32, #tpu.memory_space<hbm>> -> memref<72x16xf32, #tpu.memory_space<hbm>>
      %dma_wait3A_34 = arith.constant 0 : i32
      %dma_wait3A_35 = arith.constant 0 : i32
      %dma_wait3A_36 = tpu.memref_slice %arg6[%add3A, %dma_wait3A_34, %dma_wait3A_35] : memref<32x72x16xf32, #tpu.memory_space<hbm>> -> memref<1x72x16xf32, #tpu.memory_space<hbm>>
      %dma_wait3A_37 = tpu.memref_squeeze %dma_wait3A_36 : memref<1x72x16xf32, #tpu.memory_space<hbm>> -> memref<72x16xf32, #tpu.memory_space<hbm>>
      tpu.wait_dma2 semaphore(%run_scoped3A : memref<!tpu.dma_semaphore, #tpu.memory_space<semaphore_mem>>) src(%arg11 : memref<72x16xf32, #tpu.memory_space<vmem>>) dst(%dma_wait3A_37 : memref<72x16xf32, #tpu.memory_space<hbm>>)
      tpu.yield
    }) : () -> ()
    return
  }
}

#map = affine_map<(d0, d1) -> (0, 0)>
#map1 = affine_map<(d0, d1) -> (0)>
#map2 = affine_map<(d0, d1) -> (0, 0, 0)>
module attributes {stable_mosaic.version = 14 : i64} {
  func.func @_msg_body(%arg0: i32, %arg1: i32, %arg2: memref<10240x128xf32, #tpu.memory_space<hbm>>, %arg3: memref<323584x128xf32, #tpu.memory_space<hbm>>, %arg4: memref<323584xi32, #tpu.memory_space<hbm>>, %arg5: memref<323584xi32, #tpu.memory_space<hbm>>, %arg6: memref<2x10240x128xf32, #tpu.memory_space<hbm>>, %arg7: memref<128xi32, #tpu.memory_space<vmem>>, %arg8: memref<128xi32, #tpu.memory_space<vmem>>, %arg9: memref<128x128xf32, #tpu.memory_space<vmem>>, %arg10: memref<128x128xf32, #tpu.memory_space<vmem>>, %arg11: memref<10240x128xf32, #tpu.memory_space<vmem_shared>>, %arg12: memref<!tpu.dma_semaphore, #tpu.memory_space<semaphore_mem>>) attributes {dimension_semantics = [#tpu.dimension_semantics<core_parallel>, #tpu.dimension_semantics<subcore_parallel>], iteration_bounds = array<i64: 2, 16>, scalar_prefetch = 0 : i64, scratch_operands = 6 : i64, tpu.core_type = #tpu.core_type<sc_vector_subcore>, window_params = [{transform_indices = #map}, {transform_indices = #map}, {transform_indices = #map1}, {transform_indices = #map1}, {transform_indices = #map2}]} {
    %mul3A = arith.constant 2 : i32
    %mul3A_0 = arith.muli %arg1, %mul3A : i32
    %add3A = arith.addi %mul3A_0, %arg0 : i32
    %scan3A = arith.constant 0 : i32
    %scan3A_1 = arith.constant 0 : i32
    %scan3A_2 = arith.constant 128 : i32
    %scan3A_3 = arith.addi %scan3A_1, %scan3A_2 : i32
    %scan3A_4 = arith.constant 1 : i32
    %scan3A_5 = scf.for %scan3A_26 = %scan3A_1 to %scan3A_3 step %scan3A_4 iter_args(%scan3A_27 = %scan3A) -> (i32)  : i32 {
      %broadcast_in_dim3A = arith.constant 0.000000e+00 : f32
      %broadcast_in_dim3A_28 = vector.broadcast %broadcast_in_dim3A : f32 to vector<16xf32>
      %swap3A = arith.index_cast %scan3A_26 : i32 to index
      %swap3A_29 = arith.constant 0 : index
      %swap3A_30 = tpu.vector_load %arg9[%swap3A, %swap3A_29] {strides = array<i32>} : memref<128x128xf32, #tpu.memory_space<vmem>>, vector<1x16xf32>,
      %swap3A_31 = vector.shape_cast %swap3A_30 : vector<1x16xf32> to vector<16xf32>
      %swap3A_32 = vector.shape_cast %broadcast_in_dim3A_28 : vector<16xf32> to vector<1x16xf32>
      tpu.vector_store %arg9[%swap3A, %swap3A_29], %swap3A_32 {strides = array<i32>} : memref<128x128xf32, #tpu.memory_space<vmem>>, vector<1x16xf32>,
      %broadcast_in_dim3A_33 = arith.constant 0.000000e+00 : f32
      %broadcast_in_dim3A_34 = vector.broadcast %broadcast_in_dim3A_33 : f32 to vector<16xf32>
      %swap3A_35 = arith.index_cast %scan3A_26 : i32 to index
      %swap3A_36 = arith.constant 16 : index
      %swap3A_37 = tpu.vector_load %arg9[%swap3A_35, %swap3A_36] {strides = array<i32>} : memref<128x128xf32, #tpu.memory_space<vmem>>, vector<1x16xf32>,
      %swap3A_38 = vector.shape_cast %swap3A_37 : vector<1x16xf32> to vector<16xf32>
      %swap3A_39 = vector.shape_cast %broadcast_in_dim3A_34 : vector<16xf32> to vector<1x16xf32>
      tpu.vector_store %arg9[%swap3A_35, %swap3A_36], %swap3A_39 {strides = array<i32>} : memref<128x128xf32, #tpu.memory_space<vmem>>, vector<1x16xf32>,
      %broadcast_in_dim3A_40 = arith.constant 0.000000e+00 : f32
      %broadcast_in_dim3A_41 = vector.broadcast %broadcast_in_dim3A_40 : f32 to vector<16xf32>
      %swap3A_42 = arith.index_cast %scan3A_26 : i32 to index
      %swap3A_43 = arith.constant 32 : index
      %swap3A_44 = tpu.vector_load %arg9[%swap3A_42, %swap3A_43] {strides = array<i32>} : memref<128x128xf32, #tpu.memory_space<vmem>>, vector<1x16xf32>,
      %swap3A_45 = vector.shape_cast %swap3A_44 : vector<1x16xf32> to vector<16xf32>
      %swap3A_46 = vector.shape_cast %broadcast_in_dim3A_41 : vector<16xf32> to vector<1x16xf32>
      tpu.vector_store %arg9[%swap3A_42, %swap3A_43], %swap3A_46 {strides = array<i32>} : memref<128x128xf32, #tpu.memory_space<vmem>>, vector<1x16xf32>,
      %broadcast_in_dim3A_47 = arith.constant 0.000000e+00 : f32
      %broadcast_in_dim3A_48 = vector.broadcast %broadcast_in_dim3A_47 : f32 to vector<16xf32>
      %swap3A_49 = arith.index_cast %scan3A_26 : i32 to index
      %swap3A_50 = arith.constant 48 : index
      %swap3A_51 = tpu.vector_load %arg9[%swap3A_49, %swap3A_50] {strides = array<i32>} : memref<128x128xf32, #tpu.memory_space<vmem>>, vector<1x16xf32>,
      %swap3A_52 = vector.shape_cast %swap3A_51 : vector<1x16xf32> to vector<16xf32>
      %swap3A_53 = vector.shape_cast %broadcast_in_dim3A_48 : vector<16xf32> to vector<1x16xf32>
      tpu.vector_store %arg9[%swap3A_49, %swap3A_50], %swap3A_53 {strides = array<i32>} : memref<128x128xf32, #tpu.memory_space<vmem>>, vector<1x16xf32>,
      %broadcast_in_dim3A_54 = arith.constant 0.000000e+00 : f32
      %broadcast_in_dim3A_55 = vector.broadcast %broadcast_in_dim3A_54 : f32 to vector<16xf32>
      %swap3A_56 = arith.index_cast %scan3A_26 : i32 to index
      %swap3A_57 = arith.constant 64 : index
      %swap3A_58 = tpu.vector_load %arg9[%swap3A_56, %swap3A_57] {strides = array<i32>} : memref<128x128xf32, #tpu.memory_space<vmem>>, vector<1x16xf32>,
      %swap3A_59 = vector.shape_cast %swap3A_58 : vector<1x16xf32> to vector<16xf32>
      %swap3A_60 = vector.shape_cast %broadcast_in_dim3A_55 : vector<16xf32> to vector<1x16xf32>
      tpu.vector_store %arg9[%swap3A_56, %swap3A_57], %swap3A_60 {strides = array<i32>} : memref<128x128xf32, #tpu.memory_space<vmem>>, vector<1x16xf32>,
      %broadcast_in_dim3A_61 = arith.constant 0.000000e+00 : f32
      %broadcast_in_dim3A_62 = vector.broadcast %broadcast_in_dim3A_61 : f32 to vector<16xf32>
      %swap3A_63 = arith.index_cast %scan3A_26 : i32 to index
      %swap3A_64 = arith.constant 80 : index
      %swap3A_65 = tpu.vector_load %arg9[%swap3A_63, %swap3A_64] {strides = array<i32>} : memref<128x128xf32, #tpu.memory_space<vmem>>, vector<1x16xf32>,
      %swap3A_66 = vector.shape_cast %swap3A_65 : vector<1x16xf32> to vector<16xf32>
      %swap3A_67 = vector.shape_cast %broadcast_in_dim3A_62 : vector<16xf32> to vector<1x16xf32>
      tpu.vector_store %arg9[%swap3A_63, %swap3A_64], %swap3A_67 {strides = array<i32>} : memref<128x128xf32, #tpu.memory_space<vmem>>, vector<1x16xf32>,
      %broadcast_in_dim3A_68 = arith.constant 0.000000e+00 : f32
      %broadcast_in_dim3A_69 = vector.broadcast %broadcast_in_dim3A_68 : f32 to vector<16xf32>
      %swap3A_70 = arith.index_cast %scan3A_26 : i32 to index
      %swap3A_71 = arith.constant 96 : index
      %swap3A_72 = tpu.vector_load %arg9[%swap3A_70, %swap3A_71] {strides = array<i32>} : memref<128x128xf32, #tpu.memory_space<vmem>>, vector<1x16xf32>,
      %swap3A_73 = vector.shape_cast %swap3A_72 : vector<1x16xf32> to vector<16xf32>
      %swap3A_74 = vector.shape_cast %broadcast_in_dim3A_69 : vector<16xf32> to vector<1x16xf32>
      tpu.vector_store %arg9[%swap3A_70, %swap3A_71], %swap3A_74 {strides = array<i32>} : memref<128x128xf32, #tpu.memory_space<vmem>>, vector<1x16xf32>,
      %broadcast_in_dim3A_75 = arith.constant 0.000000e+00 : f32
      %broadcast_in_dim3A_76 = vector.broadcast %broadcast_in_dim3A_75 : f32 to vector<16xf32>
      %swap3A_77 = arith.index_cast %scan3A_26 : i32 to index
      %swap3A_78 = arith.constant 112 : index
      %swap3A_79 = tpu.vector_load %arg9[%swap3A_77, %swap3A_78] {strides = array<i32>} : memref<128x128xf32, #tpu.memory_space<vmem>>, vector<1x16xf32>,
      %swap3A_80 = vector.shape_cast %swap3A_79 : vector<1x16xf32> to vector<16xf32>
      %swap3A_81 = vector.shape_cast %broadcast_in_dim3A_76 : vector<16xf32> to vector<1x16xf32>
      tpu.vector_store %arg9[%swap3A_77, %swap3A_78], %swap3A_81 {strides = array<i32>} : memref<128x128xf32, #tpu.memory_space<vmem>>, vector<1x16xf32>,
      %scan3A_82 = arith.constant 0 : i32
      scf.yield %scan3A_82 : i32
    }
    %scan3A_6 = arith.constant 128 : i32
    %scan3A_7 = arith.constant 0 : i32
    %scan3A_8 = arith.constant 0 : i32
    %scan3A_9 = arith.constant 5 : i32
    %scan3A_10 = arith.addi %scan3A_8, %scan3A_9 : i32
    %scan3A_11 = arith.constant 1 : i32
    %scan3A_12 = scf.for %scan3A_26 = %scan3A_8 to %scan3A_10 step %scan3A_11 iter_args(%scan3A_27 = %scan3A_7) -> (i32)  : i32 {
      %mul3A_28 = arith.constant 640 : i32
      %mul3A_29 = arith.muli %arg1, %mul3A_28 : i32
      %mul3A_30 = arith.constant 128 : i32
      %mul3A_31 = arith.muli %scan3A_26, %mul3A_30 : i32
      %add3A_32 = arith.addi %mul3A_29, %mul3A_31 : i32
      "tpu.region"() ({
        %run_scoped3A = tpu.sem_alloc : memref<!tpu.dma_semaphore, #tpu.memory_space<semaphore_mem>>
        %dma_start3A = arith.constant 0 : i32
        %dma_start3A_34 = tpu.memref_slice %arg11[%add3A_32, %dma_start3A] : memref<10240x128xf32, #tpu.memory_space<vmem_shared>> -> memref<128x128xf32, #tpu.memory_space<vmem_shared>>
        %dma_start3A_35 = arith.constant 0 : i32
        %dma_start3A_36 = tpu.memref_slice %arg11[%add3A_32, %dma_start3A_35] : memref<10240x128xf32, #tpu.memory_space<vmem_shared>> -> memref<128x128xf32, #tpu.memory_space<vmem_shared>>
        tpu.enqueue_dma source(%arg9 : memref<128x128xf32, #tpu.memory_space<vmem>>) target(%dma_start3A_36 : memref<128x128xf32, #tpu.memory_space<vmem_shared>>) target_semaphore(%run_scoped3A : memref<!tpu.dma_semaphore, #tpu.memory_space<semaphore_mem>>)
        %dma_wait3A = arith.constant 0 : i32
        %dma_wait3A_37 = tpu.memref_slice %arg11[%add3A_32, %dma_wait3A] : memref<10240x128xf32, #tpu.memory_space<vmem_shared>> -> memref<128x128xf32, #tpu.memory_space<vmem_shared>>
        %dma_wait3A_38 = arith.constant 0 : i32
        %dma_wait3A_39 = tpu.memref_slice %arg11[%add3A_32, %dma_wait3A_38] : memref<10240x128xf32, #tpu.memory_space<vmem_shared>> -> memref<128x128xf32, #tpu.memory_space<vmem_shared>>
        tpu.wait_dma2 semaphore(%run_scoped3A : memref<!tpu.dma_semaphore, #tpu.memory_space<semaphore_mem>>) src(%arg9 : memref<128x128xf32, #tpu.memory_space<vmem>>) dst(%dma_wait3A_39 : memref<128x128xf32, #tpu.memory_space<vmem_shared>>)
        tpu.yield
      }) : () -> ()
      %scan3A_33 = arith.constant 0 : i32
      scf.yield %scan3A_33 : i32
    }
    %scan3A_13 = arith.constant 5 : i32
    %barrier3A = arith.constant 0 : index
    tpu.barrier barrier_id(%barrier3A)
    %scan3A_14 = arith.constant 0 : i32
    %scan3A_15 = arith.constant 0 : i32
    %scan3A_16 = arith.constant 79 : i32
    %scan3A_17 = arith.addi %scan3A_15, %scan3A_16 : i32
    %scan3A_18 = arith.constant 1 : i32
    %scan3A_19 = scf.for %scan3A_26 = %scan3A_15 to %scan3A_17 step %scan3A_18 iter_args(%scan3A_27 = %scan3A_14) -> (i32)  : i32 {
      %mul3A_28 = arith.constant 79 : i32
      %mul3A_29 = arith.muli %add3A, %mul3A_28 : i32
      %add3A_30 = arith.addi %mul3A_29, %scan3A_26 : i32
      %mul3A_31 = arith.constant 128 : i32
      %mul3A_32 = arith.muli %add3A_30, %mul3A_31 : i32
      "tpu.region"() ({
        %run_scoped3A = tpu.sem_alloc : memref<!tpu.dma_semaphore, #tpu.memory_space<semaphore_mem>>
        %dma_start3A_45 = tpu.memref_slice %arg4[%mul3A_32] : memref<323584xi32, #tpu.memory_space<hbm>> -> memref<128xi32, #tpu.memory_space<hbm>>
        %dma_start3A_46 = tpu.memref_slice %arg4[%mul3A_32] : memref<323584xi32, #tpu.memory_space<hbm>> -> memref<128xi32, #tpu.memory_space<hbm>>
        tpu.enqueue_dma source(%dma_start3A_46 : memref<128xi32, #tpu.memory_space<hbm>>) target(%arg7 : memref<128xi32, #tpu.memory_space<vmem>>) target_semaphore(%run_scoped3A : memref<!tpu.dma_semaphore, #tpu.memory_space<semaphore_mem>>)
        %dma_wait3A_47 = tpu.memref_slice %arg4[%mul3A_32] : memref<323584xi32, #tpu.memory_space<hbm>> -> memref<128xi32, #tpu.memory_space<hbm>>
        %dma_wait3A_48 = tpu.memref_slice %arg4[%mul3A_32] : memref<323584xi32, #tpu.memory_space<hbm>> -> memref<128xi32, #tpu.memory_space<hbm>>
        tpu.wait_dma2 semaphore(%run_scoped3A : memref<!tpu.dma_semaphore, #tpu.memory_space<semaphore_mem>>) src(%dma_wait3A_48 : memref<128xi32, #tpu.memory_space<hbm>>) dst(%arg7 : memref<128xi32, #tpu.memory_space<vmem>>)
        tpu.yield
      }) : () -> ()
      "tpu.region"() ({
        %run_scoped3A = tpu.sem_alloc : memref<!tpu.dma_semaphore, #tpu.memory_space<semaphore_mem>>
        %dma_start3A_45 = tpu.memref_slice %arg5[%mul3A_32] : memref<323584xi32, #tpu.memory_space<hbm>> -> memref<128xi32, #tpu.memory_space<hbm>>
        %dma_start3A_46 = tpu.memref_slice %arg5[%mul3A_32] : memref<323584xi32, #tpu.memory_space<hbm>> -> memref<128xi32, #tpu.memory_space<hbm>>
        tpu.enqueue_dma source(%dma_start3A_46 : memref<128xi32, #tpu.memory_space<hbm>>) target(%arg8 : memref<128xi32, #tpu.memory_space<vmem>>) target_semaphore(%run_scoped3A : memref<!tpu.dma_semaphore, #tpu.memory_space<semaphore_mem>>)
        %dma_wait3A_47 = tpu.memref_slice %arg5[%mul3A_32] : memref<323584xi32, #tpu.memory_space<hbm>> -> memref<128xi32, #tpu.memory_space<hbm>>
        %dma_wait3A_48 = tpu.memref_slice %arg5[%mul3A_32] : memref<323584xi32, #tpu.memory_space<hbm>> -> memref<128xi32, #tpu.memory_space<hbm>>
        tpu.wait_dma2 semaphore(%run_scoped3A : memref<!tpu.dma_semaphore, #tpu.memory_space<semaphore_mem>>) src(%dma_wait3A_48 : memref<128xi32, #tpu.memory_space<hbm>>) dst(%arg8 : memref<128xi32, #tpu.memory_space<vmem>>)
        tpu.yield
      }) : () -> ()
      %dma_start3A = arith.constant 0 : i32
      %dma_start3A_33 = arith.constant 0 : i32
      %dma_start3A_34 = tpu.memref_slice %arg2[%dma_start3A, %dma_start3A_33] : memref<10240x128xf32, #tpu.memory_space<hbm>> -> memref<10240x128xf32, #tpu.memory_space<hbm>>
      tpu.enqueue_indirect_dma source(%dma_start3A_34 : memref<10240x128xf32, #tpu.memory_space<hbm>>) target(%arg9 : memref<128x128xf32, #tpu.memory_space<vmem>>) offsets(%arg7 : memref<128xi32, #tpu.memory_space<vmem>>) semaphore(%arg12 : memref<!tpu.dma_semaphore, #tpu.memory_space<semaphore_mem>>)
      %dma_wait3A = arith.constant 0 : i32
      %dma_wait3A_35 = arith.constant 0 : i32
      %dma_wait3A_36 = tpu.memref_slice %arg2[%dma_wait3A, %dma_wait3A_35] : memref<10240x128xf32, #tpu.memory_space<hbm>> -> memref<10240x128xf32, #tpu.memory_space<hbm>>
      tpu.wait_indirect_dma semaphore(%arg12 : memref<!tpu.dma_semaphore, #tpu.memory_space<semaphore_mem>>) src(%dma_wait3A_36 : memref<10240x128xf32, #tpu.memory_space<hbm>>) dst(%arg9 : memref<128x128xf32, #tpu.memory_space<vmem>>)
      "tpu.region"() ({
        %run_scoped3A = tpu.sem_alloc : memref<!tpu.dma_semaphore, #tpu.memory_space<semaphore_mem>>
        %dma_start3A_45 = arith.constant 0 : i32
        %dma_start3A_46 = tpu.memref_slice %arg3[%mul3A_32, %dma_start3A_45] : memref<323584x128xf32, #tpu.memory_space<hbm>> -> memref<128x128xf32, #tpu.memory_space<hbm>>
        %dma_start3A_47 = arith.constant 0 : i32
        %dma_start3A_48 = tpu.memref_slice %arg3[%mul3A_32, %dma_start3A_47] : memref<323584x128xf32, #tpu.memory_space<hbm>> -> memref<128x128xf32, #tpu.memory_space<hbm>>
        tpu.enqueue_dma source(%dma_start3A_48 : memref<128x128xf32, #tpu.memory_space<hbm>>) target(%arg10 : memref<128x128xf32, #tpu.memory_space<vmem>>) target_semaphore(%run_scoped3A : memref<!tpu.dma_semaphore, #tpu.memory_space<semaphore_mem>>)
        %dma_wait3A_49 = arith.constant 0 : i32
        %dma_wait3A_50 = tpu.memref_slice %arg3[%mul3A_32, %dma_wait3A_49] : memref<323584x128xf32, #tpu.memory_space<hbm>> -> memref<128x128xf32, #tpu.memory_space<hbm>>
        %dma_wait3A_51 = arith.constant 0 : i32
        %dma_wait3A_52 = tpu.memref_slice %arg3[%mul3A_32, %dma_wait3A_51] : memref<323584x128xf32, #tpu.memory_space<hbm>> -> memref<128x128xf32, #tpu.memory_space<hbm>>
        tpu.wait_dma2 semaphore(%run_scoped3A : memref<!tpu.dma_semaphore, #tpu.memory_space<semaphore_mem>>) src(%dma_wait3A_52 : memref<128x128xf32, #tpu.memory_space<hbm>>) dst(%arg10 : memref<128x128xf32, #tpu.memory_space<vmem>>)
        tpu.yield
      }) : () -> ()
      %scan3A_37 = arith.constant 0 : i32
      %scan3A_38 = arith.constant 0 : i32
      %scan3A_39 = arith.constant 128 : i32
      %scan3A_40 = arith.addi %scan3A_38, %scan3A_39 : i32
      %scan3A_41 = arith.constant 1 : i32
      %scan3A_42 = scf.for %scan3A_45 = %scan3A_38 to %scan3A_40 step %scan3A_41 iter_args(%scan3A_46 = %scan3A_37) -> (i32)  : i32 {
        %get3A = arith.index_cast %scan3A_45 : i32 to index
        %get3A_47 = arith.constant 0 : index
        %get3A_48 = tpu.vector_load %arg9[%get3A, %get3A_47] {strides = array<i32>} : memref<128x128xf32, #tpu.memory_space<vmem>>, vector<1x16xf32>,
        %get3A_49 = vector.shape_cast %get3A_48 : vector<1x16xf32> to vector<16xf32>
        %get3A_50 = arith.index_cast %scan3A_45 : i32 to index
        %get3A_51 = arith.constant 0 : index
        %get3A_52 = tpu.vector_load %arg10[%get3A_50, %get3A_51] {strides = array<i32>} : memref<128x128xf32, #tpu.memory_space<vmem>>, vector<1x16xf32>,
        %get3A_53 = vector.shape_cast %get3A_52 : vector<1x16xf32> to vector<16xf32>
        %add3A_54 = arith.addf %get3A_49, %get3A_53 : vector<16xf32>
        %max3A = arith.constant 0.000000e+00 : f32
        %max3A_55 = vector.broadcast %max3A : f32 to vector<16xf32>
        %max3A_56 = arith.maximumf %add3A_54, %max3A_55 : vector<16xf32>
        %swap3A = arith.index_cast %scan3A_45 : i32 to index
        %swap3A_57 = arith.constant 0 : index
        %swap3A_58 = tpu.vector_load %arg9[%swap3A, %swap3A_57] {strides = array<i32>} : memref<128x128xf32, #tpu.memory_space<vmem>>, vector<1x16xf32>,
        %swap3A_59 = vector.shape_cast %swap3A_58 : vector<1x16xf32> to vector<16xf32>
        %swap3A_60 = vector.shape_cast %max3A_56 : vector<16xf32> to vector<1x16xf32>
        tpu.vector_store %arg9[%swap3A, %swap3A_57], %swap3A_60 {strides = array<i32>} : memref<128x128xf32, #tpu.memory_space<vmem>>, vector<1x16xf32>,
        %get3A_61 = arith.index_cast %scan3A_45 : i32 to index
        %get3A_62 = arith.constant 16 : index
        %get3A_63 = tpu.vector_load %arg9[%get3A_61, %get3A_62] {strides = array<i32>} : memref<128x128xf32, #tpu.memory_space<vmem>>, vector<1x16xf32>,
        %get3A_64 = vector.shape_cast %get3A_63 : vector<1x16xf32> to vector<16xf32>
        %get3A_65 = arith.index_cast %scan3A_45 : i32 to index
        %get3A_66 = arith.constant 16 : index
        %get3A_67 = tpu.vector_load %arg10[%get3A_65, %get3A_66] {strides = array<i32>} : memref<128x128xf32, #tpu.memory_space<vmem>>, vector<1x16xf32>,
        %get3A_68 = vector.shape_cast %get3A_67 : vector<1x16xf32> to vector<16xf32>
        %add3A_69 = arith.addf %get3A_64, %get3A_68 : vector<16xf32>
        %max3A_70 = arith.constant 0.000000e+00 : f32
        %max3A_71 = vector.broadcast %max3A_70 : f32 to vector<16xf32>
        %max3A_72 = arith.maximumf %add3A_69, %max3A_71 : vector<16xf32>
        %swap3A_73 = arith.index_cast %scan3A_45 : i32 to index
        %swap3A_74 = arith.constant 16 : index
        %swap3A_75 = tpu.vector_load %arg9[%swap3A_73, %swap3A_74] {strides = array<i32>} : memref<128x128xf32, #tpu.memory_space<vmem>>, vector<1x16xf32>,
        %swap3A_76 = vector.shape_cast %swap3A_75 : vector<1x16xf32> to vector<16xf32>
        %swap3A_77 = vector.shape_cast %max3A_72 : vector<16xf32> to vector<1x16xf32>
        tpu.vector_store %arg9[%swap3A_73, %swap3A_74], %swap3A_77 {strides = array<i32>} : memref<128x128xf32, #tpu.memory_space<vmem>>, vector<1x16xf32>,
        %get3A_78 = arith.index_cast %scan3A_45 : i32 to index
        %get3A_79 = arith.constant 32 : index
        %get3A_80 = tpu.vector_load %arg9[%get3A_78, %get3A_79] {strides = array<i32>} : memref<128x128xf32, #tpu.memory_space<vmem>>, vector<1x16xf32>,
        %get3A_81 = vector.shape_cast %get3A_80 : vector<1x16xf32> to vector<16xf32>
        %get3A_82 = arith.index_cast %scan3A_45 : i32 to index
        %get3A_83 = arith.constant 32 : index
        %get3A_84 = tpu.vector_load %arg10[%get3A_82, %get3A_83] {strides = array<i32>} : memref<128x128xf32, #tpu.memory_space<vmem>>, vector<1x16xf32>,
        %get3A_85 = vector.shape_cast %get3A_84 : vector<1x16xf32> to vector<16xf32>
        %add3A_86 = arith.addf %get3A_81, %get3A_85 : vector<16xf32>
        %max3A_87 = arith.constant 0.000000e+00 : f32
        %max3A_88 = vector.broadcast %max3A_87 : f32 to vector<16xf32>
        %max3A_89 = arith.maximumf %add3A_86, %max3A_88 : vector<16xf32>
        %swap3A_90 = arith.index_cast %scan3A_45 : i32 to index
        %swap3A_91 = arith.constant 32 : index
        %swap3A_92 = tpu.vector_load %arg9[%swap3A_90, %swap3A_91] {strides = array<i32>} : memref<128x128xf32, #tpu.memory_space<vmem>>, vector<1x16xf32>,
        %swap3A_93 = vector.shape_cast %swap3A_92 : vector<1x16xf32> to vector<16xf32>
        %swap3A_94 = vector.shape_cast %max3A_89 : vector<16xf32> to vector<1x16xf32>
        tpu.vector_store %arg9[%swap3A_90, %swap3A_91], %swap3A_94 {strides = array<i32>} : memref<128x128xf32, #tpu.memory_space<vmem>>, vector<1x16xf32>,
        %get3A_95 = arith.index_cast %scan3A_45 : i32 to index
        %get3A_96 = arith.constant 48 : index
        %get3A_97 = tpu.vector_load %arg9[%get3A_95, %get3A_96] {strides = array<i32>} : memref<128x128xf32, #tpu.memory_space<vmem>>, vector<1x16xf32>,
        %get3A_98 = vector.shape_cast %get3A_97 : vector<1x16xf32> to vector<16xf32>
        %get3A_99 = arith.index_cast %scan3A_45 : i32 to index
        %get3A_100 = arith.constant 48 : index
        %get3A_101 = tpu.vector_load %arg10[%get3A_99, %get3A_100] {strides = array<i32>} : memref<128x128xf32, #tpu.memory_space<vmem>>, vector<1x16xf32>,
        %get3A_102 = vector.shape_cast %get3A_101 : vector<1x16xf32> to vector<16xf32>
        %add3A_103 = arith.addf %get3A_98, %get3A_102 : vector<16xf32>
        %max3A_104 = arith.constant 0.000000e+00 : f32
        %max3A_105 = vector.broadcast %max3A_104 : f32 to vector<16xf32>
        %max3A_106 = arith.maximumf %add3A_103, %max3A_105 : vector<16xf32>
        %swap3A_107 = arith.index_cast %scan3A_45 : i32 to index
        %swap3A_108 = arith.constant 48 : index
        %swap3A_109 = tpu.vector_load %arg9[%swap3A_107, %swap3A_108] {strides = array<i32>} : memref<128x128xf32, #tpu.memory_space<vmem>>, vector<1x16xf32>,
        %swap3A_110 = vector.shape_cast %swap3A_109 : vector<1x16xf32> to vector<16xf32>
        %swap3A_111 = vector.shape_cast %max3A_106 : vector<16xf32> to vector<1x16xf32>
        tpu.vector_store %arg9[%swap3A_107, %swap3A_108], %swap3A_111 {strides = array<i32>} : memref<128x128xf32, #tpu.memory_space<vmem>>, vector<1x16xf32>,
        %get3A_112 = arith.index_cast %scan3A_45 : i32 to index
        %get3A_113 = arith.constant 64 : index
        %get3A_114 = tpu.vector_load %arg9[%get3A_112, %get3A_113] {strides = array<i32>} : memref<128x128xf32, #tpu.memory_space<vmem>>, vector<1x16xf32>,
        %get3A_115 = vector.shape_cast %get3A_114 : vector<1x16xf32> to vector<16xf32>
        %get3A_116 = arith.index_cast %scan3A_45 : i32 to index
        %get3A_117 = arith.constant 64 : index
        %get3A_118 = tpu.vector_load %arg10[%get3A_116, %get3A_117] {strides = array<i32>} : memref<128x128xf32, #tpu.memory_space<vmem>>, vector<1x16xf32>,
        %get3A_119 = vector.shape_cast %get3A_118 : vector<1x16xf32> to vector<16xf32>
        %add3A_120 = arith.addf %get3A_115, %get3A_119 : vector<16xf32>
        %max3A_121 = arith.constant 0.000000e+00 : f32
        %max3A_122 = vector.broadcast %max3A_121 : f32 to vector<16xf32>
        %max3A_123 = arith.maximumf %add3A_120, %max3A_122 : vector<16xf32>
        %swap3A_124 = arith.index_cast %scan3A_45 : i32 to index
        %swap3A_125 = arith.constant 64 : index
        %swap3A_126 = tpu.vector_load %arg9[%swap3A_124, %swap3A_125] {strides = array<i32>} : memref<128x128xf32, #tpu.memory_space<vmem>>, vector<1x16xf32>,
        %swap3A_127 = vector.shape_cast %swap3A_126 : vector<1x16xf32> to vector<16xf32>
        %swap3A_128 = vector.shape_cast %max3A_123 : vector<16xf32> to vector<1x16xf32>
        tpu.vector_store %arg9[%swap3A_124, %swap3A_125], %swap3A_128 {strides = array<i32>} : memref<128x128xf32, #tpu.memory_space<vmem>>, vector<1x16xf32>,
        %get3A_129 = arith.index_cast %scan3A_45 : i32 to index
        %get3A_130 = arith.constant 80 : index
        %get3A_131 = tpu.vector_load %arg9[%get3A_129, %get3A_130] {strides = array<i32>} : memref<128x128xf32, #tpu.memory_space<vmem>>, vector<1x16xf32>,
        %get3A_132 = vector.shape_cast %get3A_131 : vector<1x16xf32> to vector<16xf32>
        %get3A_133 = arith.index_cast %scan3A_45 : i32 to index
        %get3A_134 = arith.constant 80 : index
        %get3A_135 = tpu.vector_load %arg10[%get3A_133, %get3A_134] {strides = array<i32>} : memref<128x128xf32, #tpu.memory_space<vmem>>, vector<1x16xf32>,
        %get3A_136 = vector.shape_cast %get3A_135 : vector<1x16xf32> to vector<16xf32>
        %add3A_137 = arith.addf %get3A_132, %get3A_136 : vector<16xf32>
        %max3A_138 = arith.constant 0.000000e+00 : f32
        %max3A_139 = vector.broadcast %max3A_138 : f32 to vector<16xf32>
        %max3A_140 = arith.maximumf %add3A_137, %max3A_139 : vector<16xf32>
        %swap3A_141 = arith.index_cast %scan3A_45 : i32 to index
        %swap3A_142 = arith.constant 80 : index
        %swap3A_143 = tpu.vector_load %arg9[%swap3A_141, %swap3A_142] {strides = array<i32>} : memref<128x128xf32, #tpu.memory_space<vmem>>, vector<1x16xf32>,
        %swap3A_144 = vector.shape_cast %swap3A_143 : vector<1x16xf32> to vector<16xf32>
        %swap3A_145 = vector.shape_cast %max3A_140 : vector<16xf32> to vector<1x16xf32>
        tpu.vector_store %arg9[%swap3A_141, %swap3A_142], %swap3A_145 {strides = array<i32>} : memref<128x128xf32, #tpu.memory_space<vmem>>, vector<1x16xf32>,
        %get3A_146 = arith.index_cast %scan3A_45 : i32 to index
        %get3A_147 = arith.constant 96 : index
        %get3A_148 = tpu.vector_load %arg9[%get3A_146, %get3A_147] {strides = array<i32>} : memref<128x128xf32, #tpu.memory_space<vmem>>, vector<1x16xf32>,
        %get3A_149 = vector.shape_cast %get3A_148 : vector<1x16xf32> to vector<16xf32>
        %get3A_150 = arith.index_cast %scan3A_45 : i32 to index
        %get3A_151 = arith.constant 96 : index
        %get3A_152 = tpu.vector_load %arg10[%get3A_150, %get3A_151] {strides = array<i32>} : memref<128x128xf32, #tpu.memory_space<vmem>>, vector<1x16xf32>,
        %get3A_153 = vector.shape_cast %get3A_152 : vector<1x16xf32> to vector<16xf32>
        %add3A_154 = arith.addf %get3A_149, %get3A_153 : vector<16xf32>
        %max3A_155 = arith.constant 0.000000e+00 : f32
        %max3A_156 = vector.broadcast %max3A_155 : f32 to vector<16xf32>
        %max3A_157 = arith.maximumf %add3A_154, %max3A_156 : vector<16xf32>
        %swap3A_158 = arith.index_cast %scan3A_45 : i32 to index
        %swap3A_159 = arith.constant 96 : index
        %swap3A_160 = tpu.vector_load %arg9[%swap3A_158, %swap3A_159] {strides = array<i32>} : memref<128x128xf32, #tpu.memory_space<vmem>>, vector<1x16xf32>,
        %swap3A_161 = vector.shape_cast %swap3A_160 : vector<1x16xf32> to vector<16xf32>
        %swap3A_162 = vector.shape_cast %max3A_157 : vector<16xf32> to vector<1x16xf32>
        tpu.vector_store %arg9[%swap3A_158, %swap3A_159], %swap3A_162 {strides = array<i32>} : memref<128x128xf32, #tpu.memory_space<vmem>>, vector<1x16xf32>,
        %get3A_163 = arith.index_cast %scan3A_45 : i32 to index
        %get3A_164 = arith.constant 112 : index
        %get3A_165 = tpu.vector_load %arg9[%get3A_163, %get3A_164] {strides = array<i32>} : memref<128x128xf32, #tpu.memory_space<vmem>>, vector<1x16xf32>,
        %get3A_166 = vector.shape_cast %get3A_165 : vector<1x16xf32> to vector<16xf32>
        %get3A_167 = arith.index_cast %scan3A_45 : i32 to index
        %get3A_168 = arith.constant 112 : index
        %get3A_169 = tpu.vector_load %arg10[%get3A_167, %get3A_168] {strides = array<i32>} : memref<128x128xf32, #tpu.memory_space<vmem>>, vector<1x16xf32>,
        %get3A_170 = vector.shape_cast %get3A_169 : vector<1x16xf32> to vector<16xf32>
        %add3A_171 = arith.addf %get3A_166, %get3A_170 : vector<16xf32>
        %max3A_172 = arith.constant 0.000000e+00 : f32
        %max3A_173 = vector.broadcast %max3A_172 : f32 to vector<16xf32>
        %max3A_174 = arith.maximumf %add3A_171, %max3A_173 : vector<16xf32>
        %swap3A_175 = arith.index_cast %scan3A_45 : i32 to index
        %swap3A_176 = arith.constant 112 : index
        %swap3A_177 = tpu.vector_load %arg9[%swap3A_175, %swap3A_176] {strides = array<i32>} : memref<128x128xf32, #tpu.memory_space<vmem>>, vector<1x16xf32>,
        %swap3A_178 = vector.shape_cast %swap3A_177 : vector<1x16xf32> to vector<16xf32>
        %swap3A_179 = vector.shape_cast %max3A_174 : vector<16xf32> to vector<1x16xf32>
        tpu.vector_store %arg9[%swap3A_175, %swap3A_176], %swap3A_179 {strides = array<i32>} : memref<128x128xf32, #tpu.memory_space<vmem>>, vector<1x16xf32>,
        %scan3A_180 = arith.constant 0 : i32
        scf.yield %scan3A_180 : i32
      }
      %scan3A_43 = arith.constant 128 : i32
      "tpu.region"() ({
        %run_scoped3A = tpu.sem_alloc : memref<!tpu.dma_semaphore, #tpu.memory_space<semaphore_mem>>
        %dma_start3A_45 = arith.constant 0 : i32
        %dma_start3A_46 = arith.constant 0 : i32
        %dma_start3A_47 = tpu.memref_slice %arg11[%dma_start3A_45, %dma_start3A_46] : memref<10240x128xf32, #tpu.memory_space<vmem_shared>> -> memref<10240x128xf32, #tpu.memory_space<vmem_shared>>
        tpu.enqueue_indirect_dma source(%arg9 : memref<128x128xf32, #tpu.memory_space<vmem>>) target(%dma_start3A_47 : memref<10240x128xf32, #tpu.memory_space<vmem_shared>>) offsets(%arg8 : memref<128xi32, #tpu.memory_space<vmem>>) semaphore(%run_scoped3A : memref<!tpu.dma_semaphore, #tpu.memory_space<semaphore_mem>>) {add = true}
        %dma_wait3A_48 = arith.constant 0 : i32
        %dma_wait3A_49 = arith.constant 0 : i32
        %dma_wait3A_50 = tpu.memref_slice %arg11[%dma_wait3A_48, %dma_wait3A_49] : memref<10240x128xf32, #tpu.memory_space<vmem_shared>> -> memref<10240x128xf32, #tpu.memory_space<vmem_shared>>
        tpu.wait_indirect_dma semaphore(%run_scoped3A : memref<!tpu.dma_semaphore, #tpu.memory_space<semaphore_mem>>) src(%arg9 : memref<128x128xf32, #tpu.memory_space<vmem>>) dst(%dma_wait3A_50 : memref<10240x128xf32, #tpu.memory_space<vmem_shared>>)
        tpu.yield
      }) : () -> ()
      %scan3A_44 = arith.constant 0 : i32
      scf.yield %scan3A_44 : i32
    }
    %scan3A_20 = arith.constant 79 : i32
    %barrier3A_21 = arith.constant 0 : index
    tpu.barrier barrier_id(%barrier3A_21)
    %mul3A_22 = arith.constant 640 : i32
    %mul3A_23 = arith.muli %arg1, %mul3A_22 : i32
    %mul3A_24 = arith.constant 640 : i32
    %mul3A_25 = arith.muli %arg1, %mul3A_24 : i32
    "tpu.region"() ({
      %run_scoped3A = tpu.sem_alloc : memref<!tpu.dma_semaphore, #tpu.memory_space<semaphore_mem>>
      %dma_start3A = arith.constant 0 : i32
      %dma_start3A_26 = tpu.memref_slice %arg6[%arg0, %mul3A_25, %dma_start3A] : memref<2x10240x128xf32, #tpu.memory_space<hbm>> -> memref<1x640x128xf32, #tpu.memory_space<hbm>>
      %dma_start3A_27 = tpu.memref_squeeze %dma_start3A_26 : memref<1x640x128xf32, #tpu.memory_space<hbm>> -> memref<640x128xf32, #tpu.memory_space<hbm>>
      %dma_start3A_28 = arith.constant 0 : i32
      %dma_start3A_29 = tpu.memref_slice %arg11[%mul3A_23, %dma_start3A_28] : memref<10240x128xf32, #tpu.memory_space<vmem_shared>> -> memref<640x128xf32, #tpu.memory_space<vmem_shared>>
      tpu.enqueue_dma source(%dma_start3A_29 : memref<640x128xf32, #tpu.memory_space<vmem_shared>>) target(%dma_start3A_27 : memref<640x128xf32, #tpu.memory_space<hbm>>) target_semaphore(%run_scoped3A : memref<!tpu.dma_semaphore, #tpu.memory_space<semaphore_mem>>)
      %dma_wait3A = arith.constant 0 : i32
      %dma_wait3A_30 = tpu.memref_slice %arg6[%arg0, %mul3A_25, %dma_wait3A] : memref<2x10240x128xf32, #tpu.memory_space<hbm>> -> memref<1x640x128xf32, #tpu.memory_space<hbm>>
      %dma_wait3A_31 = tpu.memref_squeeze %dma_wait3A_30 : memref<1x640x128xf32, #tpu.memory_space<hbm>> -> memref<640x128xf32, #tpu.memory_space<hbm>>
      %dma_wait3A_32 = arith.constant 0 : i32
      %dma_wait3A_33 = tpu.memref_slice %arg11[%mul3A_23, %dma_wait3A_32] : memref<10240x128xf32, #tpu.memory_space<vmem_shared>> -> memref<640x128xf32, #tpu.memory_space<vmem_shared>>
      tpu.wait_dma2 semaphore(%run_scoped3A : memref<!tpu.dma_semaphore, #tpu.memory_space<semaphore_mem>>) src(%dma_wait3A_33 : memref<640x128xf32, #tpu.memory_space<vmem_shared>>) dst(%dma_wait3A_31 : memref<640x128xf32, #tpu.memory_space<hbm>>)
      tpu.yield
    }) : () -> ()
    return
  }
}

#map = affine_map<(d0, d1) -> (0, 0)>
#map1 = affine_map<(d0, d1) -> (0)>
#map2 = affine_map<(d0, d1) -> (0, 0, 0)>
module attributes {stable_mosaic.version = 14 : i64} {
  func.func @_msg_body(%arg0: i32, %arg1: i32, %arg2: memref<10240x128xf32, #tpu.memory_space<hbm>>, %arg3: memref<323584x128xf32, #tpu.memory_space<hbm>>, %arg4: memref<323584xi32, #tpu.memory_space<hbm>>, %arg5: memref<323584xi32, #tpu.memory_space<hbm>>, %arg6: memref<2x10240x128xf32, #tpu.memory_space<hbm>>, %arg7: memref<128xi32, #tpu.memory_space<vmem>>, %arg8: memref<128xi32, #tpu.memory_space<vmem>>, %arg9: memref<128x128xf32, #tpu.memory_space<vmem>>, %arg10: memref<128x128xf32, #tpu.memory_space<vmem>>, %arg11: memref<10240x128xf32, #tpu.memory_space<vmem_shared>>, %arg12: memref<!tpu.dma_semaphore, #tpu.memory_space<semaphore_mem>>) attributes {dimension_semantics = [#tpu.dimension_semantics<core_parallel>, #tpu.dimension_semantics<subcore_parallel>], iteration_bounds = array<i64: 2, 16>, scalar_prefetch = 0 : i64, scratch_operands = 6 : i64, tpu.core_type = #tpu.core_type<sc_vector_subcore>, window_params = [{transform_indices = #map}, {transform_indices = #map}, {transform_indices = #map1}, {transform_indices = #map1}, {transform_indices = #map2}]} {
    %mul3A = arith.constant 2 : i32
    %mul3A_0 = arith.muli %arg1, %mul3A : i32
    %add3A = arith.addi %mul3A_0, %arg0 : i32
    %scan3A = arith.constant 0 : i32
    %scan3A_1 = arith.constant 0 : i32
    %scan3A_2 = arith.constant 128 : i32
    %scan3A_3 = arith.addi %scan3A_1, %scan3A_2 : i32
    %scan3A_4 = arith.constant 1 : i32
    %scan3A_5 = scf.for %scan3A_26 = %scan3A_1 to %scan3A_3 step %scan3A_4 iter_args(%scan3A_27 = %scan3A) -> (i32)  : i32 {
      %broadcast_in_dim3A = arith.constant 0.000000e+00 : f32
      %broadcast_in_dim3A_28 = vector.broadcast %broadcast_in_dim3A : f32 to vector<16xf32>
      %swap3A = arith.index_cast %scan3A_26 : i32 to index
      %swap3A_29 = arith.constant 0 : index
      %swap3A_30 = tpu.vector_load %arg9[%swap3A, %swap3A_29] {strides = array<i32>} : memref<128x128xf32, #tpu.memory_space<vmem>>, vector<1x16xf32>,
      %swap3A_31 = vector.shape_cast %swap3A_30 : vector<1x16xf32> to vector<16xf32>
      %swap3A_32 = vector.shape_cast %broadcast_in_dim3A_28 : vector<16xf32> to vector<1x16xf32>
      tpu.vector_store %arg9[%swap3A, %swap3A_29], %swap3A_32 {strides = array<i32>} : memref<128x128xf32, #tpu.memory_space<vmem>>, vector<1x16xf32>,
      %broadcast_in_dim3A_33 = arith.constant 0.000000e+00 : f32
      %broadcast_in_dim3A_34 = vector.broadcast %broadcast_in_dim3A_33 : f32 to vector<16xf32>
      %swap3A_35 = arith.index_cast %scan3A_26 : i32 to index
      %swap3A_36 = arith.constant 16 : index
      %swap3A_37 = tpu.vector_load %arg9[%swap3A_35, %swap3A_36] {strides = array<i32>} : memref<128x128xf32, #tpu.memory_space<vmem>>, vector<1x16xf32>,
      %swap3A_38 = vector.shape_cast %swap3A_37 : vector<1x16xf32> to vector<16xf32>
      %swap3A_39 = vector.shape_cast %broadcast_in_dim3A_34 : vector<16xf32> to vector<1x16xf32>
      tpu.vector_store %arg9[%swap3A_35, %swap3A_36], %swap3A_39 {strides = array<i32>} : memref<128x128xf32, #tpu.memory_space<vmem>>, vector<1x16xf32>,
      %broadcast_in_dim3A_40 = arith.constant 0.000000e+00 : f32
      %broadcast_in_dim3A_41 = vector.broadcast %broadcast_in_dim3A_40 : f32 to vector<16xf32>
      %swap3A_42 = arith.index_cast %scan3A_26 : i32 to index
      %swap3A_43 = arith.constant 32 : index
      %swap3A_44 = tpu.vector_load %arg9[%swap3A_42, %swap3A_43] {strides = array<i32>} : memref<128x128xf32, #tpu.memory_space<vmem>>, vector<1x16xf32>,
      %swap3A_45 = vector.shape_cast %swap3A_44 : vector<1x16xf32> to vector<16xf32>
      %swap3A_46 = vector.shape_cast %broadcast_in_dim3A_41 : vector<16xf32> to vector<1x16xf32>
      tpu.vector_store %arg9[%swap3A_42, %swap3A_43], %swap3A_46 {strides = array<i32>} : memref<128x128xf32, #tpu.memory_space<vmem>>, vector<1x16xf32>,
      %broadcast_in_dim3A_47 = arith.constant 0.000000e+00 : f32
      %broadcast_in_dim3A_48 = vector.broadcast %broadcast_in_dim3A_47 : f32 to vector<16xf32>
      %swap3A_49 = arith.index_cast %scan3A_26 : i32 to index
      %swap3A_50 = arith.constant 48 : index
      %swap3A_51 = tpu.vector_load %arg9[%swap3A_49, %swap3A_50] {strides = array<i32>} : memref<128x128xf32, #tpu.memory_space<vmem>>, vector<1x16xf32>,
      %swap3A_52 = vector.shape_cast %swap3A_51 : vector<1x16xf32> to vector<16xf32>
      %swap3A_53 = vector.shape_cast %broadcast_in_dim3A_48 : vector<16xf32> to vector<1x16xf32>
      tpu.vector_store %arg9[%swap3A_49, %swap3A_50], %swap3A_53 {strides = array<i32>} : memref<128x128xf32, #tpu.memory_space<vmem>>, vector<1x16xf32>,
      %broadcast_in_dim3A_54 = arith.constant 0.000000e+00 : f32
      %broadcast_in_dim3A_55 = vector.broadcast %broadcast_in_dim3A_54 : f32 to vector<16xf32>
      %swap3A_56 = arith.index_cast %scan3A_26 : i32 to index
      %swap3A_57 = arith.constant 64 : index
      %swap3A_58 = tpu.vector_load %arg9[%swap3A_56, %swap3A_57] {strides = array<i32>} : memref<128x128xf32, #tpu.memory_space<vmem>>, vector<1x16xf32>,
      %swap3A_59 = vector.shape_cast %swap3A_58 : vector<1x16xf32> to vector<16xf32>
      %swap3A_60 = vector.shape_cast %broadcast_in_dim3A_55 : vector<16xf32> to vector<1x16xf32>
      tpu.vector_store %arg9[%swap3A_56, %swap3A_57], %swap3A_60 {strides = array<i32>} : memref<128x128xf32, #tpu.memory_space<vmem>>, vector<1x16xf32>,
      %broadcast_in_dim3A_61 = arith.constant 0.000000e+00 : f32
      %broadcast_in_dim3A_62 = vector.broadcast %broadcast_in_dim3A_61 : f32 to vector<16xf32>
      %swap3A_63 = arith.index_cast %scan3A_26 : i32 to index
      %swap3A_64 = arith.constant 80 : index
      %swap3A_65 = tpu.vector_load %arg9[%swap3A_63, %swap3A_64] {strides = array<i32>} : memref<128x128xf32, #tpu.memory_space<vmem>>, vector<1x16xf32>,
      %swap3A_66 = vector.shape_cast %swap3A_65 : vector<1x16xf32> to vector<16xf32>
      %swap3A_67 = vector.shape_cast %broadcast_in_dim3A_62 : vector<16xf32> to vector<1x16xf32>
      tpu.vector_store %arg9[%swap3A_63, %swap3A_64], %swap3A_67 {strides = array<i32>} : memref<128x128xf32, #tpu.memory_space<vmem>>, vector<1x16xf32>,
      %broadcast_in_dim3A_68 = arith.constant 0.000000e+00 : f32
      %broadcast_in_dim3A_69 = vector.broadcast %broadcast_in_dim3A_68 : f32 to vector<16xf32>
      %swap3A_70 = arith.index_cast %scan3A_26 : i32 to index
      %swap3A_71 = arith.constant 96 : index
      %swap3A_72 = tpu.vector_load %arg9[%swap3A_70, %swap3A_71] {strides = array<i32>} : memref<128x128xf32, #tpu.memory_space<vmem>>, vector<1x16xf32>,
      %swap3A_73 = vector.shape_cast %swap3A_72 : vector<1x16xf32> to vector<16xf32>
      %swap3A_74 = vector.shape_cast %broadcast_in_dim3A_69 : vector<16xf32> to vector<1x16xf32>
      tpu.vector_store %arg9[%swap3A_70, %swap3A_71], %swap3A_74 {strides = array<i32>} : memref<128x128xf32, #tpu.memory_space<vmem>>, vector<1x16xf32>,
      %broadcast_in_dim3A_75 = arith.constant 0.000000e+00 : f32
      %broadcast_in_dim3A_76 = vector.broadcast %broadcast_in_dim3A_75 : f32 to vector<16xf32>
      %swap3A_77 = arith.index_cast %scan3A_26 : i32 to index
      %swap3A_78 = arith.constant 112 : index
      %swap3A_79 = tpu.vector_load %arg9[%swap3A_77, %swap3A_78] {strides = array<i32>} : memref<128x128xf32, #tpu.memory_space<vmem>>, vector<1x16xf32>,
      %swap3A_80 = vector.shape_cast %swap3A_79 : vector<1x16xf32> to vector<16xf32>
      %swap3A_81 = vector.shape_cast %broadcast_in_dim3A_76 : vector<16xf32> to vector<1x16xf32>
      tpu.vector_store %arg9[%swap3A_77, %swap3A_78], %swap3A_81 {strides = array<i32>} : memref<128x128xf32, #tpu.memory_space<vmem>>, vector<1x16xf32>,
      %scan3A_82 = arith.constant 0 : i32
      scf.yield %scan3A_82 : i32
    }
    %scan3A_6 = arith.constant 128 : i32
    %scan3A_7 = arith.constant 0 : i32
    %scan3A_8 = arith.constant 0 : i32
    %scan3A_9 = arith.constant 5 : i32
    %scan3A_10 = arith.addi %scan3A_8, %scan3A_9 : i32
    %scan3A_11 = arith.constant 1 : i32
    %scan3A_12 = scf.for %scan3A_26 = %scan3A_8 to %scan3A_10 step %scan3A_11 iter_args(%scan3A_27 = %scan3A_7) -> (i32)  : i32 {
      %mul3A_28 = arith.constant 640 : i32
      %mul3A_29 = arith.muli %arg1, %mul3A_28 : i32
      %mul3A_30 = arith.constant 128 : i32
      %mul3A_31 = arith.muli %scan3A_26, %mul3A_30 : i32
      %add3A_32 = arith.addi %mul3A_29, %mul3A_31 : i32
      "tpu.region"() ({
        %run_scoped3A = tpu.sem_alloc : memref<!tpu.dma_semaphore, #tpu.memory_space<semaphore_mem>>
        %dma_start3A = arith.constant 0 : i32
        %dma_start3A_34 = tpu.memref_slice %arg11[%add3A_32, %dma_start3A] : memref<10240x128xf32, #tpu.memory_space<vmem_shared>> -> memref<128x128xf32, #tpu.memory_space<vmem_shared>>
        %dma_start3A_35 = arith.constant 0 : i32
        %dma_start3A_36 = tpu.memref_slice %arg11[%add3A_32, %dma_start3A_35] : memref<10240x128xf32, #tpu.memory_space<vmem_shared>> -> memref<128x128xf32, #tpu.memory_space<vmem_shared>>
        tpu.enqueue_dma source(%arg9 : memref<128x128xf32, #tpu.memory_space<vmem>>) target(%dma_start3A_36 : memref<128x128xf32, #tpu.memory_space<vmem_shared>>) target_semaphore(%run_scoped3A : memref<!tpu.dma_semaphore, #tpu.memory_space<semaphore_mem>>)
        %dma_wait3A = arith.constant 0 : i32
        %dma_wait3A_37 = tpu.memref_slice %arg11[%add3A_32, %dma_wait3A] : memref<10240x128xf32, #tpu.memory_space<vmem_shared>> -> memref<128x128xf32, #tpu.memory_space<vmem_shared>>
        %dma_wait3A_38 = arith.constant 0 : i32
        %dma_wait3A_39 = tpu.memref_slice %arg11[%add3A_32, %dma_wait3A_38] : memref<10240x128xf32, #tpu.memory_space<vmem_shared>> -> memref<128x128xf32, #tpu.memory_space<vmem_shared>>
        tpu.wait_dma2 semaphore(%run_scoped3A : memref<!tpu.dma_semaphore, #tpu.memory_space<semaphore_mem>>) src(%arg9 : memref<128x128xf32, #tpu.memory_space<vmem>>) dst(%dma_wait3A_39 : memref<128x128xf32, #tpu.memory_space<vmem_shared>>)
        tpu.yield
      }) : () -> ()
      %scan3A_33 = arith.constant 0 : i32
      scf.yield %scan3A_33 : i32
    }
    %scan3A_13 = arith.constant 5 : i32
    %barrier3A = arith.constant 0 : index
    tpu.barrier barrier_id(%barrier3A)
    %scan3A_14 = arith.constant 0 : i32
    %scan3A_15 = arith.constant 0 : i32
    %scan3A_16 = arith.constant 79 : i32
    %scan3A_17 = arith.addi %scan3A_15, %scan3A_16 : i32
    %scan3A_18 = arith.constant 1 : i32
    %scan3A_19 = scf.for %scan3A_26 = %scan3A_15 to %scan3A_17 step %scan3A_18 iter_args(%scan3A_27 = %scan3A_14) -> (i32)  : i32 {
      %mul3A_28 = arith.constant 79 : i32
      %mul3A_29 = arith.muli %add3A, %mul3A_28 : i32
      %add3A_30 = arith.addi %mul3A_29, %scan3A_26 : i32
      %mul3A_31 = arith.constant 128 : i32
      %mul3A_32 = arith.muli %add3A_30, %mul3A_31 : i32
      "tpu.region"() ({
        %run_scoped3A = tpu.sem_alloc : memref<!tpu.dma_semaphore, #tpu.memory_space<semaphore_mem>>
        %dma_start3A_45 = tpu.memref_slice %arg4[%mul3A_32] : memref<323584xi32, #tpu.memory_space<hbm>> -> memref<128xi32, #tpu.memory_space<hbm>>
        %dma_start3A_46 = tpu.memref_slice %arg4[%mul3A_32] : memref<323584xi32, #tpu.memory_space<hbm>> -> memref<128xi32, #tpu.memory_space<hbm>>
        tpu.enqueue_dma source(%dma_start3A_46 : memref<128xi32, #tpu.memory_space<hbm>>) target(%arg7 : memref<128xi32, #tpu.memory_space<vmem>>) target_semaphore(%run_scoped3A : memref<!tpu.dma_semaphore, #tpu.memory_space<semaphore_mem>>)
        %dma_wait3A_47 = tpu.memref_slice %arg4[%mul3A_32] : memref<323584xi32, #tpu.memory_space<hbm>> -> memref<128xi32, #tpu.memory_space<hbm>>
        %dma_wait3A_48 = tpu.memref_slice %arg4[%mul3A_32] : memref<323584xi32, #tpu.memory_space<hbm>> -> memref<128xi32, #tpu.memory_space<hbm>>
        tpu.wait_dma2 semaphore(%run_scoped3A : memref<!tpu.dma_semaphore, #tpu.memory_space<semaphore_mem>>) src(%dma_wait3A_48 : memref<128xi32, #tpu.memory_space<hbm>>) dst(%arg7 : memref<128xi32, #tpu.memory_space<vmem>>)
        tpu.yield
      }) : () -> ()
      "tpu.region"() ({
        %run_scoped3A = tpu.sem_alloc : memref<!tpu.dma_semaphore, #tpu.memory_space<semaphore_mem>>
        %dma_start3A_45 = tpu.memref_slice %arg5[%mul3A_32] : memref<323584xi32, #tpu.memory_space<hbm>> -> memref<128xi32, #tpu.memory_space<hbm>>
        %dma_start3A_46 = tpu.memref_slice %arg5[%mul3A_32] : memref<323584xi32, #tpu.memory_space<hbm>> -> memref<128xi32, #tpu.memory_space<hbm>>
        tpu.enqueue_dma source(%dma_start3A_46 : memref<128xi32, #tpu.memory_space<hbm>>) target(%arg8 : memref<128xi32, #tpu.memory_space<vmem>>) target_semaphore(%run_scoped3A : memref<!tpu.dma_semaphore, #tpu.memory_space<semaphore_mem>>)
        %dma_wait3A_47 = tpu.memref_slice %arg5[%mul3A_32] : memref<323584xi32, #tpu.memory_space<hbm>> -> memref<128xi32, #tpu.memory_space<hbm>>
        %dma_wait3A_48 = tpu.memref_slice %arg5[%mul3A_32] : memref<323584xi32, #tpu.memory_space<hbm>> -> memref<128xi32, #tpu.memory_space<hbm>>
        tpu.wait_dma2 semaphore(%run_scoped3A : memref<!tpu.dma_semaphore, #tpu.memory_space<semaphore_mem>>) src(%dma_wait3A_48 : memref<128xi32, #tpu.memory_space<hbm>>) dst(%arg8 : memref<128xi32, #tpu.memory_space<vmem>>)
        tpu.yield
      }) : () -> ()
      %dma_start3A = arith.constant 0 : i32
      %dma_start3A_33 = arith.constant 0 : i32
      %dma_start3A_34 = tpu.memref_slice %arg2[%dma_start3A, %dma_start3A_33] : memref<10240x128xf32, #tpu.memory_space<hbm>> -> memref<10240x128xf32, #tpu.memory_space<hbm>>
      tpu.enqueue_indirect_dma source(%dma_start3A_34 : memref<10240x128xf32, #tpu.memory_space<hbm>>) target(%arg9 : memref<128x128xf32, #tpu.memory_space<vmem>>) offsets(%arg7 : memref<128xi32, #tpu.memory_space<vmem>>) semaphore(%arg12 : memref<!tpu.dma_semaphore, #tpu.memory_space<semaphore_mem>>)
      %dma_wait3A = arith.constant 0 : i32
      %dma_wait3A_35 = arith.constant 0 : i32
      %dma_wait3A_36 = tpu.memref_slice %arg2[%dma_wait3A, %dma_wait3A_35] : memref<10240x128xf32, #tpu.memory_space<hbm>> -> memref<10240x128xf32, #tpu.memory_space<hbm>>
      tpu.wait_indirect_dma semaphore(%arg12 : memref<!tpu.dma_semaphore, #tpu.memory_space<semaphore_mem>>) src(%dma_wait3A_36 : memref<10240x128xf32, #tpu.memory_space<hbm>>) dst(%arg9 : memref<128x128xf32, #tpu.memory_space<vmem>>)
      "tpu.region"() ({
        %run_scoped3A = tpu.sem_alloc : memref<!tpu.dma_semaphore, #tpu.memory_space<semaphore_mem>>
        %dma_start3A_45 = arith.constant 0 : i32
        %dma_start3A_46 = tpu.memref_slice %arg3[%mul3A_32, %dma_start3A_45] : memref<323584x128xf32, #tpu.memory_space<hbm>> -> memref<128x128xf32, #tpu.memory_space<hbm>>
        %dma_start3A_47 = arith.constant 0 : i32
        %dma_start3A_48 = tpu.memref_slice %arg3[%mul3A_32, %dma_start3A_47] : memref<323584x128xf32, #tpu.memory_space<hbm>> -> memref<128x128xf32, #tpu.memory_space<hbm>>
        tpu.enqueue_dma source(%dma_start3A_48 : memref<128x128xf32, #tpu.memory_space<hbm>>) target(%arg10 : memref<128x128xf32, #tpu.memory_space<vmem>>) target_semaphore(%run_scoped3A : memref<!tpu.dma_semaphore, #tpu.memory_space<semaphore_mem>>)
        %dma_wait3A_49 = arith.constant 0 : i32
        %dma_wait3A_50 = tpu.memref_slice %arg3[%mul3A_32, %dma_wait3A_49] : memref<323584x128xf32, #tpu.memory_space<hbm>> -> memref<128x128xf32, #tpu.memory_space<hbm>>
        %dma_wait3A_51 = arith.constant 0 : i32
        %dma_wait3A_52 = tpu.memref_slice %arg3[%mul3A_32, %dma_wait3A_51] : memref<323584x128xf32, #tpu.memory_space<hbm>> -> memref<128x128xf32, #tpu.memory_space<hbm>>
        tpu.wait_dma2 semaphore(%run_scoped3A : memref<!tpu.dma_semaphore, #tpu.memory_space<semaphore_mem>>) src(%dma_wait3A_52 : memref<128x128xf32, #tpu.memory_space<hbm>>) dst(%arg10 : memref<128x128xf32, #tpu.memory_space<vmem>>)
        tpu.yield
      }) : () -> ()
      %scan3A_37 = arith.constant 0 : i32
      %scan3A_38 = arith.constant 0 : i32
      %scan3A_39 = arith.constant 128 : i32
      %scan3A_40 = arith.addi %scan3A_38, %scan3A_39 : i32
      %scan3A_41 = arith.constant 1 : i32
      %scan3A_42 = scf.for %scan3A_45 = %scan3A_38 to %scan3A_40 step %scan3A_41 iter_args(%scan3A_46 = %scan3A_37) -> (i32)  : i32 {
        %get3A = arith.index_cast %scan3A_45 : i32 to index
        %get3A_47 = arith.constant 0 : index
        %get3A_48 = tpu.vector_load %arg9[%get3A, %get3A_47] {strides = array<i32>} : memref<128x128xf32, #tpu.memory_space<vmem>>, vector<1x16xf32>,
        %get3A_49 = vector.shape_cast %get3A_48 : vector<1x16xf32> to vector<16xf32>
        %get3A_50 = arith.index_cast %scan3A_45 : i32 to index
        %get3A_51 = arith.constant 0 : index
        %get3A_52 = tpu.vector_load %arg10[%get3A_50, %get3A_51] {strides = array<i32>} : memref<128x128xf32, #tpu.memory_space<vmem>>, vector<1x16xf32>,
        %get3A_53 = vector.shape_cast %get3A_52 : vector<1x16xf32> to vector<16xf32>
        %add3A_54 = arith.addf %get3A_49, %get3A_53 : vector<16xf32>
        %max3A = arith.constant 0.000000e+00 : f32
        %max3A_55 = vector.broadcast %max3A : f32 to vector<16xf32>
        %max3A_56 = arith.maximumf %add3A_54, %max3A_55 : vector<16xf32>
        %swap3A = arith.index_cast %scan3A_45 : i32 to index
        %swap3A_57 = arith.constant 0 : index
        %swap3A_58 = tpu.vector_load %arg9[%swap3A, %swap3A_57] {strides = array<i32>} : memref<128x128xf32, #tpu.memory_space<vmem>>, vector<1x16xf32>,
        %swap3A_59 = vector.shape_cast %swap3A_58 : vector<1x16xf32> to vector<16xf32>
        %swap3A_60 = vector.shape_cast %max3A_56 : vector<16xf32> to vector<1x16xf32>
        tpu.vector_store %arg9[%swap3A, %swap3A_57], %swap3A_60 {strides = array<i32>} : memref<128x128xf32, #tpu.memory_space<vmem>>, vector<1x16xf32>,
        %get3A_61 = arith.index_cast %scan3A_45 : i32 to index
        %get3A_62 = arith.constant 16 : index
        %get3A_63 = tpu.vector_load %arg9[%get3A_61, %get3A_62] {strides = array<i32>} : memref<128x128xf32, #tpu.memory_space<vmem>>, vector<1x16xf32>,
        %get3A_64 = vector.shape_cast %get3A_63 : vector<1x16xf32> to vector<16xf32>
        %get3A_65 = arith.index_cast %scan3A_45 : i32 to index
        %get3A_66 = arith.constant 16 : index
        %get3A_67 = tpu.vector_load %arg10[%get3A_65, %get3A_66] {strides = array<i32>} : memref<128x128xf32, #tpu.memory_space<vmem>>, vector<1x16xf32>,
        %get3A_68 = vector.shape_cast %get3A_67 : vector<1x16xf32> to vector<16xf32>
        %add3A_69 = arith.addf %get3A_64, %get3A_68 : vector<16xf32>
        %max3A_70 = arith.constant 0.000000e+00 : f32
        %max3A_71 = vector.broadcast %max3A_70 : f32 to vector<16xf32>
        %max3A_72 = arith.maximumf %add3A_69, %max3A_71 : vector<16xf32>
        %swap3A_73 = arith.index_cast %scan3A_45 : i32 to index
        %swap3A_74 = arith.constant 16 : index
        %swap3A_75 = tpu.vector_load %arg9[%swap3A_73, %swap3A_74] {strides = array<i32>} : memref<128x128xf32, #tpu.memory_space<vmem>>, vector<1x16xf32>,
        %swap3A_76 = vector.shape_cast %swap3A_75 : vector<1x16xf32> to vector<16xf32>
        %swap3A_77 = vector.shape_cast %max3A_72 : vector<16xf32> to vector<1x16xf32>
        tpu.vector_store %arg9[%swap3A_73, %swap3A_74], %swap3A_77 {strides = array<i32>} : memref<128x128xf32, #tpu.memory_space<vmem>>, vector<1x16xf32>,
        %get3A_78 = arith.index_cast %scan3A_45 : i32 to index
        %get3A_79 = arith.constant 32 : index
        %get3A_80 = tpu.vector_load %arg9[%get3A_78, %get3A_79] {strides = array<i32>} : memref<128x128xf32, #tpu.memory_space<vmem>>, vector<1x16xf32>,
        %get3A_81 = vector.shape_cast %get3A_80 : vector<1x16xf32> to vector<16xf32>
        %get3A_82 = arith.index_cast %scan3A_45 : i32 to index
        %get3A_83 = arith.constant 32 : index
        %get3A_84 = tpu.vector_load %arg10[%get3A_82, %get3A_83] {strides = array<i32>} : memref<128x128xf32, #tpu.memory_space<vmem>>, vector<1x16xf32>,
        %get3A_85 = vector.shape_cast %get3A_84 : vector<1x16xf32> to vector<16xf32>
        %add3A_86 = arith.addf %get3A_81, %get3A_85 : vector<16xf32>
        %max3A_87 = arith.constant 0.000000e+00 : f32
        %max3A_88 = vector.broadcast %max3A_87 : f32 to vector<16xf32>
        %max3A_89 = arith.maximumf %add3A_86, %max3A_88 : vector<16xf32>
        %swap3A_90 = arith.index_cast %scan3A_45 : i32 to index
        %swap3A_91 = arith.constant 32 : index
        %swap3A_92 = tpu.vector_load %arg9[%swap3A_90, %swap3A_91] {strides = array<i32>} : memref<128x128xf32, #tpu.memory_space<vmem>>, vector<1x16xf32>,
        %swap3A_93 = vector.shape_cast %swap3A_92 : vector<1x16xf32> to vector<16xf32>
        %swap3A_94 = vector.shape_cast %max3A_89 : vector<16xf32> to vector<1x16xf32>
        tpu.vector_store %arg9[%swap3A_90, %swap3A_91], %swap3A_94 {strides = array<i32>} : memref<128x128xf32, #tpu.memory_space<vmem>>, vector<1x16xf32>,
        %get3A_95 = arith.index_cast %scan3A_45 : i32 to index
        %get3A_96 = arith.constant 48 : index
        %get3A_97 = tpu.vector_load %arg9[%get3A_95, %get3A_96] {strides = array<i32>} : memref<128x128xf32, #tpu.memory_space<vmem>>, vector<1x16xf32>,
        %get3A_98 = vector.shape_cast %get3A_97 : vector<1x16xf32> to vector<16xf32>
        %get3A_99 = arith.index_cast %scan3A_45 : i32 to index
        %get3A_100 = arith.constant 48 : index
        %get3A_101 = tpu.vector_load %arg10[%get3A_99, %get3A_100] {strides = array<i32>} : memref<128x128xf32, #tpu.memory_space<vmem>>, vector<1x16xf32>,
        %get3A_102 = vector.shape_cast %get3A_101 : vector<1x16xf32> to vector<16xf32>
        %add3A_103 = arith.addf %get3A_98, %get3A_102 : vector<16xf32>
        %max3A_104 = arith.constant 0.000000e+00 : f32
        %max3A_105 = vector.broadcast %max3A_104 : f32 to vector<16xf32>
        %max3A_106 = arith.maximumf %add3A_103, %max3A_105 : vector<16xf32>
        %swap3A_107 = arith.index_cast %scan3A_45 : i32 to index
        %swap3A_108 = arith.constant 48 : index
        %swap3A_109 = tpu.vector_load %arg9[%swap3A_107, %swap3A_108] {strides = array<i32>} : memref<128x128xf32, #tpu.memory_space<vmem>>, vector<1x16xf32>,
        %swap3A_110 = vector.shape_cast %swap3A_109 : vector<1x16xf32> to vector<16xf32>
        %swap3A_111 = vector.shape_cast %max3A_106 : vector<16xf32> to vector<1x16xf32>
        tpu.vector_store %arg9[%swap3A_107, %swap3A_108], %swap3A_111 {strides = array<i32>} : memref<128x128xf32, #tpu.memory_space<vmem>>, vector<1x16xf32>,
        %get3A_112 = arith.index_cast %scan3A_45 : i32 to index
        %get3A_113 = arith.constant 64 : index
        %get3A_114 = tpu.vector_load %arg9[%get3A_112, %get3A_113] {strides = array<i32>} : memref<128x128xf32, #tpu.memory_space<vmem>>, vector<1x16xf32>,
        %get3A_115 = vector.shape_cast %get3A_114 : vector<1x16xf32> to vector<16xf32>
        %get3A_116 = arith.index_cast %scan3A_45 : i32 to index
        %get3A_117 = arith.constant 64 : index
        %get3A_118 = tpu.vector_load %arg10[%get3A_116, %get3A_117] {strides = array<i32>} : memref<128x128xf32, #tpu.memory_space<vmem>>, vector<1x16xf32>,
        %get3A_119 = vector.shape_cast %get3A_118 : vector<1x16xf32> to vector<16xf32>
        %add3A_120 = arith.addf %get3A_115, %get3A_119 : vector<16xf32>
        %max3A_121 = arith.constant 0.000000e+00 : f32
        %max3A_122 = vector.broadcast %max3A_121 : f32 to vector<16xf32>
        %max3A_123 = arith.maximumf %add3A_120, %max3A_122 : vector<16xf32>
        %swap3A_124 = arith.index_cast %scan3A_45 : i32 to index
        %swap3A_125 = arith.constant 64 : index
        %swap3A_126 = tpu.vector_load %arg9[%swap3A_124, %swap3A_125] {strides = array<i32>} : memref<128x128xf32, #tpu.memory_space<vmem>>, vector<1x16xf32>,
        %swap3A_127 = vector.shape_cast %swap3A_126 : vector<1x16xf32> to vector<16xf32>
        %swap3A_128 = vector.shape_cast %max3A_123 : vector<16xf32> to vector<1x16xf32>
        tpu.vector_store %arg9[%swap3A_124, %swap3A_125], %swap3A_128 {strides = array<i32>} : memref<128x128xf32, #tpu.memory_space<vmem>>, vector<1x16xf32>,
        %get3A_129 = arith.index_cast %scan3A_45 : i32 to index
        %get3A_130 = arith.constant 80 : index
        %get3A_131 = tpu.vector_load %arg9[%get3A_129, %get3A_130] {strides = array<i32>} : memref<128x128xf32, #tpu.memory_space<vmem>>, vector<1x16xf32>,
        %get3A_132 = vector.shape_cast %get3A_131 : vector<1x16xf32> to vector<16xf32>
        %get3A_133 = arith.index_cast %scan3A_45 : i32 to index
        %get3A_134 = arith.constant 80 : index
        %get3A_135 = tpu.vector_load %arg10[%get3A_133, %get3A_134] {strides = array<i32>} : memref<128x128xf32, #tpu.memory_space<vmem>>, vector<1x16xf32>,
        %get3A_136 = vector.shape_cast %get3A_135 : vector<1x16xf32> to vector<16xf32>
        %add3A_137 = arith.addf %get3A_132, %get3A_136 : vector<16xf32>
        %max3A_138 = arith.constant 0.000000e+00 : f32
        %max3A_139 = vector.broadcast %max3A_138 : f32 to vector<16xf32>
        %max3A_140 = arith.maximumf %add3A_137, %max3A_139 : vector<16xf32>
        %swap3A_141 = arith.index_cast %scan3A_45 : i32 to index
        %swap3A_142 = arith.constant 80 : index
        %swap3A_143 = tpu.vector_load %arg9[%swap3A_141, %swap3A_142] {strides = array<i32>} : memref<128x128xf32, #tpu.memory_space<vmem>>, vector<1x16xf32>,
        %swap3A_144 = vector.shape_cast %swap3A_143 : vector<1x16xf32> to vector<16xf32>
        %swap3A_145 = vector.shape_cast %max3A_140 : vector<16xf32> to vector<1x16xf32>
        tpu.vector_store %arg9[%swap3A_141, %swap3A_142], %swap3A_145 {strides = array<i32>} : memref<128x128xf32, #tpu.memory_space<vmem>>, vector<1x16xf32>,
        %get3A_146 = arith.index_cast %scan3A_45 : i32 to index
        %get3A_147 = arith.constant 96 : index
        %get3A_148 = tpu.vector_load %arg9[%get3A_146, %get3A_147] {strides = array<i32>} : memref<128x128xf32, #tpu.memory_space<vmem>>, vector<1x16xf32>,
        %get3A_149 = vector.shape_cast %get3A_148 : vector<1x16xf32> to vector<16xf32>
        %get3A_150 = arith.index_cast %scan3A_45 : i32 to index
        %get3A_151 = arith.constant 96 : index
        %get3A_152 = tpu.vector_load %arg10[%get3A_150, %get3A_151] {strides = array<i32>} : memref<128x128xf32, #tpu.memory_space<vmem>>, vector<1x16xf32>,
        %get3A_153 = vector.shape_cast %get3A_152 : vector<1x16xf32> to vector<16xf32>
        %add3A_154 = arith.addf %get3A_149, %get3A_153 : vector<16xf32>
        %max3A_155 = arith.constant 0.000000e+00 : f32
        %max3A_156 = vector.broadcast %max3A_155 : f32 to vector<16xf32>
        %max3A_157 = arith.maximumf %add3A_154, %max3A_156 : vector<16xf32>
        %swap3A_158 = arith.index_cast %scan3A_45 : i32 to index
        %swap3A_159 = arith.constant 96 : index
        %swap3A_160 = tpu.vector_load %arg9[%swap3A_158, %swap3A_159] {strides = array<i32>} : memref<128x128xf32, #tpu.memory_space<vmem>>, vector<1x16xf32>,
        %swap3A_161 = vector.shape_cast %swap3A_160 : vector<1x16xf32> to vector<16xf32>
        %swap3A_162 = vector.shape_cast %max3A_157 : vector<16xf32> to vector<1x16xf32>
        tpu.vector_store %arg9[%swap3A_158, %swap3A_159], %swap3A_162 {strides = array<i32>} : memref<128x128xf32, #tpu.memory_space<vmem>>, vector<1x16xf32>,
        %get3A_163 = arith.index_cast %scan3A_45 : i32 to index
        %get3A_164 = arith.constant 112 : index
        %get3A_165 = tpu.vector_load %arg9[%get3A_163, %get3A_164] {strides = array<i32>} : memref<128x128xf32, #tpu.memory_space<vmem>>, vector<1x16xf32>,
        %get3A_166 = vector.shape_cast %get3A_165 : vector<1x16xf32> to vector<16xf32>
        %get3A_167 = arith.index_cast %scan3A_45 : i32 to index
        %get3A_168 = arith.constant 112 : index
        %get3A_169 = tpu.vector_load %arg10[%get3A_167, %get3A_168] {strides = array<i32>} : memref<128x128xf32, #tpu.memory_space<vmem>>, vector<1x16xf32>,
        %get3A_170 = vector.shape_cast %get3A_169 : vector<1x16xf32> to vector<16xf32>
        %add3A_171 = arith.addf %get3A_166, %get3A_170 : vector<16xf32>
        %max3A_172 = arith.constant 0.000000e+00 : f32
        %max3A_173 = vector.broadcast %max3A_172 : f32 to vector<16xf32>
        %max3A_174 = arith.maximumf %add3A_171, %max3A_173 : vector<16xf32>
        %swap3A_175 = arith.index_cast %scan3A_45 : i32 to index
        %swap3A_176 = arith.constant 112 : index
        %swap3A_177 = tpu.vector_load %arg9[%swap3A_175, %swap3A_176] {strides = array<i32>} : memref<128x128xf32, #tpu.memory_space<vmem>>, vector<1x16xf32>,
        %swap3A_178 = vector.shape_cast %swap3A_177 : vector<1x16xf32> to vector<16xf32>
        %swap3A_179 = vector.shape_cast %max3A_174 : vector<16xf32> to vector<1x16xf32>
        tpu.vector_store %arg9[%swap3A_175, %swap3A_176], %swap3A_179 {strides = array<i32>} : memref<128x128xf32, #tpu.memory_space<vmem>>, vector<1x16xf32>,
        %scan3A_180 = arith.constant 0 : i32
        scf.yield %scan3A_180 : i32
      }
      %scan3A_43 = arith.constant 128 : i32
      "tpu.region"() ({
        %run_scoped3A = tpu.sem_alloc : memref<!tpu.dma_semaphore, #tpu.memory_space<semaphore_mem>>
        %dma_start3A_45 = arith.constant 0 : i32
        %dma_start3A_46 = arith.constant 0 : i32
        %dma_start3A_47 = tpu.memref_slice %arg11[%dma_start3A_45, %dma_start3A_46] : memref<10240x128xf32, #tpu.memory_space<vmem_shared>> -> memref<10240x128xf32, #tpu.memory_space<vmem_shared>>
        tpu.enqueue_indirect_dma source(%arg9 : memref<128x128xf32, #tpu.memory_space<vmem>>) target(%dma_start3A_47 : memref<10240x128xf32, #tpu.memory_space<vmem_shared>>) offsets(%arg8 : memref<128xi32, #tpu.memory_space<vmem>>) semaphore(%run_scoped3A : memref<!tpu.dma_semaphore, #tpu.memory_space<semaphore_mem>>) {add = true}
        %dma_wait3A_48 = arith.constant 0 : i32
        %dma_wait3A_49 = arith.constant 0 : i32
        %dma_wait3A_50 = tpu.memref_slice %arg11[%dma_wait3A_48, %dma_wait3A_49] : memref<10240x128xf32, #tpu.memory_space<vmem_shared>> -> memref<10240x128xf32, #tpu.memory_space<vmem_shared>>
        tpu.wait_indirect_dma semaphore(%run_scoped3A : memref<!tpu.dma_semaphore, #tpu.memory_space<semaphore_mem>>) src(%arg9 : memref<128x128xf32, #tpu.memory_space<vmem>>) dst(%dma_wait3A_50 : memref<10240x128xf32, #tpu.memory_space<vmem_shared>>)
        tpu.yield
      }) : () -> ()
      %scan3A_44 = arith.constant 0 : i32
      scf.yield %scan3A_44 : i32
    }
    %scan3A_20 = arith.constant 79 : i32
    %barrier3A_21 = arith.constant 0 : index
    tpu.barrier barrier_id(%barrier3A_21)
    %mul3A_22 = arith.constant 640 : i32
    %mul3A_23 = arith.muli %arg1, %mul3A_22 : i32
    %mul3A_24 = arith.constant 640 : i32
    %mul3A_25 = arith.muli %arg1, %mul3A_24 : i32
    "tpu.region"() ({
      %run_scoped3A = tpu.sem_alloc : memref<!tpu.dma_semaphore, #tpu.memory_space<semaphore_mem>>
      %dma_start3A = arith.constant 0 : i32
      %dma_start3A_26 = tpu.memref_slice %arg6[%arg0, %mul3A_25, %dma_start3A] : memref<2x10240x128xf32, #tpu.memory_space<hbm>> -> memref<1x640x128xf32, #tpu.memory_space<hbm>>
      %dma_start3A_27 = tpu.memref_squeeze %dma_start3A_26 : memref<1x640x128xf32, #tpu.memory_space<hbm>> -> memref<640x128xf32, #tpu.memory_space<hbm>>
      %dma_start3A_28 = arith.constant 0 : i32
      %dma_start3A_29 = tpu.memref_slice %arg11[%mul3A_23, %dma_start3A_28] : memref<10240x128xf32, #tpu.memory_space<vmem_shared>> -> memref<640x128xf32, #tpu.memory_space<vmem_shared>>
      tpu.enqueue_dma source(%dma_start3A_29 : memref<640x128xf32, #tpu.memory_space<vmem_shared>>) target(%dma_start3A_27 : memref<640x128xf32, #tpu.memory_space<hbm>>) target_semaphore(%run_scoped3A : memref<!tpu.dma_semaphore, #tpu.memory_space<semaphore_mem>>)
      %dma_wait3A = arith.constant 0 : i32
      %dma_wait3A_30 = tpu.memref_slice %arg6[%arg0, %mul3A_25, %dma_wait3A] : memref<2x10240x128xf32, #tpu.memory_space<hbm>> -> memref<1x640x128xf32, #tpu.memory_space<hbm>>
      %dma_wait3A_31 = tpu.memref_squeeze %dma_wait3A_30 : memref<1x640x128xf32, #tpu.memory_space<hbm>> -> memref<640x128xf32, #tpu.memory_space<hbm>>
      %dma_wait3A_32 = arith.constant 0 : i32
      %dma_wait3A_33 = tpu.memref_slice %arg11[%mul3A_23, %dma_wait3A_32] : memref<10240x128xf32, #tpu.memory_space<vmem_shared>> -> memref<640x128xf32, #tpu.memory_space<vmem_shared>>
      tpu.wait_dma2 semaphore(%run_scoped3A : memref<!tpu.dma_semaphore, #tpu.memory_space<semaphore_mem>>) src(%dma_wait3A_33 : memref<640x128xf32, #tpu.memory_space<vmem_shared>>) dst(%dma_wait3A_31 : memref<640x128xf32, #tpu.memory_space<hbm>>)
      tpu.yield
    }) : () -> ()
    return
  }
}

module attributes {stable_mosaic.version = 14 : i64} {
  func.func @_enc_body(%arg0: i32, %arg1: memref<2048x16xf32, #tpu.memory_space<vmem>>, %arg2: memref<16x128xf32, #tpu.memory_space<vmem>>, %arg3: memref<1x128xf32, #tpu.memory_space<vmem>>, %arg4: memref<2048x128xf32, #tpu.memory_space<vmem>>) attributes {dimension_semantics = [#tpu.dimension_semantics<arbitrary>], iteration_bounds = array<i64: 158>, scalar_prefetch = 0 : i64, scratch_operands = 0 : i64, tpu.core_type = #tpu.core_type<tc>, window_params = [{transform_indices = @transform_0, window_bounds = array<i64: 2048, 16>}, {pipeline_mode = #tpu.pipeline_mode<synchronous>, transform_indices = @transform_1, window_bounds = array<i64: 16, 128>}, {pipeline_mode = #tpu.pipeline_mode<synchronous>, transform_indices = @transform_2, window_bounds = array<i64: 1, 128>}, {transform_indices = @transform_3, window_bounds = array<i64: 2048, 128>}]} {
    %get3A = arith.constant 0 : index
    %get3A_0 = arith.constant 0 : index
    %get3A_1 = vector.load %arg1[%get3A, %get3A_0] : memref<2048x16xf32, #tpu.memory_space<vmem>>, vector<2048x16xf32>
    %get3A_2 = arith.constant 0 : index
    %get3A_3 = arith.constant 0 : index
    %get3A_4 = vector.load %arg2[%get3A_2, %get3A_3] : memref<16x128xf32, #tpu.memory_space<vmem>>, vector<16x128xf32>
    %dot_general3A = arith.constant dense<0.000000e+00> : vector<2048x128xf32>
    %dot_general3A_5 = tpu.matmul %get3A_1, %get3A_4, %dot_general3A {dimension_numbers = #tpu.dot_dimension_numbers<[1], [0], [0], [1], [0, 0, 1, 1], [], []>, transpose_lhs_hint = false} : vector<2048x16xf32>, vector<16x128xf32>, vector<2048x128xf32> -> vector<2048x128xf32>
    %get3A_6 = arith.constant 0 : index
    %get3A_7 = arith.constant 0 : index
    %get3A_8 = vector.load %arg3[%get3A_6, %get3A_7] : memref<1x128xf32, #tpu.memory_space<vmem>>, vector<1x128xf32>
    %add3A = vector.broadcast %get3A_8 : vector<1x128xf32> to vector<2048x128xf32>
    %add3A_9 = arith.addf %dot_general3A_5, %add3A : vector<2048x128xf32>
    %max3A = arith.constant 0.000000e+00 : f32
    %max3A_10 = vector.broadcast %max3A : f32 to vector<2048x128xf32>
    %max3A_11 = arith.maximumf %add3A_9, %max3A_10 : vector<2048x128xf32>
    %swap3A = arith.constant 0 : index
    %swap3A_12 = arith.constant 0 : index
    %swap3A_13 = vector.load %arg4[%swap3A, %swap3A_12] : memref<2048x128xf32, #tpu.memory_space<vmem>>, vector<2048x128xf32>
    tpu.vector_store %arg4[%swap3A, %swap3A_12], %max3A_11 {strides = array<i32>} : memref<2048x128xf32, #tpu.memory_space<vmem>>, vector<2048x128xf32>,
    return
  }
  func.func @transform_0(%arg0: i32) -> (i32, i32) {
    %c0_i32 = arith.constant 0 : i32
    %c0_i32_0 = arith.constant 0 : i32
    return %arg0, %c0_i32 : i32, i32
  }
  func.func @transform_1(%arg0: i32) -> (i32, i32) {
    %c0_i32 = arith.constant 0 : i32
    %c0_i32_0 = arith.constant 0 : i32
    %c0_i32_1 = arith.constant 0 : i32
    return %c0_i32, %c0_i32_0 : i32, i32
  }
  func.func @transform_2(%arg0: i32) -> (i32, i32) {
    %c0_i32 = arith.constant 0 : i32
    %c0_i32_0 = arith.constant 0 : i32
    %c0_i32_1 = arith.constant 0 : i32
    return %c0_i32, %c0_i32_0 : i32, i32
  }
  func.func @transform_3(%arg0: i32) -> (i32, i32) {
    %c0_i32 = arith.constant 0 : i32
    %c0_i32_0 = arith.constant 0 : i32
    return %arg0, %c0_i32 : i32, i32
  }
}

module attributes {stable_mosaic.version = 14 : i64} {
  func.func @_enc_body(%arg0: i32, %arg1: memref<2048x128xf32, #tpu.memory_space<vmem>>, %arg2: memref<128x128xf32, #tpu.memory_space<vmem>>, %arg3: memref<1x128xf32, #tpu.memory_space<vmem>>, %arg4: memref<2048x128xf32, #tpu.memory_space<vmem>>) attributes {dimension_semantics = [#tpu.dimension_semantics<arbitrary>], iteration_bounds = array<i64: 5>, scalar_prefetch = 0 : i64, scratch_operands = 0 : i64, tpu.core_type = #tpu.core_type<tc>, window_params = [{transform_indices = @transform_0, window_bounds = array<i64: 2048, 128>}, {pipeline_mode = #tpu.pipeline_mode<synchronous>, transform_indices = @transform_1, window_bounds = array<i64: 128, 128>}, {pipeline_mode = #tpu.pipeline_mode<synchronous>, transform_indices = @transform_2, window_bounds = array<i64: 1, 128>}, {transform_indices = @transform_3, window_bounds = array<i64: 2048, 128>}]} {
    %get3A = arith.constant 0 : index
    %get3A_0 = arith.constant 0 : index
    %get3A_1 = vector.load %arg1[%get3A, %get3A_0] : memref<2048x128xf32, #tpu.memory_space<vmem>>, vector<2048x128xf32>
    %get3A_2 = arith.constant 0 : index
    %get3A_3 = arith.constant 0 : index
    %get3A_4 = vector.load %arg2[%get3A_2, %get3A_3] : memref<128x128xf32, #tpu.memory_space<vmem>>, vector<128x128xf32>
    %dot_general3A = arith.constant dense<0.000000e+00> : vector<2048x128xf32>
    %dot_general3A_5 = tpu.matmul %get3A_1, %get3A_4, %dot_general3A {dimension_numbers = #tpu.dot_dimension_numbers<[1], [0], [0], [1], [0, 0, 1, 1], [], []>, transpose_lhs_hint = false} : vector<2048x128xf32>, vector<128x128xf32>, vector<2048x128xf32> -> vector<2048x128xf32>
    %get3A_6 = arith.constant 0 : index
    %get3A_7 = arith.constant 0 : index
    %get3A_8 = vector.load %arg3[%get3A_6, %get3A_7] : memref<1x128xf32, #tpu.memory_space<vmem>>, vector<1x128xf32>
    %add3A = vector.broadcast %get3A_8 : vector<1x128xf32> to vector<2048x128xf32>
    %add3A_9 = arith.addf %dot_general3A_5, %add3A : vector<2048x128xf32>
    %max3A = arith.constant 0.000000e+00 : f32
    %max3A_10 = vector.broadcast %max3A : f32 to vector<2048x128xf32>
    %max3A_11 = arith.maximumf %add3A_9, %max3A_10 : vector<2048x128xf32>
    %swap3A = arith.constant 0 : index
    %swap3A_12 = arith.constant 0 : index
    %swap3A_13 = vector.load %arg4[%swap3A, %swap3A_12] : memref<2048x128xf32, #tpu.memory_space<vmem>>, vector<2048x128xf32>
    tpu.vector_store %arg4[%swap3A, %swap3A_12], %max3A_11 {strides = array<i32>} : memref<2048x128xf32, #tpu.memory_space<vmem>>, vector<2048x128xf32>,
    return
  }
  func.func @transform_0(%arg0: i32) -> (i32, i32) {
    %c0_i32 = arith.constant 0 : i32
    %c0_i32_0 = arith.constant 0 : i32
    return %arg0, %c0_i32 : i32, i32
  }
  func.func @transform_1(%arg0: i32) -> (i32, i32) {
    %c0_i32 = arith.constant 0 : i32
    %c0_i32_0 = arith.constant 0 : i32
    %c0_i32_1 = arith.constant 0 : i32
    return %c0_i32, %c0_i32_0 : i32, i32
  }
  func.func @transform_2(%arg0: i32) -> (i32, i32) {
    %c0_i32 = arith.constant 0 : i32
    %c0_i32_0 = arith.constant 0 : i32
    %c0_i32_1 = arith.constant 0 : i32
    return %c0_i32, %c0_i32_0 : i32, i32
  }
  func.func @transform_3(%arg0: i32) -> (i32, i32) {
    %c0_i32 = arith.constant 0 : i32
    %c0_i32_0 = arith.constant 0 : i32
    return %arg0, %c0_i32 : i32, i32
  }
}

module attributes {stable_mosaic.version = 14 : i64} {
  func.func @_mlp_body(%arg0: i32, %arg1: memref<2048x128xf32, #tpu.memory_space<vmem>>, %arg2: memref<2x2048x128xf32, #tpu.memory_space<vmem>>, %arg3: memref<128x128xf32, #tpu.memory_space<vmem>>, %arg4: memref<1x128xf32, #tpu.memory_space<vmem>>, %arg5: memref<128x128xf32, #tpu.memory_space<vmem>>, %arg6: memref<1x128xf32, #tpu.memory_space<vmem>>, %arg7: memref<2048x128xf32, #tpu.memory_space<vmem>>) attributes {dimension_semantics = [#tpu.dimension_semantics<arbitrary>], iteration_bounds = array<i64: 5>, scalar_prefetch = 0 : i64, scratch_operands = 0 : i64, tpu.core_type = #tpu.core_type<tc>, window_params = [{transform_indices = @transform_0, window_bounds = array<i64: 2048, 128>}, {transform_indices = @transform_1, window_bounds = array<i64: 2, 2048, 128>}, {pipeline_mode = #tpu.pipeline_mode<synchronous>, transform_indices = @transform_2, window_bounds = array<i64: 128, 128>}, {pipeline_mode = #tpu.pipeline_mode<synchronous>, transform_indices = @transform_3, window_bounds = array<i64: 1, 128>}, {pipeline_mode = #tpu.pipeline_mode<synchronous>, transform_indices = @transform_4, window_bounds = array<i64: 128, 128>}, {pipeline_mode = #tpu.pipeline_mode<synchronous>, transform_indices = @transform_5, window_bounds = array<i64: 1, 128>}, {transform_indices = @transform_6, window_bounds = array<i64: 2048, 128>}]} {
    %get3A = arith.constant 0 : index
    %get3A_0 = arith.constant 0 : index
    %get3A_1 = vector.load %arg1[%get3A, %get3A_0] : memref<2048x128xf32, #tpu.memory_space<vmem>>, vector<2048x128xf32>
    %get3A_2 = arith.constant 0 : index
    %get3A_3 = arith.constant 0 : index
    %get3A_4 = arith.constant 0 : index
    %get3A_5 = vector.load %arg2[%get3A_2, %get3A_3, %get3A_4] : memref<2x2048x128xf32, #tpu.memory_space<vmem>>, vector<1x2048x128xf32>
    %get3A_6 = vector.shape_cast %get3A_5 : vector<1x2048x128xf32> to vector<2048x128xf32>
    %add3A = arith.addf %get3A_1, %get3A_6 : vector<2048x128xf32>
    %get3A_7 = arith.constant 1 : index
    %get3A_8 = arith.constant 0 : index
    %get3A_9 = arith.constant 0 : index
    %get3A_10 = vector.load %arg2[%get3A_7, %get3A_8, %get3A_9] : memref<2x2048x128xf32, #tpu.memory_space<vmem>>, vector<1x2048x128xf32>
    %get3A_11 = vector.shape_cast %get3A_10 : vector<1x2048x128xf32> to vector<2048x128xf32>
    %add3A_12 = arith.addf %add3A, %get3A_11 : vector<2048x128xf32>
    %get3A_13 = arith.constant 0 : index
    %get3A_14 = arith.constant 0 : index
    %get3A_15 = vector.load %arg3[%get3A_13, %get3A_14] : memref<128x128xf32, #tpu.memory_space<vmem>>, vector<128x128xf32>
    %dot_general3A = arith.constant dense<0.000000e+00> : vector<2048x128xf32>
    %dot_general3A_16 = tpu.matmul %add3A_12, %get3A_15, %dot_general3A {dimension_numbers = #tpu.dot_dimension_numbers<[1], [0], [0], [1], [0, 0, 1, 1], [], []>, transpose_lhs_hint = false} : vector<2048x128xf32>, vector<128x128xf32>, vector<2048x128xf32> -> vector<2048x128xf32>
    %get3A_17 = arith.constant 0 : index
    %get3A_18 = arith.constant 0 : index
    %get3A_19 = vector.load %arg4[%get3A_17, %get3A_18] : memref<1x128xf32, #tpu.memory_space<vmem>>, vector<1x128xf32>
    %add3A_20 = vector.broadcast %get3A_19 : vector<1x128xf32> to vector<2048x128xf32>
    %add3A_21 = arith.addf %dot_general3A_16, %add3A_20 : vector<2048x128xf32>
    %max3A = arith.constant 0.000000e+00 : f32
    %max3A_22 = vector.broadcast %max3A : f32 to vector<2048x128xf32>
    %max3A_23 = arith.maximumf %add3A_21, %max3A_22 : vector<2048x128xf32>
    %get3A_24 = arith.constant 0 : index
    %get3A_25 = arith.constant 0 : index
    %get3A_26 = vector.load %arg5[%get3A_24, %get3A_25] : memref<128x128xf32, #tpu.memory_space<vmem>>, vector<128x128xf32>
    %dot_general3A_27 = arith.constant dense<0.000000e+00> : vector<2048x128xf32>
    %dot_general3A_28 = tpu.matmul %max3A_23, %get3A_26, %dot_general3A_27 {dimension_numbers = #tpu.dot_dimension_numbers<[1], [0], [0], [1], [0, 0, 1, 1], [], []>, transpose_lhs_hint = false} : vector<2048x128xf32>, vector<128x128xf32>, vector<2048x128xf32> -> vector<2048x128xf32>
    %get3A_29 = arith.constant 0 : index
    %get3A_30 = arith.constant 0 : index
    %get3A_31 = vector.load %arg6[%get3A_29, %get3A_30] : memref<1x128xf32, #tpu.memory_space<vmem>>, vector<1x128xf32>
    %add3A_32 = vector.broadcast %get3A_31 : vector<1x128xf32> to vector<2048x128xf32>
    %add3A_33 = arith.addf %dot_general3A_28, %add3A_32 : vector<2048x128xf32>
    %max3A_34 = arith.constant 0.000000e+00 : f32
    %max3A_35 = vector.broadcast %max3A_34 : f32 to vector<2048x128xf32>
    %max3A_36 = arith.maximumf %add3A_33, %max3A_35 : vector<2048x128xf32>
    %swap3A = arith.constant 0 : index
    %swap3A_37 = arith.constant 0 : index
    %swap3A_38 = vector.load %arg7[%swap3A, %swap3A_37] : memref<2048x128xf32, #tpu.memory_space<vmem>>, vector<2048x128xf32>
    tpu.vector_store %arg7[%swap3A, %swap3A_37], %max3A_36 {strides = array<i32>} : memref<2048x128xf32, #tpu.memory_space<vmem>>, vector<2048x128xf32>,
    return
  }
  func.func @transform_0(%arg0: i32) -> (i32, i32) {
    %c0_i32 = arith.constant 0 : i32
    %c0_i32_0 = arith.constant 0 : i32
    return %arg0, %c0_i32 : i32, i32
  }
  func.func @transform_1(%arg0: i32) -> (i32, i32, i32) {
    %c0_i32 = arith.constant 0 : i32
    %c0_i32_0 = arith.constant 0 : i32
    %c0_i32_1 = arith.constant 0 : i32
    return %c0_i32, %arg0, %c0_i32_0 : i32, i32, i32
  }
  func.func @transform_2(%arg0: i32) -> (i32, i32) {
    %c0_i32 = arith.constant 0 : i32
    %c0_i32_0 = arith.constant 0 : i32
    %c0_i32_1 = arith.constant 0 : i32
    return %c0_i32, %c0_i32_0 : i32, i32
  }
  func.func @transform_3(%arg0: i32) -> (i32, i32) {
    %c0_i32 = arith.constant 0 : i32
    %c0_i32_0 = arith.constant 0 : i32
    %c0_i32_1 = arith.constant 0 : i32
    return %c0_i32, %c0_i32_0 : i32, i32
  }
  func.func @transform_4(%arg0: i32) -> (i32, i32) {
    %c0_i32 = arith.constant 0 : i32
    %c0_i32_0 = arith.constant 0 : i32
    %c0_i32_1 = arith.constant 0 : i32
    return %c0_i32, %c0_i32_0 : i32, i32
  }
  func.func @transform_5(%arg0: i32) -> (i32, i32) {
    %c0_i32 = arith.constant 0 : i32
    %c0_i32_0 = arith.constant 0 : i32
    %c0_i32_1 = arith.constant 0 : i32
    return %c0_i32, %c0_i32_0 : i32, i32
  }
  func.func @transform_6(%arg0: i32) -> (i32, i32) {
    %c0_i32 = arith.constant 0 : i32
    %c0_i32_0 = arith.constant 0 : i32
    return %arg0, %c0_i32 : i32, i32
  }
}

module attributes {stable_mosaic.version = 14 : i64} {
  func.func @_head_body(%arg0: memref<32x72x128xf32, #tpu.memory_space<vmem>>, %arg1: memref<32x72x128xf32, #tpu.memory_space<vmem>>, %arg2: memref<32x72x16xf32, #tpu.memory_space<vmem>>, %arg3: memref<256x128xf32, #tpu.memory_space<vmem>>, %arg4: memref<1x128xf32, #tpu.memory_space<vmem>>, %arg5: memref<128x1xf32, #tpu.memory_space<vmem>>, %arg6: memref<1x1xf32, #tpu.memory_space<vmem>>, %arg7: memref<64x1xf32, #tpu.memory_space<vmem>>) attributes {dimension_semantics = [], scalar_prefetch = 0 : i64, scratch_operands = 0 : i64, tpu.core_type = #tpu.core_type<tc>} {
    %get3A = arith.constant 0 : index
    %get3A_0 = arith.constant 0 : index
    %get3A_1 = arith.constant 0 : index
    %get3A_2 = vector.load %arg0[%get3A, %get3A_0, %get3A_1] : memref<32x72x128xf32, #tpu.memory_space<vmem>>, vector<32x72x128xf32>
    %reduce_sum3A = arith.constant dense<0.000000e+00> : vector<72x128xf32>
    %reduce_sum3A_3 = vector.multi_reduction <add>, %get3A_2, %reduce_sum3A [0] : vector<32x72x128xf32> to vector<72x128xf32>
    %slice3A = vector.extract_strided_slice %reduce_sum3A_3 {offsets = [0, 0], sizes = [64, 128], strides = [1, 1]} : vector<72x128xf32> to vector<64x128xf32>
    %get3A_4 = arith.constant 0 : index
    %get3A_5 = arith.constant 0 : index
    %get3A_6 = arith.constant 0 : index
    %get3A_7 = vector.load %arg1[%get3A_4, %get3A_5, %get3A_6] : memref<32x72x128xf32, #tpu.memory_space<vmem>>, vector<32x72x128xf32>
    %reduce_max3A = arith.constant dense<0xFF800000> : vector<72x128xf32>
    %reduce_max3A_8 = vector.multi_reduction <maximumf>, %get3A_7, %reduce_max3A [0] : vector<32x72x128xf32> to vector<72x128xf32>
    %slice3A_9 = vector.extract_strided_slice %reduce_max3A_8 {offsets = [0, 0], sizes = [64, 128], strides = [1, 1]} : vector<72x128xf32> to vector<64x128xf32>
    %get3A_10 = arith.constant 0 : index
    %get3A_11 = arith.constant 0 : index
    %get3A_12 = arith.constant 0 : index
    %get3A_13 = vector.load %arg2[%get3A_10, %get3A_11, %get3A_12] : memref<32x72x16xf32, #tpu.memory_space<vmem>>, vector<32x72x16xf32>
    %reduce_sum3A_14 = arith.constant dense<0.000000e+00> : vector<72x16xf32>
    %reduce_sum3A_15 = vector.multi_reduction <add>, %get3A_13, %reduce_sum3A_14 [0] : vector<32x72x16xf32> to vector<72x16xf32>
    %slice3A_16 = vector.extract_strided_slice %reduce_sum3A_15 {offsets = [0, 0], sizes = [64, 1], strides = [1, 1]} : vector<72x16xf32> to vector<64x1xf32>
    %max3A = arith.constant 1.000000e+00 : f32
    %max3A_17 = vector.broadcast %max3A : f32 to vector<64x1xf32>
    %max3A_18 = arith.maximumf %slice3A_16, %max3A_17 : vector<64x1xf32>
    %div3A = vector.broadcast %max3A_18 : vector<64x1xf32> to vector<64x128xf32>
    %div3A_19 = arith.divf %slice3A, %div3A : vector<64x128xf32>
    %concatenate3A = tpu.concatenate %div3A_19, %slice3A_9 in 1 : vector<64x128xf32>, vector<64x128xf32> -> vector<64x256xf32>
    %get3A_20 = arith.constant 0 : index
    %get3A_21 = arith.constant 0 : index
    %get3A_22 = vector.load %arg3[%get3A_20, %get3A_21] : memref<256x128xf32, #tpu.memory_space<vmem>>, vector<256x128xf32>
    %dot_general3A = arith.constant dense<0.000000e+00> : vector<64x128xf32>
    %dot_general3A_23 = tpu.matmul %concatenate3A, %get3A_22, %dot_general3A {dimension_numbers = #tpu.dot_dimension_numbers<[1], [0], [0], [1], [0, 0, 1, 1], [], []>, transpose_lhs_hint = false} : vector<64x256xf32>, vector<256x128xf32>, vector<64x128xf32> -> vector<64x128xf32>
    %get3A_24 = arith.constant 0 : index
    %get3A_25 = arith.constant 0 : index
    %get3A_26 = vector.load %arg4[%get3A_24, %get3A_25] : memref<1x128xf32, #tpu.memory_space<vmem>>, vector<1x128xf32>
    %add3A = vector.broadcast %get3A_26 : vector<1x128xf32> to vector<64x128xf32>
    %add3A_27 = arith.addf %dot_general3A_23, %add3A : vector<64x128xf32>
    %max3A_28 = arith.constant 0.000000e+00 : f32
    %max3A_29 = vector.broadcast %max3A_28 : f32 to vector<64x128xf32>
    %max3A_30 = arith.maximumf %add3A_27, %max3A_29 : vector<64x128xf32>
    %get3A_31 = arith.constant 0 : index
    %get3A_32 = arith.constant 0 : index
    %get3A_33 = vector.load %arg5[%get3A_31, %get3A_32] : memref<128x1xf32, #tpu.memory_space<vmem>>, vector<128x1xf32>
    %dot_general3A_34 = arith.constant dense<0.000000e+00> : vector<64x1xf32>
    %dot_general3A_35 = tpu.matmul %max3A_30, %get3A_33, %dot_general3A_34 {dimension_numbers = #tpu.dot_dimension_numbers<[1], [0], [0], [1], [0, 0, 1, 1], [], []>, transpose_lhs_hint = false} : vector<64x128xf32>, vector<128x1xf32>, vector<64x1xf32> -> vector<64x1xf32>
    %get3A_36 = arith.constant 0 : index
    %get3A_37 = arith.constant 0 : index
    %get3A_38 = vector.load %arg6[%get3A_36, %get3A_37] : memref<1x1xf32, #tpu.memory_space<vmem>>, vector<1x1xf32>
    %add3A_39 = vector.broadcast %get3A_38 : vector<1x1xf32> to vector<64x1xf32>
    %add3A_40 = arith.addf %dot_general3A_35, %add3A_39 : vector<64x1xf32>
    %swap3A = arith.constant 0 : index
    %swap3A_41 = arith.constant 0 : index
    %swap3A_42 = vector.load %arg7[%swap3A, %swap3A_41] : memref<64x1xf32, #tpu.memory_space<vmem>>, vector<64x1xf32>
    tpu.vector_store %arg7[%swap3A, %swap3A_41], %add3A_40 {strides = array<i32>} : memref<64x1xf32, #tpu.memory_space<vmem>>, vector<64x1xf32>,
    return
  }
}

</mosaic_0001>

<sc_bundles>
// kernel: kernel.12.cloned.1.call-start
scs
__scs_entry_jumppad:
0x0: {  	(pc) =	sbr.rel $0x88, $3  }
0x1: {  	(tag) =	ssettag $0x0;
	lr =	simm.s32 $0x1  }
0x2: {  	[smem:$0x3F89] =	sst lr;
	_ =	strace $0xD0000000  }
0x3: {  	_ = 	snop  }
0x4: {  	_ = 	snop  }
0x5: {  	_ = 	snop  }
0x6: {  	_ = 	snop  }
0x7: {  	_ = 	snop  }
__scs_overlays_trampoline_lowered:
0x8: {  	[smem:$0x3F98] =	sst s0  }
0x9: {  	[smem:$0x3F99] =	sst s1  }
0xa: {  	[smem:$0x3F9A] =	sst s2  }
0xb: {  	[smem:$0x3F9B] =	sst s3  }
0xc: {  	[smem:$0x3F9C] =	sst s4  }
0xd: {  	[smem:$0x3F9D] =	sst s5  }
0xe: {  	[smem:$0x3F9E] =	sst s6  }
0xf: {  	[smem:$0x3F9F] =	sst s7  }
0x10: {  	[smem:$0x3FA0] =	sst s8  }
0x11: {  	[smem:$0x3FA1] =	sst s9;
	s0 =	simm.s32 @!p0 $0x0  }
0x12: {  	s1 =	sld [smem:$0x3F87];
	s0 =	simm.s32 @p0 $0x1  }
0x13: {  	[smem:$0x3FA2] =	sst s0;
	s0 =	simm.s32 @!p1 $0x0  }
0x14: {  	s2 =	sld [smem:$0x3F86];
	s0 =	simm.s32 @p1 $0x1  }
0x15: {  	[smem:$0x3FA3] =	sst s0;
	s0 =	simm.s32 @!p2 $0x0  }
0x16: {  	s3 =	sld [smem:$0x3FDB];
	s0 =	simm.s32 @p2 $0x1  }
0x17: {  	s4 =	simm.s32 $0x1BF5;
	[smem:$0x3FA5] =	sst s0  }
0x18: {  	s0 =	sld [smem:$0x3F88];
	_ =	swait.ge [sflag:s4], $0x0  }
0x19: {  	s7 =	sld [smem:$0x3F89]  }
0x1a: {  	s8 =	sadd.s32 $0xFFFFE003, lr  }
0x1b: {  	s9 =	sadd.s32 $0xFFFFFEF7, lr;
	s5 =	simm.s32 $0xFFFFFFFF;
	p2 =	slt.u32 s8, $0xFFFFF086  }
0x1c: {  	p1 =	slt.u32 s9, $0xF7A;
	s5 =	simm.s32 @!p2 $0x0  }
0x1d: {  	s5 =	simm.s32 @p1 $0x1;
	p0 =	seq.s32 s7, s2  }
0x1e: {  	s7 =	smul.u32 @!p0 $0xF7A, s2;
	p2 =	seq.s32 @!p0 s5, $0x0  }
0x1f: {  	s9 =	smul.u32 $0xF7A, s1;
	s8 =	simm.s32 @!p0 $0x1BF5;
	p2 =	por !p2, p0  }
0x20: {  	[sflag:s8] =	ssyncset.s32 @!p0 $0xFFFFF086;
	s6 =	sadd.s32 @!p0 s3, s7;
	s7 =	simm.s32 @!p0 $0x108  }
0x21: {  	s3 =	sadd.s32 s3, s9;
	s6 =	sadd.s32 @!p0 $0x88, s6;
	s7 =	simm.s32 @p2 $0x1082  }
0x22: {  	[simem:s7], [sflag:s8] =	dma.local @!p0 [hbm:s6], $0xF7A  }
0x23: {  	s9 =	sor.u32 $0xD0000000, s2;
	s6 =	simm.s32 $0x108;
	_ =	swait.ge @!p0 [sflag:s8], $0x0  }
0x24: {  	s3 =	sadd.s32 $0x88, s3;
	s6 =	simm.s32 @!p1 $0x1082;
	[sflag:s4] =	ssyncset.s32 $0xFFFFF086  }
0x25: {  	[simem:s6], [sflag:s4] =	dma.local [hbm:s3], $0xF7A  }
0x26: {  	[smem:$0x3F89] =	sst s1;
	(tag) =	ssettag s2;
	_ =	strace s9  }
0x27: {  	s1 =	sld [smem:$0x3F99]  }
0x28: {  	s2 =	sld [smem:$0x3F9A]  }
0x29: {  	s4 =	sld [smem:$0x3F9C]  }
0x2a: {  	p0 =	seq.s32 s5, $0x0;
	s5 =	sld [smem:$0x3F9D]  }
0x2b: {  	s6 =	sld [smem:$0x3F9E]  }
0x2c: {  	s7 =	sld [smem:$0x3F9F]  }
0x2d: {  	s3 =	simm.s32 $0x108;
	s8 =	sld [smem:$0x3FA0]  }
0x2e: {  	s3 =	simm.s32 @!p0 $0x1082;
	s9 =	sld [smem:$0x3FA1]  }
0x2f: {  	lr =	sadd.s32 s0, s3;
	s0 =	sld [smem:$0x3F98]  }
0x30: {  	s3 =	sld [smem:$0x3F9B]  }
0x31: {  	[smem:$0x3FA4] =	sst s10  }
0x32: {  	s10 =	sld [smem:$0x3FA2];
	_ =	sdelay $0x3  }
0x33: {  	p0 =	seq.s32 s10, $0x1;
	s10 =	sld [smem:$0x3FA4];
	_ =	sdelay $0x3  }
0x34: {  	[smem:$0x3FA4] =	sst s10  }
0x35: {  	s10 =	sld [smem:$0x3FA3];
	_ =	sdelay $0x3  }
0x36: {  	p1 =	seq.s32 s10, $0x1;
	s10 =	sld [smem:$0x3FA4];
	_ =	sdelay $0x3  }
0x37: {  	[smem:$0x3FA4] =	sst s10  }
0x38: {  	s10 =	sld [smem:$0x3FA5]  }
0x39: {  	_ = 	snop;
	(pc) =	sbr.ind lr, $3  }
0x3a: {  	_ = 	snop  }
0x3b: {  	_ = 	snop  }
0x3c: {  	p2 =	seq.s32 s10, $0x1;
	s10 =	sld [smem:$0x3FA4]  }
0x3d: {  	_ =	shalt  }
0x3e: {  	_ =	shalt  }
0x3f: {  	_ =	shalt  }
0x40: {  	_ =	shalt  }
0x41: {  	_ =	shalt  }
0x42: {  	_ =	shalt  }
0x43: {  	_ =	shalt  }
0x44: {  	_ =	shalt  }
0x45: {  	_ =	shalt  }
0x46: {  	_ =	shalt  }
0x47: {  	_ =	shalt  }
0x48: {  	_ =	shalt  }
0x49: {  	_ =	shalt  }
0x4a: {  	_ =	shalt  }
0x4b: {  	_ =	shalt  }
0x4c: {  	_ =	shalt  }
0x4d: {  	_ =	shalt  }
0x4e: {  	_ =	shalt  }
0x4f: {  	_ =	shalt  }
0x50: {  	_ =	shalt  }
0x51: {  	_ =	shalt  }
0x52: {  	_ =	shalt  }
0x53: {  	_ =	shalt  }
0x54: {  	_ =	shalt  }
0x55: {  	_ =	shalt  }
0x56: {  	_ =	shalt  }
0x57: {  	_ =	shalt  }
0x58: {  	_ =	shalt  }
0x59: {  	_ =	shalt  }
0x5a: {  	_ =	shalt  }
0x5b: {  	_ =	shalt  }
0x5c: {  	_ =	shalt  }
0x5d: {  	_ =	shalt  }
0x5e: {  	_ =	shalt  }
0x5f: {  	_ =	shalt  }
0x60: {  	_ =	shalt  }
0x61: {  	_ =	shalt  }
0x62: {  	_ =	shalt  }
0x63: {  	_ =	shalt  }
0x64: {  	_ =	shalt  }
0x65: {  	_ =	shalt  }
0x66: {  	_ =	shalt  }
0x67: {  	_ =	shalt  }
0x68: {  	_ =	shalt  }
0x69: {  	_ =	shalt  }
0x6a: {  	_ =	shalt  }
0x6b: {  	_ =	shalt  }
0x6c: {  	_ =	shalt  }
0x6d: {  	_ =	shalt  }
0x6e: {  	_ =	shalt  }
0x6f: {  	_ =	shalt  }
0x70: {  	_ =	shalt  }
0x71: {  	_ =	shalt  }
0x72: {  	_ =	shalt  }
0x73: {  	_ =	shalt  }
0x74: {  	_ =	shalt  }
0x75: {  	_ =	shalt  }
0x76: {  	_ =	shalt  }
0x77: {  	_ =	shalt  }
0x78: {  	_ =	shalt  }
0x79: {  	_ =	shalt  }
0x7a: {  	_ =	shalt  }
0x7b: {  	_ =	shalt  }
0x7c: {  	_ =	shalt  }
0x7d: {  	_ =	shalt  }
0x7e: {  	_ =	shalt  }
0x7f: {  	_ =	shalt  }
0x80: {  	_ =	shalt  }
0x81: {  	_ =	shalt  }
0x82: {  	_ =	shalt  }
0x83: {  	_ =	shalt  }
0x84: {  	_ =	shalt  }
0x85: {  	_ =	shalt  }
0x86: {  	_ =	shalt  }
0x87: {  	_ =	shalt  }
.Lfunc_end0:
.L_simem_size_0:
called_computation_lowered:
.L_overlay_start_0:
0x88: {  	s2 =	sld [smem:$0x3FD9]  }
0x89: {  	s3 =	sld [smem:$0x3FFE];
	_ =	sdelay $0x1  }
0x8a: {  	s1 =	srdreg.scid  }
0x8b: {  	s0 =	sand.u32 $0x1, s1  }
0x8c: {  	s16 =	sshll.u32 s0, $0xA;
	s2 =	sadd.s32 s3, s2  }
0x8d: {  	s2 =	sadd.s32 s2, s16  }
0x8e: {  	[smem:$0x3FB0] =	sst s2  }
0x8f: {  	_ = 	snop  }
0x90: {  	(tm) =	ssettm $0x1  }
0x91: {  	s17 =	sld [smem:$0x3FFB];
	_ =	sdelay $0x3  }
0x92: {  	_ =	strace s17  }
0x93: {  	s2 =	sld [smem:$0x3FFC];
	_ =	sdelay $0x3  }
0x94: {  	_ =	strace s2  }
0x95: {  	s2 =	sld [smem:$0x3FFD];
	_ =	sdelay $0x3  }
0x96: {  	_ =	strace s2  }
0x97: {  	_ =	strace $0x8FFFFFFF  }
0x98: {  	s18 =	sld [smem:$0x3FDB];
	_ =	sdelay $0x1  }
0x99: {  	s19 =	simm.s32 $_scs_section_size  }
0x9a: {  	s4 =	simm.s32 $_size__tile_overlayer_lowered;
	s5 =	simm.s32 $_tile_overlayer_lowered  }
0x9b: {  	s22 =	simm.s32 $0x1BFF;
	s21 =	sshll.u32 s5, $0x1;
	s2 =	sadd.s32 s19, s18  }
0x9c: {  	s6 =	simm.s32 $0x0;
	s20 =	sshll.u32 s4, $0x1;
	s4 =	sadd.s32 s21, s2  }
0x9d: {  	[timem:s6], [sflag:s22] =	dma.local [hbm:s4], s20  }
0x9e: {  	_ =	swait.ge [sflag:s22], s20  }
0x9f: {  	s3 =	ssub.s32 $0x0, s20;
	[sflag:s22] =	ssyncset.done $0x0  }
0xa0: {  	[sflag:s22] =	ssyncadd.s32 s3;
	_ =	sdelay $0x1  }
0xa1: {  	s23 =	simm.s32 $0x1B8B  }
0xa2: {  	_ =	swait.ge [sflag:s23], $0x1  }
0xa3: {  	[sflag:s23] =	ssyncset.done $0x0  }
0xa4: {  	s25 =	simm.s32 $0x1B8E;
	s24 =	sld [smem:$0x3FFE];
	[sflag:s23] =	ssyncadd.s32 $0xFFFFFFFF  }
0xa5: {  	s26 =	simm.s32 $execute0_lowered;
	[smem:$0x3FD2] =	sst s25  }
0xa6: {  	s4 =	sshll.u32 s26, $0x1;
	_ =	strace $0x80000046;
	[dreg:$0x1] =	wrdreg $0xFFFFFFFF  }
0xa7: {  	s28 =	simm.s32 $_size_execute0_lowered;
	s2 =	sadd.s32 s2, s4;
	[dreg:$0x0] =	wrdreg $0x0  }
0xa8: {  	s4 =	sshll.u32 s28, $0x1;
	[dreg:$0x2] =	wrdreg s2  }
0xa9: {  	[dreg:$0x3] =	wrdreg s4  }
0xaa: {  	[dreg:$0x4] =	wrdreg $0xC0  }
0xab: {  	_ =	task [dreg:s6], $0x5FFFF  }
0xac: {  	[dreg:$0x1] =	wrdreg $0xFFFFFFFF  }
0xad: {  	[dreg:$0x0] =	wrdreg $0x60  }
0xae: {  	[dreg:$0x2] =	wrdreg s24  }
0xaf: {  	[dreg:$0x3] =	wrdreg $0x81000  }
0xb0: {  	[dreg:$0x4] =	wrdreg $0x9  }
0xb1: {  	_ =	task.clear_ibuf [dreg:s6], $0x5FFFF;
	_ =	strace $0x90000046  }
0xb2: {  	s29 =	simm.s32 $0x9;
	_ =	strace $0x80000048  }
0xb3: {  	_ =	swait.ge [sflag:s29], $0x1  }
0xb4: {  	[sflag:s29] =	ssyncadd.s32 $0xFFFFFFFF  }
0xb5: {  	_ =	strace $0x90000048  }
0xb6: {  	_ =	sfence  }
0xb7: {  	s30 =	sld [smem:$0x0];
	_ =	sdelay $0x2  }
0xb8: {  	s31 =	sshll.u32 s1, $0xD;
	s1 =	sshrl.u32 s1, $0x2  }
0xb9: {  	s3 =	sand.u32 $0x4000, s31;
	s1 =	sadd.s32 s1, s30  }
0xba: {  	s0 =	sor.u32 s3, s0;
	s1 =	sshll.u32 s1, $0x11  }
0xbb: {  	s0 =	sor.u32 s1, s0  }
0xbc: {  	s0 =	sadd.s32 $0x8F2B, s0  }
0xbd: {  	[sflag:s0] =	ssyncadd.remote.s32 $0x1  }
0xbe: {  	_ =	sfence.sel $0xFFFF  }
0xbf: {  	[dreg:$0x0] =	wrdreg $0xFFFFFFFF;
	(pc) =	sbr.abs _section_cstart, $3  }
0xc0: {  	[dreg:$0x1] =	wrdreg $0xFFFFFFFF  }
0xc1: {  	_ =	task.clear_ibuf [dreg:s6], $0x2FFFF;
	_ =	strace $0x9FFFFFFF  }
0xc2: {  	(tm) =	ssettm $0x7FFFFFFF  }
0xc3: {  	_ =	shalt  }
tec
execute0_lowered:
.L_overlay_start_1:
0x0: {  	(tag) =	ssettag $0x1  }
0x1: {  	s8 =	rddreg [dreg:$0x0]  }
0x2: {  	s1 =	rddreg [dreg:$0x1]  }
0x3: {  	s2 =	srdreg.scid;
	s0 =	rddreg [dreg:$0x2];
	s3 =	simm.s32 $0x0  }
0x4: {  	s16 =	simm.s32 $0x100;
	s17 =	simm.s32 $0x2;
	s18 =	simm.s32 $0x80  }
0x5: {  	s19 =	simm.s32 $0x1;
	s9 =	sand.u32 $0x1, s2;
	s2 =	stileid.u32  }
0x6: {  	s20 =	simm.s32 $0x4100;
	[smem:$0x7FF] =	sst s3;
	s6 =	smul.u32 $0x140000, s9  }
0x7: {  	s4 =	sadd.s32 $0x18C00, s8;
	s5 =	sadd.s32 $0x9D7000, s8;
	s7 =	smul.u32 $0x14000, s2  }
0x8: {  	_ =	strace $0x80000047;
	s11 =	smul.u32 $0x50000, s2;
	s31 =	ssub.s32 $0x2, s9  }
0x9: {  	s13 =	sshll.u32 s2, $0x1;
	s21 =	sshll.u32 s2, $0x6;
	s12 =	sshrl.u32 s31, $0x1  }
0xa: {  	s9 =	sor.u32 s9, s13;
	s21 =	sor.u32 $0x1C02, s21;
	s7 =	sadd.s32 s7, s6  }
0xb: {  	s6 =	sadd.s32 $0x5000, s8;
	s11 =	sshrl.u32 s11, $0x2;
	s12 =	ssub.s32 s31, s12  }
0xc: {  	s9 =	smul.u32 $0x4F, s9;
	s10 =	sshrl.u32 s7, $0x3;
	s7 =	sadd.s32 $0xEE00, s8  }
0xd: {  	s10 =	sadd.s32 s10, s8;
	s8 =	sadd.s32 s11, s1;
	s11 =	smax.u32 s12, $0x1  }
0xe: {  	s10 =	sadd.s32 $0x40C00, s10;
	s12 =	sadd.s32 $0x4000, s8;
	s13 =	sadd.s32 $0x8000, s8  }
0xf: {  	v0 =	vimm.f32 $0.0e+00;
	s14 =	sadd.s32 $0xC000, s8;
	s15 =	sadd.s32 $0x10000, s8;
	s22 =	sshrl.u32 s8, $0x3  }
.LBB2_1:
0x10: {  	s23 =	simm.s32 $0x0;
	s24 =	simm.s32 $0x200  }
.LBB2_2:
0x11: {  	p0 =	sne.s32 s24, $0xFE00;
	[tilespmem:s23+$0x170] =	vst v0  }
0x12: {  	[tilespmem:s23+$0x100] =	vst v0  }
0x13: {  	[tilespmem:s23+$0x110] =	vst v0  }
.Ltmp0:
0x14: {  	[tilespmem:s23+$0x120] =	vst v0;
	(pc) =	sbr.rel @p0 .LBB2_2-.Ltmp0, $4  }
0x15: {  	[tilespmem:s23+$0x130] =	vst v0  }
0x16: {  	[tilespmem:s23+$0x140] =	vst v0  }
0x17: {  	[tilespmem:s23+$0x150] =	vst v0  }
0x18: {  	[tilespmem:s23+$0x160] =	vst v0;
	s23 =	sshra.s32 s24, $0x2;
	s24 =	sadd.s32 $0x200, s24  }
0x19: {  	[tilespmem:s23+$0x170] =	vst v0  }
0x1a: {  	[tilespmem:s23+$0x100] =	vst v0  }
0x1b: {  	[tilespmem:s23+$0x110] =	vst v0  }
0x1c: {  	[tilespmem:s23+$0x120] =	vst v0  }
0x1d: {  	[tilespmem:s23+$0x130] =	vst v0  }
0x1e: {  	[tilespmem:s23+$0x140] =	vst v0  }
0x1f: {  	[tilespmem:s23+$0x150] =	vst v0  }
0x20: {  	[tilespmem:s23+$0x160] =	vst v0  }
0x21: {  	[spmem:s8] =	stream.linear.scatter [tilespmem:s16], [sflag:$0x2], $0x4000, $0x38;
	[tilespmem:$0x1C100] =	vst v63  }
0x22: {  	_ =	swait.ge [sflag:s17], $0x4000  }
0x23: {  	[sflag:s17] =	ssyncset.done $0x0  }
0x24: {  	[sflag:s17] =	ssyncadd.s32 $0xFFFFC000  }
0x25: {  	[spmem:s12] =	stream.linear.scatter [tilespmem:s16], [sflag:$0x2], $0x4000, $0x38;
	[tilespmem:$0x1C100] =	vst v63  }
0x26: {  	_ =	swait.ge [sflag:s17], $0x4000  }
0x27: {  	[sflag:s17] =	ssyncset.done $0x0  }
0x28: {  	[sflag:s17] =	ssyncadd.s32 $0xFFFFC000  }
0x29: {  	[spmem:s13] =	stream.linear.scatter [tilespmem:s16], [sflag:$0x2], $0x4000, $0x38;
	[tilespmem:$0x1C100] =	vst v63  }
0x2a: {  	_ =	swait.ge [sflag:s17], $0x4000  }
0x2b: {  	[sflag:s17] =	ssyncset.done $0x0  }
0x2c: {  	[sflag:s17] =	ssyncadd.s32 $0xFFFFC000  }
0x2d: {  	[spmem:s14] =	stream.linear.scatter [tilespmem:s16], [sflag:$0x2], $0x4000, $0x38;
	[tilespmem:$0x1C100] =	vst v63  }
0x2e: {  	_ =	swait.ge [sflag:s17], $0x4000  }
0x2f: {  	[sflag:s17] =	ssyncset.done $0x0  }
0x30: {  	[sflag:s17] =	ssyncadd.s32 $0xFFFFC000  }
0x31: {  	[spmem:s15] =	stream.linear.scatter [tilespmem:s16], [sflag:$0x2], $0x4000, $0x38;
	[tilespmem:$0x1C100] =	vst v63  }
0x32: {  	_ =	swait.ge [sflag:s17], $0x4000  }
0x33: {  	[sflag:s17] =	ssyncset.done $0x0  }
0x34: {  	[sflag:s17] =	ssyncadd.s32 $0xFFFFC000  }
0x35: {  	s23 =	simm.s32 $0x0;
	s24 =	simm.s32 $0x0;
	[bflag:$0x0] =	sbarrier.arrive $0xFFFF  }
.LBB2_4:
0x36: {  	s25 =	sadd.s32 s9, s24  }
0x37: {  	s26 =	sshll.u32 s25, $0x4  }
0x38: {  	s28 =	sadd.s32 s6, s26  }
0x39: {  	[tilespmem:s23], [sflag:$0x2] =	stream.linear.gather [hbm4b:s28+s23], $0x80, $0x38;
	[tilespmem:$0x1C100] =	vst v63  }
0x3a: {  	_ =	swait.ge [sflag:s17], $0x80  }
0x3b: {  	[sflag:s17] =	ssyncset.done $0x0  }
0x3c: {  	s26 =	sadd.s32 s7, s26;
	[sflag:s17] =	ssyncadd.s32 $0xFFFFFF80  }
0x3d: {  	[tilespmem:s18], [sflag:$0x2] =	stream.linear.gather [hbm4b:s26+s23], $0x80, $0x38;
	[tilespmem:$0x1C100] =	vst v63  }
0x3e: {  	_ =	swait.ge [sflag:s17], $0x80  }
0x3f: {  	[sflag:s17] =	ssyncset.done $0x0  }
0x40: {  	[sflag:s17] =	ssyncadd.s32 $0xFFFFFF80  }
0x41: {  	[tilespmem:s16], [sflag:$0x1] =	stream.indirect.gather [hbm4b:s4+s18], $0x80, s23, s18, $0xb8;
	[tilespmem:$0x1C100] =	vst v63  }
0x42: {  	_ =	swait.ge [sflag:s19], $0x4000  }
0x43: {  	s25 =	sshll.u32 s25, $0xB;
	[sflag:s19] =	ssyncset.done $0x0  }
0x44: {  	s25 =	sadd.s32 s5, s25;
	[sflag:s19] =	ssyncadd.s32 $0xFFFFC000  }
0x45: {  	[tilespmem:s20], [sflag:$0x2] =	stream.linear.gather [hbm4b:s25+s23], $0x4000, $0x38;
	[tilespmem:$0x1C100] =	vst v63  }
0x46: {  	_ =	swait.ge [sflag:s17], $0x4000  }
0x47: {  	[sflag:s17] =	ssyncset.done $0x0  }
0x48: {  	s25 =	simm.s32 $0x0;
	[sflag:s17] =	ssyncadd.s32 $0xFFFFC000  }
0x49: {  	v7 =	vld [tilespmem:s25+$0x4100]  }
0x4a: {  	v12 =	vld [tilespmem:s25+$0x4110]  }
0x4b: {  	v6 =	vld [tilespmem:s25+$0x4120]  }
0x4c: {  	v5 =	vld [tilespmem:s25+$0x4130]  }
0x4d: {  	v4 =	vld [tilespmem:s25+$0x4140]  }
0x4e: {  	v3 =	vld [tilespmem:s25+$0x4150]  }
0x4f: {  	v2 =	vld [tilespmem:s25+$0x4160]  }
0x50: {  	v1 =	vld [tilespmem:s25+$0x4170]  }
0x51: {  	v13 =	vld [tilespmem:s25+$0x100]  }
0x52: {  	v14 =	vld [tilespmem:s25+$0x110]  }
0x53: {  	v11 =	vld [tilespmem:s25+$0x120]  }
0x54: {  	v10 =	vld [tilespmem:s25+$0x130]  }
0x55: {  	v9 =	vld [tilespmem:s25+$0x140]  }
0x56: {  	v8 =	vld [tilespmem:s25+$0x150];
	v13 =	vadd.f32 v7, v13  }
0x57: {  	s26 =	simm.s32 $0x200;
	v12 =	vadd.f32 v12, v14;
	v7 =	vld [tilespmem:s25+$0x160]  }
.LBB2_5:
0x58: {  	s28 =	sshra.s32 s26, $0x2;
	p0 =	sne.s32 s26, $0xFE00;
	v13 =	vmax.f32 v13, $0.0e+00;
	v6 =	vadd.f32 v6, v11;
	v11 =	vld [tilespmem:s25+$0x170]  }
0x59: {  	v14 =	vld [tilespmem:s28+$0x4100];
	[tilespmem:s25+$0x100] =	vst v13;
	v12 =	vmax.f32 v12, $0.0e+00;
	v5 =	vadd.f32 v5, v10  }
0x5a: {  	v15 =	vld [tilespmem:s28+$0x4110];
	[tilespmem:s25+$0x110] =	vst v12;
	v10 =	vmax.f32 v6, $0.0e+00;
	v4 =	vadd.f32 v4, v9  }
0x5b: {  	v6 =	vld [tilespmem:s28+$0x4120];
	[tilespmem:s25+$0x120] =	vst v10;
	v9 =	vmax.f32 v5, $0.0e+00;
	v3 =	vadd.f32 v3, v8  }
0x5c: {  	v5 =	vld [tilespmem:s28+$0x4130];
	[tilespmem:s25+$0x130] =	vst v9;
	v8 =	vmax.f32 v4, $0.0e+00;
	v2 =	vadd.f32 v2, v7  }
0x5d: {  	v4 =	vld [tilespmem:s28+$0x4140];
	[tilespmem:s25+$0x140] =	vst v8;
	v7 =	vmax.f32 v3, $0.0e+00;
	v1 =	vadd.f32 v1, v11  }
0x5e: {  	v3 =	vld [tilespmem:s28+$0x4150];
	[tilespmem:s25+$0x150] =	vst v7;
	v7 =	vmax.f32 v2, $0.0e+00  }
0x5f: {  	v2 =	vld [tilespmem:s28+$0x4160];
	[tilespmem:s25+$0x160] =	vst v7;
	v7 =	vmax.f32 v1, $0.0e+00  }
0x60: {  	v1 =	vld [tilespmem:s28+$0x4170];
	[tilespmem:s25+$0x170] =	vst v7;
	s25 =	smov.u32 s28  }
0x61: {  	v7 =	vld [tilespmem:s25+$0x100]  }
0x62: {  	v12 =	vld [tilespmem:s25+$0x110]  }
.Ltmp1:
0x63: {  	v11 =	vld [tilespmem:s25+$0x120];
	(pc) =	sbr.rel @p0 .LBB2_5-.Ltmp1, $4  }
0x64: {  	v10 =	vld [tilespmem:s25+$0x130]  }
0x65: {  	v9 =	vld [tilespmem:s25+$0x140]  }
0x66: {  	v13 =	vadd.f32 v14, v7;
	v8 =	vld [tilespmem:s25+$0x150]  }
0x67: {  	s26 =	sadd.s32 $0x200, s26;
	v12 =	vadd.f32 v15, v12;
	v7 =	vld [tilespmem:s25+$0x160]  }
0x68: {  	v13 =	vmax.f32 v13, $0.0e+00;
	v6 =	vadd.f32 v6, v11;
	v63 =	vld [tilespmem:s25+$0x170]  }
0x69: {  	[tilespmem:s25+$0x100] =	vst v13;
	v12 =	vmax.f32 v12, $0.0e+00;
	v5 =	vadd.f32 v5, v10  }
0x6a: {  	[tilespmem:s25+$0x110] =	vst v12;
	v6 =	vmax.f32 v6, $0.0e+00;
	v4 =	vadd.f32 v4, v9  }
0x6b: {  	[tilespmem:s25+$0x120] =	vst v6;
	v5 =	vmax.f32 v5, $0.0e+00;
	v3 =	vadd.f32 v3, v8  }
0x6c: {  	[tilespmem:s25+$0x130] =	vst v5;
	v4 =	vmax.f32 v4, $0.0e+00;
	v2 =	vadd.f32 v2, v7  }
0x6d: {  	[tilespmem:s25+$0x140] =	vst v4;
	v3 =	vmax.f32 v3, $0.0e+00;
	v1 =	vadd.f32 v1, v63  }
0x6e: {  	s24 =	sadd.s32 $0x1, s24;
	[tilespmem:s25+$0x150] =	vst v3;
	v2 =	vmax.f32 v2, $0.0e+00  }
0x6f: {  	p0 =	sne.s32 s24, $0x4F;
	[tilespmem:s25+$0x160] =	vst v2;
	v1 =	vmax.f32 v1, $0.0e+00  }
.Ltmp2:
0x70: {  	[tilespmem:s25+$0x170] =	vst v1;
	(pc) =	sbr.rel @p0 .LBB2_4-.Ltmp2, $4  }
0x71: {  	[spmem:s1] =	stream.indirect.scatter.add.f32 [tilespmem:s16], [sflag:$0x2], $0x80, s18, s18, $0xb8;
	[tilespmem:$0x1C100] =	vst v63  }
0x72: {  	_ =	swait.ge [sflag:s17], $0x4000  }
0x73: {  	[sflag:s17] =	ssyncset.done $0x0  }
0x74: {  	[sflag:s17] =	ssyncadd.s32 $0xFFFFC000  }
0x75: {  	s3 =	sadd.s32 $0x1, s3  }
0x76: {  	p0 =	sne.s32 s3, s11  }
.Ltmp3:
0x77: {  	[bflag:$0x0] =	sbarrier.arrive $0xFFFF;
	(pc) =	sbr.rel @p0 .LBB2_1-.Ltmp3, $4  }
0x78: {  	[hbm:s10], [sflag:s21] =	dma.local [spmem:s22], $0x2800  }
0x79: {  	_ =	swait.ge [sflag:s17], $0x2800  }
0x7a: {  	[sflag:s17] =	ssyncset.done $0x0  }
0x7b: {  	[sflag:s17] =	ssyncadd.s32 $0xFFFFD800  }
0x7c: {  	_ =	sfence.sel $0x180000  }
0x7d: {  	[bflag:$0x0] =	sbarrier.arrive $0xFFFF  }
0x7e: {  	p0 =	sne.s32 s2, $0x0;
	_ =	strace $0x90000047  }
0x7f: {  	s0 =	sadd.s32 @!p0 $0x100000, s0;
	[bflag:$0x2] =	sbarrier.arrive $0xFFFF  }
0x80: {  	[sflag:s0] =	ssyncadd.tile.s32 @!p0 $0x1;
	_ =	shalt  }
.Lfunc_end2:
_tile_overlayer_lowered:
.L_overlay_start_2:
0x81: {  	(tag) =	ssettag $0x2  }
0x82: {  	s0 =	rddreg [dreg:$0x0];
	s2 =	stileid.u32  }
0x83: {  	s1 =	rddreg [dreg:$0x1];
	p0 =	sne.s32 s2, $0x0  }
0x84: {  	s3 =	rddreg [dreg:$0x2];
	[bflag:$0x3] =	sbarrier.arrive $0xFFFF;
	s2 =	simm.s32 @!p0 $0x1C02  }
0x85: {  	[timem:s3], [sflag:s2] =	dma.local @!p0 [hbm:s0], s1  }
0x86: {  	s0 =	simm.s32 @!p0 $0x2  }
0x87: {  	_ =	swait.ge @!p0 [sflag:s0], s1  }
0x88: {  	s1 =	ssub.s32 @!p0 $0x0, s1;
	[sflag:s0] =	ssyncset.done @!p0 $0x0  }
0x89: {  	[sflag:s0] =	ssyncadd.s32 @!p0 s1  }
0x8a: {  	[bflag:$0x3] =	sbarrier.arrive $0xFFFF  }
0x8b: {  	_ =	shalt  }

// kernel: kernel.15.cloned.1.call-start
scs
__scs_entry_jumppad:
0x0: {  	(pc) =	sbr.rel $0x88, $3  }
0x1: {  	(tag) =	ssettag $0x0;
	lr =	simm.s32 $0x1  }
0x2: {  	[smem:$0x3F89] =	sst lr;
	_ =	strace $0xD0000000  }
0x3: {  	_ = 	snop  }
0x4: {  	_ = 	snop  }
0x5: {  	_ = 	snop  }
0x6: {  	_ = 	snop  }
0x7: {  	_ = 	snop  }
__scs_overlays_trampoline_lowered:
0x8: {  	[smem:$0x3F98] =	sst s0  }
0x9: {  	[smem:$0x3F99] =	sst s1  }
0xa: {  	[smem:$0x3F9A] =	sst s2  }
0xb: {  	[smem:$0x3F9B] =	sst s3  }
0xc: {  	[smem:$0x3F9C] =	sst s4  }
0xd: {  	[smem:$0x3F9D] =	sst s5  }
0xe: {  	[smem:$0x3F9E] =	sst s6  }
0xf: {  	[smem:$0x3F9F] =	sst s7  }
0x10: {  	[smem:$0x3FA0] =	sst s8  }
0x11: {  	[smem:$0x3FA1] =	sst s9;
	s0 =	simm.s32 @!p0 $0x0  }
0x12: {  	s1 =	sld [smem:$0x3F87];
	s0 =	simm.s32 @p0 $0x1  }
0x13: {  	[smem:$0x3FA2] =	sst s0;
	s0 =	simm.s32 @!p1 $0x0  }
0x14: {  	s2 =	sld [smem:$0x3F86];
	s0 =	simm.s32 @p1 $0x1  }
0x15: {  	[smem:$0x3FA3] =	sst s0;
	s0 =	simm.s32 @!p2 $0x0  }
0x16: {  	s3 =	sld [smem:$0x3FDB];
	s0 =	simm.s32 @p2 $0x1  }
0x17: {  	s4 =	simm.s32 $0x1BF5;
	[smem:$0x3FA5] =	sst s0  }
0x18: {  	s0 =	sld [smem:$0x3F88];
	_ =	swait.ge [sflag:s4], $0x0  }
0x19: {  	s7 =	sld [smem:$0x3F89]  }
0x1a: {  	s8 =	sadd.s32 $0xFFFFE003, lr  }
0x1b: {  	s9 =	sadd.s32 $0xFFFFFEF7, lr;
	s5 =	simm.s32 $0xFFFFFFFF;
	p2 =	slt.u32 s8, $0xFFFFF086  }
0x1c: {  	p1 =	slt.u32 s9, $0xF7A;
	s5 =	simm.s32 @!p2 $0x0  }
0x1d: {  	s5 =	simm.s32 @p1 $0x1;
	p0 =	seq.s32 s7, s2  }
0x1e: {  	s7 =	smul.u32 @!p0 $0xF7A, s2;
	p2 =	seq.s32 @!p0 s5, $0x0  }
0x1f: {  	s9 =	smul.u32 $0xF7A, s1;
	s8 =	simm.s32 @!p0 $0x1BF5;
	p2 =	por !p2, p0  }
0x20: {  	[sflag:s8] =	ssyncset.s32 @!p0 $0xFFFFF086;
	s6 =	sadd.s32 @!p0 s3, s7;
	s7 =	simm.s32 @!p0 $0x108  }
0x21: {  	s3 =	sadd.s32 s3, s9;
	s6 =	sadd.s32 @!p0 $0x88, s6;
	s7 =	simm.s32 @p2 $0x1082  }
0x22: {  	[simem:s7], [sflag:s8] =	dma.local @!p0 [hbm:s6], $0xF7A  }
0x23: {  	s9 =	sor.u32 $0xD0000000, s2;
	s6 =	simm.s32 $0x108;
	_ =	swait.ge @!p0 [sflag:s8], $0x0  }
0x24: {  	s3 =	sadd.s32 $0x88, s3;
	s6 =	simm.s32 @!p1 $0x1082;
	[sflag:s4] =	ssyncset.s32 $0xFFFFF086  }
0x25: {  	[simem:s6], [sflag:s4] =	dma.local [hbm:s3], $0xF7A  }
0x26: {  	[smem:$0x3F89] =	sst s1;
	(tag) =	ssettag s2;
	_ =	strace s9  }
0x27: {  	s1 =	sld [smem:$0x3F99]  }
0x28: {  	s2 =	sld [smem:$0x3F9A]  }
0x29: {  	s4 =	sld [smem:$0x3F9C]  }
0x2a: {  	p0 =	seq.s32 s5, $0x0;
	s5 =	sld [smem:$0x3F9D]  }
0x2b: {  	s6 =	sld [smem:$0x3F9E]  }
0x2c: {  	s7 =	sld [smem:$0x3F9F]  }
0x2d: {  	s3 =	simm.s32 $0x108;
	s8 =	sld [smem:$0x3FA0]  }
0x2e: {  	s3 =	simm.s32 @!p0 $0x1082;
	s9 =	sld [smem:$0x3FA1]  }
0x2f: {  	lr =	sadd.s32 s0, s3;
	s0 =	sld [smem:$0x3F98]  }
0x30: {  	s3 =	sld [smem:$0x3F9B]  }
0x31: {  	[smem:$0x3FA4] =	sst s10  }
0x32: {  	s10 =	sld [smem:$0x3FA2];
	_ =	sdelay $0x3  }
0x33: {  	p0 =	seq.s32 s10, $0x1;
	s10 =	sld [smem:$0x3FA4];
	_ =	sdelay $0x3  }
0x34: {  	[smem:$0x3FA4] =	sst s10  }
0x35: {  	s10 =	sld [smem:$0x3FA3];
	_ =	sdelay $0x3  }
0x36: {  	p1 =	seq.s32 s10, $0x1;
	s10 =	sld [smem:$0x3FA4];
	_ =	sdelay $0x3  }
0x37: {  	[smem:$0x3FA4] =	sst s10  }
0x38: {  	s10 =	sld [smem:$0x3FA5]  }
0x39: {  	_ = 	snop;
	(pc) =	sbr.ind lr, $3  }
0x3a: {  	_ = 	snop  }
0x3b: {  	_ = 	snop  }
0x3c: {  	p2 =	seq.s32 s10, $0x1;
	s10 =	sld [smem:$0x3FA4]  }
0x3d: {  	_ =	shalt  }
0x3e: {  	_ =	shalt  }
0x3f: {  	_ =	shalt  }
0x40: {  	_ =	shalt  }
0x41: {  	_ =	shalt  }
0x42: {  	_ =	shalt  }
0x43: {  	_ =	shalt  }
0x44: {  	_ =	shalt  }
0x45: {  	_ =	shalt  }
0x46: {  	_ =	shalt  }
0x47: {  	_ =	shalt  }
0x48: {  	_ =	shalt  }
0x49: {  	_ =	shalt  }
0x4a: {  	_ =	shalt  }
0x4b: {  	_ =	shalt  }
0x4c: {  	_ =	shalt  }
0x4d: {  	_ =	shalt  }
0x4e: {  	_ =	shalt  }
0x4f: {  	_ =	shalt  }
0x50: {  	_ =	shalt  }
0x51: {  	_ =	shalt  }
0x52: {  	_ =	shalt  }
0x53: {  	_ =	shalt  }
0x54: {  	_ =	shalt  }
0x55: {  	_ =	shalt  }
0x56: {  	_ =	shalt  }
0x57: {  	_ =	shalt  }
0x58: {  	_ =	shalt  }
0x59: {  	_ =	shalt  }
0x5a: {  	_ =	shalt  }
0x5b: {  	_ =	shalt  }
0x5c: {  	_ =	shalt  }
0x5d: {  	_ =	shalt  }
0x5e: {  	_ =	shalt  }
0x5f: {  	_ =	shalt  }
0x60: {  	_ =	shalt  }
0x61: {  	_ =	shalt  }
0x62: {  	_ =	shalt  }
0x63: {  	_ =	shalt  }
0x64: {  	_ =	shalt  }
0x65: {  	_ =	shalt  }
0x66: {  	_ =	shalt  }
0x67: {  	_ =	shalt  }
0x68: {  	_ =	shalt  }
0x69: {  	_ =	shalt  }
0x6a: {  	_ =	shalt  }
0x6b: {  	_ =	shalt  }
0x6c: {  	_ =	shalt  }
0x6d: {  	_ =	shalt  }
0x6e: {  	_ =	shalt  }
0x6f: {  	_ =	shalt  }
0x70: {  	_ =	shalt  }
0x71: {  	_ =	shalt  }
0x72: {  	_ =	shalt  }
0x73: {  	_ =	shalt  }
0x74: {  	_ =	shalt  }
0x75: {  	_ =	shalt  }
0x76: {  	_ =	shalt  }
0x77: {  	_ =	shalt  }
0x78: {  	_ =	shalt  }
0x79: {  	_ =	shalt  }
0x7a: {  	_ =	shalt  }
0x7b: {  	_ =	shalt  }
0x7c: {  	_ =	shalt  }
0x7d: {  	_ =	shalt  }
0x7e: {  	_ =	shalt  }
0x7f: {  	_ =	shalt  }
0x80: {  	_ =	shalt  }
0x81: {  	_ =	shalt  }
0x82: {  	_ =	shalt  }
0x83: {  	_ =	shalt  }
0x84: {  	_ =	shalt  }
0x85: {  	_ =	shalt  }
0x86: {  	_ =	shalt  }
0x87: {  	_ =	shalt  }
.Lfunc_end0:
.L_simem_size_0:
called_computation.1_lowered:
.L_overlay_start_0:
0x88: {  	s2 =	sld [smem:$0x3FD9]  }
0x89: {  	s3 =	sld [smem:$0x3FFE];
	_ =	sdelay $0x1  }
0x8a: {  	s1 =	srdreg.scid  }
0x8b: {  	s0 =	sand.u32 $0x1, s1  }
0x8c: {  	s16 =	sshll.u32 s0, $0xA;
	s2 =	sadd.s32 s3, s2  }
0x8d: {  	s2 =	sadd.s32 s2, s16  }
0x8e: {  	[smem:$0x3FB0] =	sst s2  }
0x8f: {  	_ = 	snop  }
0x90: {  	(tm) =	ssettm $0x1  }
0x91: {  	s17 =	sld [smem:$0x3FFB];
	_ =	sdelay $0x3  }
0x92: {  	_ =	strace s17  }
0x93: {  	s2 =	sld [smem:$0x3FFC];
	_ =	sdelay $0x3  }
0x94: {  	_ =	strace s2  }
0x95: {  	s2 =	sld [smem:$0x3FFD];
	_ =	sdelay $0x3  }
0x96: {  	_ =	strace s2  }
0x97: {  	_ =	strace $0x8FFFFFFF  }
0x98: {  	s18 =	sld [smem:$0x3FDB];
	_ =	sdelay $0x1  }
0x99: {  	s19 =	simm.s32 $_scs_section_size  }
0x9a: {  	s4 =	simm.s32 $_size__tile_overlayer_lowered;
	s5 =	simm.s32 $_tile_overlayer_lowered  }
0x9b: {  	s22 =	simm.s32 $0x1BFF;
	s21 =	sshll.u32 s5, $0x1;
	s2 =	sadd.s32 s19, s18  }
0x9c: {  	s6 =	simm.s32 $0x0;
	s20 =	sshll.u32 s4, $0x1;
	s4 =	sadd.s32 s21, s2  }
0x9d: {  	[timem:s6], [sflag:s22] =	dma.local [hbm:s4], s20  }
0x9e: {  	_ =	swait.ge [sflag:s22], s20  }
0x9f: {  	s3 =	ssub.s32 $0x0, s20;
	[sflag:s22] =	ssyncset.done $0x0  }
0xa0: {  	[sflag:s22] =	ssyncadd.s32 s3;
	_ =	sdelay $0x1  }
0xa1: {  	s23 =	simm.s32 $0x1B8B  }
0xa2: {  	_ =	swait.ge [sflag:s23], $0x1  }
0xa3: {  	[sflag:s23] =	ssyncset.done $0x0  }
0xa4: {  	s25 =	simm.s32 $0x1B8E;
	s24 =	sld [smem:$0x3FFE];
	[sflag:s23] =	ssyncadd.s32 $0xFFFFFFFF  }
0xa5: {  	s26 =	simm.s32 $execute0_lowered;
	[smem:$0x3FD2] =	sst s25  }
0xa6: {  	s4 =	sshll.u32 s26, $0x1;
	_ =	strace $0x80000049;
	[dreg:$0x1] =	wrdreg $0xFFFFFFFF  }
0xa7: {  	s28 =	simm.s32 $_size_execute0_lowered;
	s2 =	sadd.s32 s2, s4;
	[dreg:$0x0] =	wrdreg $0x0  }
0xa8: {  	s4 =	sshll.u32 s28, $0x1;
	[dreg:$0x2] =	wrdreg s2  }
0xa9: {  	[dreg:$0x3] =	wrdreg s4  }
0xaa: {  	[dreg:$0x4] =	wrdreg $0xC0  }
0xab: {  	_ =	task [dreg:s6], $0x5FFFF  }
0xac: {  	[dreg:$0x1] =	wrdreg $0xFFFFFFFF  }
0xad: {  	[dreg:$0x0] =	wrdreg $0x60  }
0xae: {  	[dreg:$0x2] =	wrdreg s24  }
0xaf: {  	[dreg:$0x3] =	wrdreg $0x81000  }
0xb0: {  	[dreg:$0x4] =	wrdreg $0x9  }
0xb1: {  	_ =	task.clear_ibuf [dreg:s6], $0x5FFFF;
	_ =	strace $0x90000049  }
0xb2: {  	s29 =	simm.s32 $0x9;
	_ =	strace $0x8000004B  }
0xb3: {  	_ =	swait.ge [sflag:s29], $0x1  }
0xb4: {  	[sflag:s29] =	ssyncadd.s32 $0xFFFFFFFF  }
0xb5: {  	_ =	strace $0x9000004B  }
0xb6: {  	_ =	sfence  }
0xb7: {  	s30 =	sld [smem:$0x0];
	_ =	sdelay $0x2  }
0xb8: {  	s31 =	sshll.u32 s1, $0xD;
	s1 =	sshrl.u32 s1, $0x2  }
0xb9: {  	s3 =	sand.u32 $0x4000, s31;
	s1 =	sadd.s32 s1, s30  }
0xba: {  	s0 =	sor.u32 s3, s0;
	s1 =	sshll.u32 s1, $0x11  }
0xbb: {  	s0 =	sor.u32 s1, s0  }
0xbc: {  	s0 =	sadd.s32 $0x8F2B, s0  }
0xbd: {  	[sflag:s0] =	ssyncadd.remote.s32 $0x1  }
0xbe: {  	_ =	sfence.sel $0xFFFF  }
0xbf: {  	[dreg:$0x0] =	wrdreg $0xFFFFFFFF;
	(pc) =	sbr.abs _section_cstart, $3  }
0xc0: {  	[dreg:$0x1] =	wrdreg $0xFFFFFFFF  }
0xc1: {  	_ =	task.clear_ibuf [dreg:s6], $0x2FFFF;
	_ =	strace $0x9FFFFFFF  }
0xc2: {  	(tm) =	ssettm $0x7FFFFFFF  }
0xc3: {  	_ =	shalt  }
tec
execute0_lowered:
.L_overlay_start_1:
0x0: {  	(tag) =	ssettag $0x1  }
0x1: {  	s8 =	rddreg [dreg:$0x0]  }
0x2: {  	s1 =	rddreg [dreg:$0x1]  }
0x3: {  	s2 =	srdreg.scid;
	s0 =	rddreg [dreg:$0x2];
	s3 =	simm.s32 $0x0  }
0x4: {  	s16 =	simm.s32 $0x100;
	s17 =	simm.s32 $0x2;
	s18 =	simm.s32 $0x80  }
0x5: {  	s19 =	simm.s32 $0x1;
	s9 =	sand.u32 $0x1, s2;
	s2 =	stileid.u32  }
0x6: {  	s20 =	simm.s32 $0x4100;
	[smem:$0x7FF] =	sst s3;
	s6 =	smul.u32 $0x140000, s9  }
0x7: {  	s4 =	sadd.s32 $0x18C00, s8;
	s5 =	sadd.s32 $0x9D7000, s8;
	s7 =	smul.u32 $0x14000, s2  }
0x8: {  	_ =	strace $0x8000004A;
	s11 =	smul.u32 $0x50000, s2;
	s31 =	ssub.s32 $0x2, s9  }
0x9: {  	s13 =	sshll.u32 s2, $0x1;
	s21 =	sshll.u32 s2, $0x6;
	s12 =	sshrl.u32 s31, $0x1  }
0xa: {  	s9 =	sor.u32 s9, s13;
	s21 =	sor.u32 $0x1C02, s21;
	s7 =	sadd.s32 s7, s6  }
0xb: {  	s6 =	sadd.s32 $0x5000, s8;
	s11 =	sshrl.u32 s11, $0x2;
	s12 =	ssub.s32 s31, s12  }
0xc: {  	s9 =	smul.u32 $0x4F, s9;
	s10 =	sshrl.u32 s7, $0x3;
	s7 =	sadd.s32 $0xEE00, s8  }
0xd: {  	s10 =	sadd.s32 s10, s8;
	s8 =	sadd.s32 s11, s1;
	s11 =	smax.u32 s12, $0x1  }
0xe: {  	s10 =	sadd.s32 $0x40C00, s10;
	s12 =	sadd.s32 $0x4000, s8;
	s13 =	sadd.s32 $0x8000, s8  }
0xf: {  	v0 =	vimm.f32 $0.0e+00;
	s14 =	sadd.s32 $0xC000, s8;
	s15 =	sadd.s32 $0x10000, s8;
	s22 =	sshrl.u32 s8, $0x3  }
.LBB2_1:
0x10: {  	s23 =	simm.s32 $0x0;
	s24 =	simm.s32 $0x200  }
.LBB2_2:
0x11: {  	p0 =	sne.s32 s24, $0xFE00;
	[tilespmem:s23+$0x170] =	vst v0  }
0x12: {  	[tilespmem:s23+$0x100] =	vst v0  }
0x13: {  	[tilespmem:s23+$0x110] =	vst v0  }
.Ltmp0:
0x14: {  	[tilespmem:s23+$0x120] =	vst v0;
	(pc) =	sbr.rel @p0 .LBB2_2-.Ltmp0, $4  }
0x15: {  	[tilespmem:s23+$0x130] =	vst v0  }
0x16: {  	[tilespmem:s23+$0x140] =	vst v0  }
0x17: {  	[tilespmem:s23+$0x150] =	vst v0  }
0x18: {  	[tilespmem:s23+$0x160] =	vst v0;
	s23 =	sshra.s32 s24, $0x2;
	s24 =	sadd.s32 $0x200, s24  }
0x19: {  	[tilespmem:s23+$0x170] =	vst v0  }
0x1a: {  	[tilespmem:s23+$0x100] =	vst v0  }
0x1b: {  	[tilespmem:s23+$0x110] =	vst v0  }
0x1c: {  	[tilespmem:s23+$0x120] =	vst v0  }
0x1d: {  	[tilespmem:s23+$0x130] =	vst v0  }
0x1e: {  	[tilespmem:s23+$0x140] =	vst v0  }
0x1f: {  	[tilespmem:s23+$0x150] =	vst v0  }
0x20: {  	[tilespmem:s23+$0x160] =	vst v0  }
0x21: {  	[spmem:s8] =	stream.linear.scatter [tilespmem:s16], [sflag:$0x2], $0x4000, $0x38;
	[tilespmem:$0x1C100] =	vst v63  }
0x22: {  	_ =	swait.ge [sflag:s17], $0x4000  }
0x23: {  	[sflag:s17] =	ssyncset.done $0x0  }
0x24: {  	[sflag:s17] =	ssyncadd.s32 $0xFFFFC000  }
0x25: {  	[spmem:s12] =	stream.linear.scatter [tilespmem:s16], [sflag:$0x2], $0x4000, $0x38;
	[tilespmem:$0x1C100] =	vst v63  }
0x26: {  	_ =	swait.ge [sflag:s17], $0x4000  }
0x27: {  	[sflag:s17] =	ssyncset.done $0x0  }
0x28: {  	[sflag:s17] =	ssyncadd.s32 $0xFFFFC000  }
0x29: {  	[spmem:s13] =	stream.linear.scatter [tilespmem:s16], [sflag:$0x2], $0x4000, $0x38;
	[tilespmem:$0x1C100] =	vst v63  }
0x2a: {  	_ =	swait.ge [sflag:s17], $0x4000  }
0x2b: {  	[sflag:s17] =	ssyncset.done $0x0  }
0x2c: {  	[sflag:s17] =	ssyncadd.s32 $0xFFFFC000  }
0x2d: {  	[spmem:s14] =	stream.linear.scatter [tilespmem:s16], [sflag:$0x2], $0x4000, $0x38;
	[tilespmem:$0x1C100] =	vst v63  }
0x2e: {  	_ =	swait.ge [sflag:s17], $0x4000  }
0x2f: {  	[sflag:s17] =	ssyncset.done $0x0  }
0x30: {  	[sflag:s17] =	ssyncadd.s32 $0xFFFFC000  }
0x31: {  	[spmem:s15] =	stream.linear.scatter [tilespmem:s16], [sflag:$0x2], $0x4000, $0x38;
	[tilespmem:$0x1C100] =	vst v63  }
0x32: {  	_ =	swait.ge [sflag:s17], $0x4000  }
0x33: {  	[sflag:s17] =	ssyncset.done $0x0  }
0x34: {  	[sflag:s17] =	ssyncadd.s32 $0xFFFFC000  }
0x35: {  	s23 =	simm.s32 $0x0;
	s24 =	simm.s32 $0x0;
	[bflag:$0x0] =	sbarrier.arrive $0xFFFF  }
.LBB2_4:
0x36: {  	s25 =	sadd.s32 s9, s24  }
0x37: {  	s26 =	sshll.u32 s25, $0x4  }
0x38: {  	s28 =	sadd.s32 s6, s26  }
0x39: {  	[tilespmem:s23], [sflag:$0x2] =	stream.linear.gather [hbm4b:s28+s23], $0x80, $0x38;
	[tilespmem:$0x1C100] =	vst v63  }
0x3a: {  	_ =	swait.ge [sflag:s17], $0x80  }
0x3b: {  	[sflag:s17] =	ssyncset.done $0x0  }
0x3c: {  	s26 =	sadd.s32 s7, s26;
	[sflag:s17] =	ssyncadd.s32 $0xFFFFFF80  }
0x3d: {  	[tilespmem:s18], [sflag:$0x2] =	stream.linear.gather [hbm4b:s26+s23], $0x80, $0x38;
	[tilespmem:$0x1C100] =	vst v63  }
0x3e: {  	_ =	swait.ge [sflag:s17], $0x80  }
0x3f: {  	[sflag:s17] =	ssyncset.done $0x0  }
0x40: {  	[sflag:s17] =	ssyncadd.s32 $0xFFFFFF80  }
0x41: {  	[tilespmem:s16], [sflag:$0x1] =	stream.indirect.gather [hbm4b:s4+s18], $0x80, s23, s18, $0xb8;
	[tilespmem:$0x1C100] =	vst v63  }
0x42: {  	_ =	swait.ge [sflag:s19], $0x4000  }
0x43: {  	s25 =	sshll.u32 s25, $0xB;
	[sflag:s19] =	ssyncset.done $0x0  }
0x44: {  	s25 =	sadd.s32 s5, s25;
	[sflag:s19] =	ssyncadd.s32 $0xFFFFC000  }
0x45: {  	[tilespmem:s20], [sflag:$0x2] =	stream.linear.gather [hbm4b:s25+s23], $0x4000, $0x38;
	[tilespmem:$0x1C100] =	vst v63  }
0x46: {  	_ =	swait.ge [sflag:s17], $0x4000  }
0x47: {  	[sflag:s17] =	ssyncset.done $0x0  }
0x48: {  	s25 =	simm.s32 $0x0;
	[sflag:s17] =	ssyncadd.s32 $0xFFFFC000  }
0x49: {  	v7 =	vld [tilespmem:s25+$0x4100]  }
0x4a: {  	v12 =	vld [tilespmem:s25+$0x4110]  }
0x4b: {  	v6 =	vld [tilespmem:s25+$0x4120]  }
0x4c: {  	v5 =	vld [tilespmem:s25+$0x4130]  }
0x4d: {  	v4 =	vld [tilespmem:s25+$0x4140]  }
0x4e: {  	v3 =	vld [tilespmem:s25+$0x4150]  }
0x4f: {  	v2 =	vld [tilespmem:s25+$0x4160]  }
0x50: {  	v1 =	vld [tilespmem:s25+$0x4170]  }
0x51: {  	v13 =	vld [tilespmem:s25+$0x100]  }
0x52: {  	v14 =	vld [tilespmem:s25+$0x110]  }
0x53: {  	v11 =	vld [tilespmem:s25+$0x120]  }
0x54: {  	v10 =	vld [tilespmem:s25+$0x130]  }
0x55: {  	v9 =	vld [tilespmem:s25+$0x140]  }
0x56: {  	v8 =	vld [tilespmem:s25+$0x150];
	v13 =	vadd.f32 v7, v13  }
0x57: {  	s26 =	simm.s32 $0x200;
	v12 =	vadd.f32 v12, v14;
	v7 =	vld [tilespmem:s25+$0x160]  }
.LBB2_5:
0x58: {  	s28 =	sshra.s32 s26, $0x2;
	p0 =	sne.s32 s26, $0xFE00;
	v13 =	vmax.f32 v13, $0.0e+00;
	v6 =	vadd.f32 v6, v11;
	v11 =	vld [tilespmem:s25+$0x170]  }
0x59: {  	v14 =	vld [tilespmem:s28+$0x4100];
	[tilespmem:s25+$0x100] =	vst v13;
	v12 =	vmax.f32 v12, $0.0e+00;
	v5 =	vadd.f32 v5, v10  }
0x5a: {  	v15 =	vld [tilespmem:s28+$0x4110];
	[tilespmem:s25+$0x110] =	vst v12;
	v10 =	vmax.f32 v6, $0.0e+00;
	v4 =	vadd.f32 v4, v9  }
0x5b: {  	v6 =	vld [tilespmem:s28+$0x4120];
	[tilespmem:s25+$0x120] =	vst v10;
	v9 =	vmax.f32 v5, $0.0e+00;
	v3 =	vadd.f32 v3, v8  }
0x5c: {  	v5 =	vld [tilespmem:s28+$0x4130];
	[tilespmem:s25+$0x130] =	vst v9;
	v8 =	vmax.f32 v4, $0.0e+00;
	v2 =	vadd.f32 v2, v7  }
0x5d: {  	v4 =	vld [tilespmem:s28+$0x4140];
	[tilespmem:s25+$0x140] =	vst v8;
	v7 =	vmax.f32 v3, $0.0e+00;
	v1 =	vadd.f32 v1, v11  }
0x5e: {  	v3 =	vld [tilespmem:s28+$0x4150];
	[tilespmem:s25+$0x150] =	vst v7;
	v7 =	vmax.f32 v2, $0.0e+00  }
0x5f: {  	v2 =	vld [tilespmem:s28+$0x4160];
	[tilespmem:s25+$0x160] =	vst v7;
	v7 =	vmax.f32 v1, $0.0e+00  }
0x60: {  	v1 =	vld [tilespmem:s28+$0x4170];
	[tilespmem:s25+$0x170] =	vst v7;
	s25 =	smov.u32 s28  }
0x61: {  	v7 =	vld [tilespmem:s25+$0x100]  }
0x62: {  	v12 =	vld [tilespmem:s25+$0x110]  }
.Ltmp1:
0x63: {  	v11 =	vld [tilespmem:s25+$0x120];
	(pc) =	sbr.rel @p0 .LBB2_5-.Ltmp1, $4  }
0x64: {  	v10 =	vld [tilespmem:s25+$0x130]  }
0x65: {  	v9 =	vld [tilespmem:s25+$0x140]  }
0x66: {  	v13 =	vadd.f32 v14, v7;
	v8 =	vld [tilespmem:s25+$0x150]  }
0x67: {  	s26 =	sadd.s32 $0x200, s26;
	v12 =	vadd.f32 v15, v12;
	v7 =	vld [tilespmem:s25+$0x160]  }
0x68: {  	v13 =	vmax.f32 v13, $0.0e+00;
	v6 =	vadd.f32 v6, v11;
	v63 =	vld [tilespmem:s25+$0x170]  }
0x69: {  	[tilespmem:s25+$0x100] =	vst v13;
	v12 =	vmax.f32 v12, $0.0e+00;
	v5 =	vadd.f32 v5, v10  }
0x6a: {  	[tilespmem:s25+$0x110] =	vst v12;
	v6 =	vmax.f32 v6, $0.0e+00;
	v4 =	vadd.f32 v4, v9  }
0x6b: {  	[tilespmem:s25+$0x120] =	vst v6;
	v5 =	vmax.f32 v5, $0.0e+00;
	v3 =	vadd.f32 v3, v8  }
0x6c: {  	[tilespmem:s25+$0x130] =	vst v5;
	v4 =	vmax.f32 v4, $0.0e+00;
	v2 =	vadd.f32 v2, v7  }
0x6d: {  	[tilespmem:s25+$0x140] =	vst v4;
	v3 =	vmax.f32 v3, $0.0e+00;
	v1 =	vadd.f32 v1, v63  }
0x6e: {  	s24 =	sadd.s32 $0x1, s24;
	[tilespmem:s25+$0x150] =	vst v3;
	v2 =	vmax.f32 v2, $0.0e+00  }
0x6f: {  	p0 =	sne.s32 s24, $0x4F;
	[tilespmem:s25+$0x160] =	vst v2;
	v1 =	vmax.f32 v1, $0.0e+00  }
.Ltmp2:
0x70: {  	[tilespmem:s25+$0x170] =	vst v1;
	(pc) =	sbr.rel @p0 .LBB2_4-.Ltmp2, $4  }
0x71: {  	[spmem:s1] =	stream.indirect.scatter.add.f32 [tilespmem:s16], [sflag:$0x2], $0x80, s18, s18, $0xb8;
	[tilespmem:$0x1C100] =	vst v63  }
0x72: {  	_ =	swait.ge [sflag:s17], $0x4000  }
0x73: {  	[sflag:s17] =	ssyncset.done $0x0  }
0x74: {  	[sflag:s17] =	ssyncadd.s32 $0xFFFFC000  }
0x75: {  	s3 =	sadd.s32 $0x1, s3  }
0x76: {  	p0 =	sne.s32 s3, s11  }
.Ltmp3:
0x77: {  	[bflag:$0x0] =	sbarrier.arrive $0xFFFF;
	(pc) =	sbr.rel @p0 .LBB2_1-.Ltmp3, $4  }
0x78: {  	[hbm:s10], [sflag:s21] =	dma.local [spmem:s22], $0x2800  }
0x79: {  	_ =	swait.ge [sflag:s17], $0x2800  }
0x7a: {  	[sflag:s17] =	ssyncset.done $0x0  }
0x7b: {  	[sflag:s17] =	ssyncadd.s32 $0xFFFFD800  }
0x7c: {  	_ =	sfence.sel $0x180000  }
0x7d: {  	[bflag:$0x0] =	sbarrier.arrive $0xFFFF  }
0x7e: {  	p0 =	sne.s32 s2, $0x0;
	_ =	strace $0x9000004A  }
0x7f: {  	s0 =	sadd.s32 @!p0 $0x100000, s0;
	[bflag:$0x2] =	sbarrier.arrive $0xFFFF  }
0x80: {  	[sflag:s0] =	ssyncadd.tile.s32 @!p0 $0x1;
	_ =	shalt  }
.Lfunc_end2:
_tile_overlayer_lowered:
.L_overlay_start_2:
0x81: {  	(tag) =	ssettag $0x2  }
0x82: {  	s0 =	rddreg [dreg:$0x0];
	s2 =	stileid.u32  }
0x83: {  	s1 =	rddreg [dreg:$0x1];
	p0 =	sne.s32 s2, $0x0  }
0x84: {  	s3 =	rddreg [dreg:$0x2];
	[bflag:$0x3] =	sbarrier.arrive $0xFFFF;
	s2 =	simm.s32 @!p0 $0x1C02  }
0x85: {  	[timem:s3], [sflag:s2] =	dma.local @!p0 [hbm:s0], s1  }
0x86: {  	s0 =	simm.s32 @!p0 $0x2  }
0x87: {  	_ =	swait.ge @!p0 [sflag:s0], s1  }
0x88: {  	s1 =	ssub.s32 @!p0 $0x0, s1;
	[sflag:s0] =	ssyncset.done @!p0 $0x0  }
0x89: {  	[sflag:s0] =	ssyncadd.s32 @!p0 s1  }
0x8a: {  	[bflag:$0x3] =	sbarrier.arrive $0xFFFF  }
0x8b: {  	_ =	shalt  }

// kernel: kernel.18.cloned.1.call-start
scs
__scs_entry_jumppad:
0x0: {  	(pc) =	sbr.rel $0x88, $3  }
0x1: {  	(tag) =	ssettag $0x0;
	lr =	simm.s32 $0x1  }
0x2: {  	[smem:$0x3F89] =	sst lr;
	_ =	strace $0xD0000000  }
0x3: {  	_ = 	snop  }
0x4: {  	_ = 	snop  }
0x5: {  	_ = 	snop  }
0x6: {  	_ = 	snop  }
0x7: {  	_ = 	snop  }
__scs_overlays_trampoline_lowered:
0x8: {  	[smem:$0x3F98] =	sst s0  }
0x9: {  	[smem:$0x3F99] =	sst s1  }
0xa: {  	[smem:$0x3F9A] =	sst s2  }
0xb: {  	[smem:$0x3F9B] =	sst s3  }
0xc: {  	[smem:$0x3F9C] =	sst s4  }
0xd: {  	[smem:$0x3F9D] =	sst s5  }
0xe: {  	[smem:$0x3F9E] =	sst s6  }
0xf: {  	[smem:$0x3F9F] =	sst s7  }
0x10: {  	[smem:$0x3FA0] =	sst s8  }
0x11: {  	[smem:$0x3FA1] =	sst s9;
	s0 =	simm.s32 @!p0 $0x0  }
0x12: {  	s1 =	sld [smem:$0x3F87];
	s0 =	simm.s32 @p0 $0x1  }
0x13: {  	[smem:$0x3FA2] =	sst s0;
	s0 =	simm.s32 @!p1 $0x0  }
0x14: {  	s2 =	sld [smem:$0x3F86];
	s0 =	simm.s32 @p1 $0x1  }
0x15: {  	[smem:$0x3FA3] =	sst s0;
	s0 =	simm.s32 @!p2 $0x0  }
0x16: {  	s3 =	sld [smem:$0x3FDB];
	s0 =	simm.s32 @p2 $0x1  }
0x17: {  	s4 =	simm.s32 $0x1BF5;
	[smem:$0x3FA5] =	sst s0  }
0x18: {  	s0 =	sld [smem:$0x3F88];
	_ =	swait.ge [sflag:s4], $0x0  }
0x19: {  	s7 =	sld [smem:$0x3F89]  }
0x1a: {  	s8 =	sadd.s32 $0xFFFFE003, lr  }
0x1b: {  	s9 =	sadd.s32 $0xFFFFFEF7, lr;
	s5 =	simm.s32 $0xFFFFFFFF;
	p2 =	slt.u32 s8, $0xFFFFF086  }
0x1c: {  	p1 =	slt.u32 s9, $0xF7A;
	s5 =	simm.s32 @!p2 $0x0  }
0x1d: {  	s5 =	simm.s32 @p1 $0x1;
	p0 =	seq.s32 s7, s2  }
0x1e: {  	s7 =	smul.u32 @!p0 $0xF7A, s2;
	p2 =	seq.s32 @!p0 s5, $0x0  }
0x1f: {  	s9 =	smul.u32 $0xF7A, s1;
	s8 =	simm.s32 @!p0 $0x1BF5;
	p2 =	por !p2, p0  }
0x20: {  	[sflag:s8] =	ssyncset.s32 @!p0 $0xFFFFF086;
	s6 =	sadd.s32 @!p0 s3, s7;
	s7 =	simm.s32 @!p0 $0x108  }
0x21: {  	s3 =	sadd.s32 s3, s9;
	s6 =	sadd.s32 @!p0 $0x88, s6;
	s7 =	simm.s32 @p2 $0x1082  }
0x22: {  	[simem:s7], [sflag:s8] =	dma.local @!p0 [hbm:s6], $0xF7A  }
0x23: {  	s9 =	sor.u32 $0xD0000000, s2;
	s6 =	simm.s32 $0x108;
	_ =	swait.ge @!p0 [sflag:s8], $0x0  }
0x24: {  	s3 =	sadd.s32 $0x88, s3;
	s6 =	simm.s32 @!p1 $0x1082;
	[sflag:s4] =	ssyncset.s32 $0xFFFFF086  }
0x25: {  	[simem:s6], [sflag:s4] =	dma.local [hbm:s3], $0xF7A  }
0x26: {  	[smem:$0x3F89] =	sst s1;
	(tag) =	ssettag s2;
	_ =	strace s9  }
0x27: {  	s1 =	sld [smem:$0x3F99]  }
0x28: {  	s2 =	sld [smem:$0x3F9A]  }
0x29: {  	s4 =	sld [smem:$0x3F9C]  }
0x2a: {  	p0 =	seq.s32 s5, $0x0;
	s5 =	sld [smem:$0x3F9D]  }
0x2b: {  	s6 =	sld [smem:$0x3F9E]  }
0x2c: {  	s7 =	sld [smem:$0x3F9F]  }
0x2d: {  	s3 =	simm.s32 $0x108;
	s8 =	sld [smem:$0x3FA0]  }
0x2e: {  	s3 =	simm.s32 @!p0 $0x1082;
	s9 =	sld [smem:$0x3FA1]  }
0x2f: {  	lr =	sadd.s32 s0, s3;
	s0 =	sld [smem:$0x3F98]  }
0x30: {  	s3 =	sld [smem:$0x3F9B]  }
0x31: {  	[smem:$0x3FA4] =	sst s10  }
0x32: {  	s10 =	sld [smem:$0x3FA2];
	_ =	sdelay $0x3  }
0x33: {  	p0 =	seq.s32 s10, $0x1;
	s10 =	sld [smem:$0x3FA4];
	_ =	sdelay $0x3  }
0x34: {  	[smem:$0x3FA4] =	sst s10  }
0x35: {  	s10 =	sld [smem:$0x3FA3];
	_ =	sdelay $0x3  }
0x36: {  	p1 =	seq.s32 s10, $0x1;
	s10 =	sld [smem:$0x3FA4];
	_ =	sdelay $0x3  }
0x37: {  	[smem:$0x3FA4] =	sst s10  }
0x38: {  	s10 =	sld [smem:$0x3FA5]  }
0x39: {  	_ = 	snop;
	(pc) =	sbr.ind lr, $3  }
0x3a: {  	_ = 	snop  }
0x3b: {  	_ = 	snop  }
0x3c: {  	p2 =	seq.s32 s10, $0x1;
	s10 =	sld [smem:$0x3FA4]  }
0x3d: {  	_ =	shalt  }
0x3e: {  	_ =	shalt  }
0x3f: {  	_ =	shalt  }
0x40: {  	_ =	shalt  }
0x41: {  	_ =	shalt  }
0x42: {  	_ =	shalt  }
0x43: {  	_ =	shalt  }
0x44: {  	_ =	shalt  }
0x45: {  	_ =	shalt  }
0x46: {  	_ =	shalt  }
0x47: {  	_ =	shalt  }
0x48: {  	_ =	shalt  }
0x49: {  	_ =	shalt  }
0x4a: {  	_ =	shalt  }
0x4b: {  	_ =	shalt  }
0x4c: {  	_ =	shalt  }
0x4d: {  	_ =	shalt  }
0x4e: {  	_ =	shalt  }
0x4f: {  	_ =	shalt  }
0x50: {  	_ =	shalt  }
0x51: {  	_ =	shalt  }
0x52: {  	_ =	shalt  }
0x53: {  	_ =	shalt  }
0x54: {  	_ =	shalt  }
0x55: {  	_ =	shalt  }
0x56: {  	_ =	shalt  }
0x57: {  	_ =	shalt  }
0x58: {  	_ =	shalt  }
0x59: {  	_ =	shalt  }
0x5a: {  	_ =	shalt  }
0x5b: {  	_ =	shalt  }
0x5c: {  	_ =	shalt  }
0x5d: {  	_ =	shalt  }
0x5e: {  	_ =	shalt  }
0x5f: {  	_ =	shalt  }
0x60: {  	_ =	shalt  }
0x61: {  	_ =	shalt  }
0x62: {  	_ =	shalt  }
0x63: {  	_ =	shalt  }
0x64: {  	_ =	shalt  }
0x65: {  	_ =	shalt  }
0x66: {  	_ =	shalt  }
0x67: {  	_ =	shalt  }
0x68: {  	_ =	shalt  }
0x69: {  	_ =	shalt  }
0x6a: {  	_ =	shalt  }
0x6b: {  	_ =	shalt  }
0x6c: {  	_ =	shalt  }
0x6d: {  	_ =	shalt  }
0x6e: {  	_ =	shalt  }
0x6f: {  	_ =	shalt  }
0x70: {  	_ =	shalt  }
0x71: {  	_ =	shalt  }
0x72: {  	_ =	shalt  }
0x73: {  	_ =	shalt  }
0x74: {  	_ =	shalt  }
0x75: {  	_ =	shalt  }
0x76: {  	_ =	shalt  }
0x77: {  	_ =	shalt  }
0x78: {  	_ =	shalt  }
0x79: {  	_ =	shalt  }
0x7a: {  	_ =	shalt  }
0x7b: {  	_ =	shalt  }
0x7c: {  	_ =	shalt  }
0x7d: {  	_ =	shalt  }
0x7e: {  	_ =	shalt  }
0x7f: {  	_ =	shalt  }
0x80: {  	_ =	shalt  }
0x81: {  	_ =	shalt  }
0x82: {  	_ =	shalt  }
0x83: {  	_ =	shalt  }
0x84: {  	_ =	shalt  }
0x85: {  	_ =	shalt  }
0x86: {  	_ =	shalt  }
0x87: {  	_ =	shalt  }
.Lfunc_end0:
.L_simem_size_0:
called_computation.2_lowered:
.L_overlay_start_0:
0x88: {  	s2 =	sld [smem:$0x3FD9]  }
0x89: {  	s3 =	sld [smem:$0x3FFE];
	_ =	sdelay $0x1  }
0x8a: {  	s1 =	srdreg.scid  }
0x8b: {  	s0 =	sand.u32 $0x1, s1  }
0x8c: {  	s16 =	sshll.u32 s0, $0xA;
	s2 =	sadd.s32 s3, s2  }
0x8d: {  	s2 =	sadd.s32 s2, s16  }
0x8e: {  	[smem:$0x3FB0] =	sst s2  }
0x8f: {  	_ = 	snop  }
0x90: {  	(tm) =	ssettm $0x1  }
0x91: {  	s17 =	sld [smem:$0x3FFB];
	_ =	sdelay $0x3  }
0x92: {  	_ =	strace s17  }
0x93: {  	s2 =	sld [smem:$0x3FFC];
	_ =	sdelay $0x3  }
0x94: {  	_ =	strace s2  }
0x95: {  	s2 =	sld [smem:$0x3FFD];
	_ =	sdelay $0x3  }
0x96: {  	_ =	strace s2  }
0x97: {  	_ =	strace $0x8FFFFFFF  }
0x98: {  	s18 =	sld [smem:$0x3FDB];
	_ =	sdelay $0x1  }
0x99: {  	s19 =	simm.s32 $_scs_section_size  }
0x9a: {  	s4 =	simm.s32 $_size__tile_overlayer_lowered;
	s5 =	simm.s32 $_tile_overlayer_lowered  }
0x9b: {  	s22 =	simm.s32 $0x1BFF;
	s21 =	sshll.u32 s5, $0x1;
	s2 =	sadd.s32 s19, s18  }
0x9c: {  	s6 =	simm.s32 $0x0;
	s20 =	sshll.u32 s4, $0x1;
	s4 =	sadd.s32 s21, s2  }
0x9d: {  	[timem:s6], [sflag:s22] =	dma.local [hbm:s4], s20  }
0x9e: {  	_ =	swait.ge [sflag:s22], s20  }
0x9f: {  	s3 =	ssub.s32 $0x0, s20;
	[sflag:s22] =	ssyncset.done $0x0  }
0xa0: {  	[sflag:s22] =	ssyncadd.s32 s3;
	_ =	sdelay $0x1  }
0xa1: {  	s23 =	simm.s32 $0x1B8B  }
0xa2: {  	_ =	swait.ge [sflag:s23], $0x1  }
0xa3: {  	[sflag:s23] =	ssyncset.done $0x0  }
0xa4: {  	s25 =	simm.s32 $0x1B8E;
	s24 =	sld [smem:$0x3FFE];
	[sflag:s23] =	ssyncadd.s32 $0xFFFFFFFF  }
0xa5: {  	s26 =	simm.s32 $execute0_lowered;
	[smem:$0x3FD2] =	sst s25  }
0xa6: {  	s4 =	sshll.u32 s26, $0x1;
	_ =	strace $0x8000004C;
	[dreg:$0x1] =	wrdreg $0xFFFFFFFF  }
0xa7: {  	s28 =	simm.s32 $_size_execute0_lowered;
	s2 =	sadd.s32 s2, s4;
	[dreg:$0x0] =	wrdreg $0x0  }
0xa8: {  	s4 =	sshll.u32 s28, $0x1;
	[dreg:$0x2] =	wrdreg s2  }
0xa9: {  	[dreg:$0x3] =	wrdreg s4  }
0xaa: {  	[dreg:$0x4] =	wrdreg $0xC0  }
0xab: {  	_ =	task [dreg:s6], $0x5FFFF  }
0xac: {  	[dreg:$0x1] =	wrdreg $0xFFFFFFFF  }
0xad: {  	[dreg:$0x0] =	wrdreg $0x60  }
0xae: {  	[dreg:$0x2] =	wrdreg s24  }
0xaf: {  	[dreg:$0x3] =	wrdreg $0x81000  }
0xb0: {  	[dreg:$0x4] =	wrdreg $0x9  }
0xb1: {  	_ =	task.clear_ibuf [dreg:s6], $0x5FFFF;
	_ =	strace $0x9000004C  }
0xb2: {  	s29 =	simm.s32 $0x9;
	_ =	strace $0x8000004E  }
0xb3: {  	_ =	swait.ge [sflag:s29], $0x1  }
0xb4: {  	[sflag:s29] =	ssyncadd.s32 $0xFFFFFFFF  }
0xb5: {  	_ =	strace $0x9000004E  }
0xb6: {  	_ =	sfence  }
0xb7: {  	s30 =	sld [smem:$0x0];
	_ =	sdelay $0x2  }
0xb8: {  	s31 =	sshll.u32 s1, $0xD;
	s1 =	sshrl.u32 s1, $0x2  }
0xb9: {  	s3 =	sand.u32 $0x4000, s31;
	s1 =	sadd.s32 s1, s30  }
0xba: {  	s0 =	sor.u32 s3, s0;
	s1 =	sshll.u32 s1, $0x11  }
0xbb: {  	s0 =	sor.u32 s1, s0  }
0xbc: {  	s0 =	sadd.s32 $0x8F2B, s0  }
0xbd: {  	[sflag:s0] =	ssyncadd.remote.s32 $0x1  }
0xbe: {  	_ =	sfence.sel $0xFFFF  }
0xbf: {  	[dreg:$0x0] =	wrdreg $0xFFFFFFFF;
	(pc) =	sbr.abs _section_cstart, $3  }
0xc0: {  	[dreg:$0x1] =	wrdreg $0xFFFFFFFF  }
0xc1: {  	_ =	task.clear_ibuf [dreg:s6], $0x2FFFF;
	_ =	strace $0x9FFFFFFF  }
0xc2: {  	(tm) =	ssettm $0x7FFFFFFF  }
0xc3: {  	_ =	shalt  }
tec
execute0_lowered:
.L_overlay_start_1:
0x0: {  	(tag) =	ssettag $0x1  }
0x1: {  	s8 =	rddreg [dreg:$0x0]  }
0x2: {  	s1 =	rddreg [dreg:$0x1]  }
0x3: {  	s2 =	srdreg.scid;
	s0 =	rddreg [dreg:$0x2];
	s3 =	simm.s32 $0x0  }
0x4: {  	s16 =	simm.s32 $0x100;
	s17 =	simm.s32 $0x2;
	s18 =	simm.s32 $0x80  }
0x5: {  	s19 =	simm.s32 $0x1;
	s9 =	sand.u32 $0x1, s2;
	s2 =	stileid.u32  }
0x6: {  	s20 =	simm.s32 $0x4100;
	[smem:$0x7FF] =	sst s3;
	s6 =	smul.u32 $0x140000, s9  }
0x7: {  	s4 =	sadd.s32 $0x18C00, s8;
	s5 =	sadd.s32 $0x9D7000, s8;
	s7 =	smul.u32 $0x14000, s2  }
0x8: {  	_ =	strace $0x8000004D;
	s11 =	smul.u32 $0x50000, s2;
	s31 =	ssub.s32 $0x2, s9  }
0x9: {  	s13 =	sshll.u32 s2, $0x1;
	s21 =	sshll.u32 s2, $0x6;
	s12 =	sshrl.u32 s31, $0x1  }
0xa: {  	s9 =	sor.u32 s9, s13;
	s21 =	sor.u32 $0x1C02, s21;
	s7 =	sadd.s32 s7, s6  }
0xb: {  	s6 =	sadd.s32 $0x5000, s8;
	s11 =	sshrl.u32 s11, $0x2;
	s12 =	ssub.s32 s31, s12  }
0xc: {  	s9 =	smul.u32 $0x4F, s9;
	s10 =	sshrl.u32 s7, $0x3;
	s7 =	sadd.s32 $0xEE00, s8  }
0xd: {  	s10 =	sadd.s32 s10, s8;
	s8 =	sadd.s32 s11, s1;
	s11 =	smax.u32 s12, $0x1  }
0xe: {  	s10 =	sadd.s32 $0x40C00, s10;
	s12 =	sadd.s32 $0x4000, s8;
	s13 =	sadd.s32 $0x8000, s8  }
0xf: {  	v0 =	vimm.f32 $0.0e+00;
	s14 =	sadd.s32 $0xC000, s8;
	s15 =	sadd.s32 $0x10000, s8;
	s22 =	sshrl.u32 s8, $0x3  }
.LBB2_1:
0x10: {  	s23 =	simm.s32 $0x0;
	s24 =	simm.s32 $0x200  }
.LBB2_2:
0x11: {  	p0 =	sne.s32 s24, $0xFE00;
	[tilespmem:s23+$0x170] =	vst v0  }
0x12: {  	[tilespmem:s23+$0x100] =	vst v0  }
0x13: {  	[tilespmem:s23+$0x110] =	vst v0  }
.Ltmp0:
0x14: {  	[tilespmem:s23+$0x120] =	vst v0;
	(pc) =	sbr.rel @p0 .LBB2_2-.Ltmp0, $4  }
0x15: {  	[tilespmem:s23+$0x130] =	vst v0  }
0x16: {  	[tilespmem:s23+$0x140] =	vst v0  }
0x17: {  	[tilespmem:s23+$0x150] =	vst v0  }
0x18: {  	[tilespmem:s23+$0x160] =	vst v0;
	s23 =	sshra.s32 s24, $0x2;
	s24 =	sadd.s32 $0x200, s24  }
0x19: {  	[tilespmem:s23+$0x170] =	vst v0  }
0x1a: {  	[tilespmem:s23+$0x100] =	vst v0  }
0x1b: {  	[tilespmem:s23+$0x110] =	vst v0  }
0x1c: {  	[tilespmem:s23+$0x120] =	vst v0  }
0x1d: {  	[tilespmem:s23+$0x130] =	vst v0  }
0x1e: {  	[tilespmem:s23+$0x140] =	vst v0  }
0x1f: {  	[tilespmem:s23+$0x150] =	vst v0  }
0x20: {  	[tilespmem:s23+$0x160] =	vst v0  }
0x21: {  	[spmem:s8] =	stream.linear.scatter [tilespmem:s16], [sflag:$0x2], $0x4000, $0x38;
	[tilespmem:$0x1C100] =	vst v63  }
0x22: {  	_ =	swait.ge [sflag:s17], $0x4000  }
0x23: {  	[sflag:s17] =	ssyncset.done $0x0  }
0x24: {  	[sflag:s17] =	ssyncadd.s32 $0xFFFFC000  }
0x25: {  	[spmem:s12] =	stream.linear.scatter [tilespmem:s16], [sflag:$0x2], $0x4000, $0x38;
	[tilespmem:$0x1C100] =	vst v63  }
0x26: {  	_ =	swait.ge [sflag:s17], $0x4000  }
0x27: {  	[sflag:s17] =	ssyncset.done $0x0  }
0x28: {  	[sflag:s17] =	ssyncadd.s32 $0xFFFFC000  }
0x29: {  	[spmem:s13] =	stream.linear.scatter [tilespmem:s16], [sflag:$0x2], $0x4000, $0x38;
	[tilespmem:$0x1C100] =	vst v63  }
0x2a: {  	_ =	swait.ge [sflag:s17], $0x4000  }
0x2b: {  	[sflag:s17] =	ssyncset.done $0x0  }
0x2c: {  	[sflag:s17] =	ssyncadd.s32 $0xFFFFC000  }
0x2d: {  	[spmem:s14] =	stream.linear.scatter [tilespmem:s16], [sflag:$0x2], $0x4000, $0x38;
	[tilespmem:$0x1C100] =	vst v63  }
0x2e: {  	_ =	swait.ge [sflag:s17], $0x4000  }
0x2f: {  	[sflag:s17] =	ssyncset.done $0x0  }
0x30: {  	[sflag:s17] =	ssyncadd.s32 $0xFFFFC000  }
0x31: {  	[spmem:s15] =	stream.linear.scatter [tilespmem:s16], [sflag:$0x2], $0x4000, $0x38;
	[tilespmem:$0x1C100] =	vst v63  }
0x32: {  	_ =	swait.ge [sflag:s17], $0x4000  }
0x33: {  	[sflag:s17] =	ssyncset.done $0x0  }
0x34: {  	[sflag:s17] =	ssyncadd.s32 $0xFFFFC000  }
0x35: {  	s23 =	simm.s32 $0x0;
	s24 =	simm.s32 $0x0;
	[bflag:$0x0] =	sbarrier.arrive $0xFFFF  }
.LBB2_4:
0x36: {  	s25 =	sadd.s32 s9, s24  }
0x37: {  	s26 =	sshll.u32 s25, $0x4  }
0x38: {  	s28 =	sadd.s32 s6, s26  }
0x39: {  	[tilespmem:s23], [sflag:$0x2] =	stream.linear.gather [hbm4b:s28+s23], $0x80, $0x38;
	[tilespmem:$0x1C100] =	vst v63  }
0x3a: {  	_ =	swait.ge [sflag:s17], $0x80  }
0x3b: {  	[sflag:s17] =	ssyncset.done $0x0  }
0x3c: {  	s26 =	sadd.s32 s7, s26;
	[sflag:s17] =	ssyncadd.s32 $0xFFFFFF80  }
0x3d: {  	[tilespmem:s18], [sflag:$0x2] =	stream.linear.gather [hbm4b:s26+s23], $0x80, $0x38;
	[tilespmem:$0x1C100] =	vst v63  }
0x3e: {  	_ =	swait.ge [sflag:s17], $0x80  }
0x3f: {  	[sflag:s17] =	ssyncset.done $0x0  }
0x40: {  	[sflag:s17] =	ssyncadd.s32 $0xFFFFFF80  }
0x41: {  	[tilespmem:s16], [sflag:$0x1] =	stream.indirect.gather [hbm4b:s4+s18], $0x80, s23, s18, $0xb8;
	[tilespmem:$0x1C100] =	vst v63  }
0x42: {  	_ =	swait.ge [sflag:s19], $0x4000  }
0x43: {  	s25 =	sshll.u32 s25, $0xB;
	[sflag:s19] =	ssyncset.done $0x0  }
0x44: {  	s25 =	sadd.s32 s5, s25;
	[sflag:s19] =	ssyncadd.s32 $0xFFFFC000  }
0x45: {  	[tilespmem:s20], [sflag:$0x2] =	stream.linear.gather [hbm4b:s25+s23], $0x4000, $0x38;
	[tilespmem:$0x1C100] =	vst v63  }
0x46: {  	_ =	swait.ge [sflag:s17], $0x4000  }
0x47: {  	[sflag:s17] =	ssyncset.done $0x0  }
0x48: {  	s25 =	simm.s32 $0x0;
	[sflag:s17] =	ssyncadd.s32 $0xFFFFC000  }
0x49: {  	v7 =	vld [tilespmem:s25+$0x4100]  }
0x4a: {  	v12 =	vld [tilespmem:s25+$0x4110]  }
0x4b: {  	v6 =	vld [tilespmem:s25+$0x4120]  }
0x4c: {  	v5 =	vld [tilespmem:s25+$0x4130]  }
0x4d: {  	v4 =	vld [tilespmem:s25+$0x4140]  }
0x4e: {  	v3 =	vld [tilespmem:s25+$0x4150]  }
0x4f: {  	v2 =	vld [tilespmem:s25+$0x4160]  }
0x50: {  	v1 =	vld [tilespmem:s25+$0x4170]  }
0x51: {  	v13 =	vld [tilespmem:s25+$0x100]  }
0x52: {  	v14 =	vld [tilespmem:s25+$0x110]  }
0x53: {  	v11 =	vld [tilespmem:s25+$0x120]  }
0x54: {  	v10 =	vld [tilespmem:s25+$0x130]  }
0x55: {  	v9 =	vld [tilespmem:s25+$0x140]  }
0x56: {  	v8 =	vld [tilespmem:s25+$0x150];
	v13 =	vadd.f32 v7, v13  }
0x57: {  	s26 =	simm.s32 $0x200;
	v12 =	vadd.f32 v12, v14;
	v7 =	vld [tilespmem:s25+$0x160]  }
.LBB2_5:
0x58: {  	s28 =	sshra.s32 s26, $0x2;
	p0 =	sne.s32 s26, $0xFE00;
	v13 =	vmax.f32 v13, $0.0e+00;
	v6 =	vadd.f32 v6, v11;
	v11 =	vld [tilespmem:s25+$0x170]  }
0x59: {  	v14 =	vld [tilespmem:s28+$0x4100];
	[tilespmem:s25+$0x100] =	vst v13;
	v12 =	vmax.f32 v12, $0.0e+00;
	v5 =	vadd.f32 v5, v10  }
0x5a: {  	v15 =	vld [tilespmem:s28+$0x4110];
	[tilespmem:s25+$0x110] =	vst v12;
	v10 =	vmax.f32 v6, $0.0e+00;
	v4 =	vadd.f32 v4, v9  }
0x5b: {  	v6 =	vld [tilespmem:s28+$0x4120];
	[tilespmem:s25+$0x120] =	vst v10;
	v9 =	vmax.f32 v5, $0.0e+00;
	v3 =	vadd.f32 v3, v8  }
0x5c: {  	v5 =	vld [tilespmem:s28+$0x4130];
	[tilespmem:s25+$0x130] =	vst v9;
	v8 =	vmax.f32 v4, $0.0e+00;
	v2 =	vadd.f32 v2, v7  }
0x5d: {  	v4 =	vld [tilespmem:s28+$0x4140];
	[tilespmem:s25+$0x140] =	vst v8;
	v7 =	vmax.f32 v3, $0.0e+00;
	v1 =	vadd.f32 v1, v11  }
0x5e: {  	v3 =	vld [tilespmem:s28+$0x4150];
	[tilespmem:s25+$0x150] =	vst v7;
	v7 =	vmax.f32 v2, $0.0e+00  }
0x5f: {  	v2 =	vld [tilespmem:s28+$0x4160];
	[tilespmem:s25+$0x160] =	vst v7;
	v7 =	vmax.f32 v1, $0.0e+00  }
0x60: {  	v1 =	vld [tilespmem:s28+$0x4170];
	[tilespmem:s25+$0x170] =	vst v7;
	s25 =	smov.u32 s28  }
0x61: {  	v7 =	vld [tilespmem:s25+$0x100]  }
0x62: {  	v12 =	vld [tilespmem:s25+$0x110]  }
.Ltmp1:
0x63: {  	v11 =	vld [tilespmem:s25+$0x120];
	(pc) =	sbr.rel @p0 .LBB2_5-.Ltmp1, $4  }
0x64: {  	v10 =	vld [tilespmem:s25+$0x130]  }
0x65: {  	v9 =	vld [tilespmem:s25+$0x140]  }
0x66: {  	v13 =	vadd.f32 v14, v7;
	v8 =	vld [tilespmem:s25+$0x150]  }
0x67: {  	s26 =	sadd.s32 $0x200, s26;
	v12 =	vadd.f32 v15, v12;
	v7 =	vld [tilespmem:s25+$0x160]  }
0x68: {  	v13 =	vmax.f32 v13, $0.0e+00;
	v6 =	vadd.f32 v6, v11;
	v63 =	vld [tilespmem:s25+$0x170]  }
0x69: {  	[tilespmem:s25+$0x100] =	vst v13;
	v12 =	vmax.f32 v12, $0.0e+00;
	v5 =	vadd.f32 v5, v10  }
0x6a: {  	[tilespmem:s25+$0x110] =	vst v12;
	v6 =	vmax.f32 v6, $0.0e+00;
	v4 =	vadd.f32 v4, v9  }
0x6b: {  	[tilespmem:s25+$0x120] =	vst v6;
	v5 =	vmax.f32 v5, $0.0e+00;
	v3 =	vadd.f32 v3, v8  }
0x6c: {  	[tilespmem:s25+$0x130] =	vst v5;
	v4 =	vmax.f32 v4, $0.0e+00;
	v2 =	vadd.f32 v2, v7  }
0x6d: {  	[tilespmem:s25+$0x140] =	vst v4;
	v3 =	vmax.f32 v3, $0.0e+00;
	v1 =	vadd.f32 v1, v63  }
0x6e: {  	s24 =	sadd.s32 $0x1, s24;
	[tilespmem:s25+$0x150] =	vst v3;
	v2 =	vmax.f32 v2, $0.0e+00  }
0x6f: {  	p0 =	sne.s32 s24, $0x4F;
	[tilespmem:s25+$0x160] =	vst v2;
	v1 =	vmax.f32 v1, $0.0e+00  }
.Ltmp2:
0x70: {  	[tilespmem:s25+$0x170] =	vst v1;
	(pc) =	sbr.rel @p0 .LBB2_4-.Ltmp2, $4  }
0x71: {  	[spmem:s1] =	stream.indirect.scatter.add.f32 [tilespmem:s16], [sflag:$0x2], $0x80, s18, s18, $0xb8;
	[tilespmem:$0x1C100] =	vst v63  }
0x72: {  	_ =	swait.ge [sflag:s17], $0x4000  }
0x73: {  	[sflag:s17] =	ssyncset.done $0x0  }
0x74: {  	[sflag:s17] =	ssyncadd.s32 $0xFFFFC000  }
0x75: {  	s3 =	sadd.s32 $0x1, s3  }
0x76: {  	p0 =	sne.s32 s3, s11  }
.Ltmp3:
0x77: {  	[bflag:$0x0] =	sbarrier.arrive $0xFFFF;
	(pc) =	sbr.rel @p0 .LBB2_1-.Ltmp3, $4  }
0x78: {  	[hbm:s10], [sflag:s21] =	dma.local [spmem:s22], $0x2800  }
0x79: {  	_ =	swait.ge [sflag:s17], $0x2800  }
0x7a: {  	[sflag:s17] =	ssyncset.done $0x0  }
0x7b: {  	[sflag:s17] =	ssyncadd.s32 $0xFFFFD800  }
0x7c: {  	_ =	sfence.sel $0x180000  }
0x7d: {  	[bflag:$0x0] =	sbarrier.arrive $0xFFFF  }
0x7e: {  	p0 =	sne.s32 s2, $0x0;
	_ =	strace $0x9000004D  }
0x7f: {  	s0 =	sadd.s32 @!p0 $0x100000, s0;
	[bflag:$0x2] =	sbarrier.arrive $0xFFFF  }
0x80: {  	[sflag:s0] =	ssyncadd.tile.s32 @!p0 $0x1;
	_ =	shalt  }
.Lfunc_end2:
_tile_overlayer_lowered:
.L_overlay_start_2:
0x81: {  	(tag) =	ssettag $0x2  }
0x82: {  	s0 =	rddreg [dreg:$0x0];
	s2 =	stileid.u32  }
0x83: {  	s1 =	rddreg [dreg:$0x1];
	p0 =	sne.s32 s2, $0x0  }
0x84: {  	s3 =	rddreg [dreg:$0x2];
	[bflag:$0x3] =	sbarrier.arrive $0xFFFF;
	s2 =	simm.s32 @!p0 $0x1C02  }
0x85: {  	[timem:s3], [sflag:s2] =	dma.local @!p0 [hbm:s0], s1  }
0x86: {  	s0 =	simm.s32 @!p0 $0x2  }
0x87: {  	_ =	swait.ge @!p0 [sflag:s0], s1  }
0x88: {  	s1 =	ssub.s32 @!p0 $0x0, s1;
	[sflag:s0] =	ssyncset.done @!p0 $0x0  }
0x89: {  	[sflag:s0] =	ssyncadd.s32 @!p0 s1  }
0x8a: {  	[bflag:$0x3] =	sbarrier.arrive $0xFFFF  }
0x8b: {  	_ =	shalt  }

// kernel: kernel.21.cloned.1.call-start
scs
__scs_entry_jumppad:
0x0: {  	(pc) =	sbr.rel $0x88, $3  }
0x1: {  	(tag) =	ssettag $0x0;
	lr =	simm.s32 $0x1  }
0x2: {  	[smem:$0x3F89] =	sst lr;
	_ =	strace $0xD0000000  }
0x3: {  	_ = 	snop  }
0x4: {  	_ = 	snop  }
0x5: {  	_ = 	snop  }
0x6: {  	_ = 	snop  }
0x7: {  	_ = 	snop  }
__scs_overlays_trampoline_lowered:
0x8: {  	[smem:$0x3F98] =	sst s0  }
0x9: {  	[smem:$0x3F99] =	sst s1  }
0xa: {  	[smem:$0x3F9A] =	sst s2  }
0xb: {  	[smem:$0x3F9B] =	sst s3  }
0xc: {  	[smem:$0x3F9C] =	sst s4  }
0xd: {  	[smem:$0x3F9D] =	sst s5  }
0xe: {  	[smem:$0x3F9E] =	sst s6  }
0xf: {  	[smem:$0x3F9F] =	sst s7  }
0x10: {  	[smem:$0x3FA0] =	sst s8  }
0x11: {  	[smem:$0x3FA1] =	sst s9;
	s0 =	simm.s32 @!p0 $0x0  }
0x12: {  	s1 =	sld [smem:$0x3F87];
	s0 =	simm.s32 @p0 $0x1  }
0x13: {  	[smem:$0x3FA2] =	sst s0;
	s0 =	simm.s32 @!p1 $0x0  }
0x14: {  	s2 =	sld [smem:$0x3F86];
	s0 =	simm.s32 @p1 $0x1  }
0x15: {  	[smem:$0x3FA3] =	sst s0;
	s0 =	simm.s32 @!p2 $0x0  }
0x16: {  	s3 =	sld [smem:$0x3FDB];
	s0 =	simm.s32 @p2 $0x1  }
0x17: {  	s4 =	simm.s32 $0x1BF5;
	[smem:$0x3FA5] =	sst s0  }
0x18: {  	s0 =	sld [smem:$0x3F88];
	_ =	swait.ge [sflag:s4], $0x0  }
0x19: {  	s7 =	sld [smem:$0x3F89]  }
0x1a: {  	s8 =	sadd.s32 $0xFFFFE003, lr  }
0x1b: {  	s9 =	sadd.s32 $0xFFFFFEF7, lr;
	s5 =	simm.s32 $0xFFFFFFFF;
	p2 =	slt.u32 s8, $0xFFFFF086  }
0x1c: {  	p1 =	slt.u32 s9, $0xF7A;
	s5 =	simm.s32 @!p2 $0x0  }
0x1d: {  	s5 =	simm.s32 @p1 $0x1;
	p0 =	seq.s32 s7, s2  }
0x1e: {  	s7 =	smul.u32 @!p0 $0xF7A, s2;
	p2 =	seq.s32 @!p0 s5, $0x0  }
0x1f: {  	s9 =	smul.u32 $0xF7A, s1;
	s8 =	simm.s32 @!p0 $0x1BF5;
	p2 =	por !p2, p0  }
0x20: {  	[sflag:s8] =	ssyncset.s32 @!p0 $0xFFFFF086;
	s6 =	sadd.s32 @!p0 s3, s7;
	s7 =	simm.s32 @!p0 $0x108  }
0x21: {  	s3 =	sadd.s32 s3, s9;
	s6 =	sadd.s32 @!p0 $0x88, s6;
	s7 =	simm.s32 @p2 $0x1082  }
0x22: {  	[simem:s7], [sflag:s8] =	dma.local @!p0 [hbm:s6], $0xF7A  }
0x23: {  	s9 =	sor.u32 $0xD0000000, s2;
	s6 =	simm.s32 $0x108;
	_ =	swait.ge @!p0 [sflag:s8], $0x0  }
0x24: {  	s3 =	sadd.s32 $0x88, s3;
	s6 =	simm.s32 @!p1 $0x1082;
	[sflag:s4] =	ssyncset.s32 $0xFFFFF086  }
0x25: {  	[simem:s6], [sflag:s4] =	dma.local [hbm:s3], $0xF7A  }
0x26: {  	[smem:$0x3F89] =	sst s1;
	(tag) =	ssettag s2;
	_ =	strace s9  }
0x27: {  	s1 =	sld [smem:$0x3F99]  }
0x28: {  	s2 =	sld [smem:$0x3F9A]  }
0x29: {  	s4 =	sld [smem:$0x3F9C]  }
0x2a: {  	p0 =	seq.s32 s5, $0x0;
	s5 =	sld [smem:$0x3F9D]  }
0x2b: {  	s6 =	sld [smem:$0x3F9E]  }
0x2c: {  	s7 =	sld [smem:$0x3F9F]  }
0x2d: {  	s3 =	simm.s32 $0x108;
	s8 =	sld [smem:$0x3FA0]  }
0x2e: {  	s3 =	simm.s32 @!p0 $0x1082;
	s9 =	sld [smem:$0x3FA1]  }
0x2f: {  	lr =	sadd.s32 s0, s3;
	s0 =	sld [smem:$0x3F98]  }
0x30: {  	s3 =	sld [smem:$0x3F9B]  }
0x31: {  	[smem:$0x3FA4] =	sst s10  }
0x32: {  	s10 =	sld [smem:$0x3FA2];
	_ =	sdelay $0x3  }
0x33: {  	p0 =	seq.s32 s10, $0x1;
	s10 =	sld [smem:$0x3FA4];
	_ =	sdelay $0x3  }
0x34: {  	[smem:$0x3FA4] =	sst s10  }
0x35: {  	s10 =	sld [smem:$0x3FA3];
	_ =	sdelay $0x3  }
0x36: {  	p1 =	seq.s32 s10, $0x1;
	s10 =	sld [smem:$0x3FA4];
	_ =	sdelay $0x3  }
0x37: {  	[smem:$0x3FA4] =	sst s10  }
0x38: {  	s10 =	sld [smem:$0x3FA5]  }
0x39: {  	_ = 	snop;
	(pc) =	sbr.ind lr, $3  }
0x3a: {  	_ = 	snop  }
0x3b: {  	_ = 	snop  }
0x3c: {  	p2 =	seq.s32 s10, $0x1;
	s10 =	sld [smem:$0x3FA4]  }
0x3d: {  	_ =	shalt  }
0x3e: {  	_ =	shalt  }
0x3f: {  	_ =	shalt  }
0x40: {  	_ =	shalt  }
0x41: {  	_ =	shalt  }
0x42: {  	_ =	shalt  }
0x43: {  	_ =	shalt  }
0x44: {  	_ =	shalt  }
0x45: {  	_ =	shalt  }
0x46: {  	_ =	shalt  }
0x47: {  	_ =	shalt  }
0x48: {  	_ =	shalt  }
0x49: {  	_ =	shalt  }
0x4a: {  	_ =	shalt  }
0x4b: {  	_ =	shalt  }
0x4c: {  	_ =	shalt  }
0x4d: {  	_ =	shalt  }
0x4e: {  	_ =	shalt  }
0x4f: {  	_ =	shalt  }
0x50: {  	_ =	shalt  }
0x51: {  	_ =	shalt  }
0x52: {  	_ =	shalt  }
0x53: {  	_ =	shalt  }
0x54: {  	_ =	shalt  }
0x55: {  	_ =	shalt  }
0x56: {  	_ =	shalt  }
0x57: {  	_ =	shalt  }
0x58: {  	_ =	shalt  }
0x59: {  	_ =	shalt  }
0x5a: {  	_ =	shalt  }
0x5b: {  	_ =	shalt  }
0x5c: {  	_ =	shalt  }
0x5d: {  	_ =	shalt  }
0x5e: {  	_ =	shalt  }
0x5f: {  	_ =	shalt  }
0x60: {  	_ =	shalt  }
0x61: {  	_ =	shalt  }
0x62: {  	_ =	shalt  }
0x63: {  	_ =	shalt  }
0x64: {  	_ =	shalt  }
0x65: {  	_ =	shalt  }
0x66: {  	_ =	shalt  }
0x67: {  	_ =	shalt  }
0x68: {  	_ =	shalt  }
0x69: {  	_ =	shalt  }
0x6a: {  	_ =	shalt  }
0x6b: {  	_ =	shalt  }
0x6c: {  	_ =	shalt  }
0x6d: {  	_ =	shalt  }
0x6e: {  	_ =	shalt  }
0x6f: {  	_ =	shalt  }
0x70: {  	_ =	shalt  }
0x71: {  	_ =	shalt  }
0x72: {  	_ =	shalt  }
0x73: {  	_ =	shalt  }
0x74: {  	_ =	shalt  }
0x75: {  	_ =	shalt  }
0x76: {  	_ =	shalt  }
0x77: {  	_ =	shalt  }
0x78: {  	_ =	shalt  }
0x79: {  	_ =	shalt  }
0x7a: {  	_ =	shalt  }
0x7b: {  	_ =	shalt  }
0x7c: {  	_ =	shalt  }
0x7d: {  	_ =	shalt  }
0x7e: {  	_ =	shalt  }
0x7f: {  	_ =	shalt  }
0x80: {  	_ =	shalt  }
0x81: {  	_ =	shalt  }
0x82: {  	_ =	shalt  }
0x83: {  	_ =	shalt  }
0x84: {  	_ =	shalt  }
0x85: {  	_ =	shalt  }
0x86: {  	_ =	shalt  }
0x87: {  	_ =	shalt  }
.Lfunc_end0:
.L_simem_size_0:
called_computation.3_lowered:
.L_overlay_start_0:
0x88: {  	s2 =	sld [smem:$0x3FD9]  }
0x89: {  	s3 =	sld [smem:$0x3FFE];
	_ =	sdelay $0x1  }
0x8a: {  	s1 =	srdreg.scid  }
0x8b: {  	s0 =	sand.u32 $0x1, s1  }
0x8c: {  	s16 =	sshll.u32 s0, $0xA;
	s2 =	sadd.s32 s3, s2  }
0x8d: {  	s2 =	sadd.s32 s2, s16  }
0x8e: {  	[smem:$0x3FB0] =	sst s2  }
0x8f: {  	_ = 	snop  }
0x90: {  	(tm) =	ssettm $0x1  }
0x91: {  	s17 =	sld [smem:$0x3FFB];
	_ =	sdelay $0x3  }
0x92: {  	_ =	strace s17  }
0x93: {  	s2 =	sld [smem:$0x3FFC];
	_ =	sdelay $0x3  }
0x94: {  	_ =	strace s2  }
0x95: {  	s2 =	sld [smem:$0x3FFD];
	_ =	sdelay $0x3  }
0x96: {  	_ =	strace s2  }
0x97: {  	_ =	strace $0x8FFFFFFF  }
0x98: {  	s18 =	sld [smem:$0x3FDB];
	_ =	sdelay $0x1  }
0x99: {  	s19 =	simm.s32 $_scs_section_size  }
0x9a: {  	s4 =	simm.s32 $_size__tile_overlayer_lowered;
	s5 =	simm.s32 $_tile_overlayer_lowered  }
0x9b: {  	s22 =	simm.s32 $0x1BFF;
	s21 =	sshll.u32 s5, $0x1;
	s2 =	sadd.s32 s19, s18  }
0x9c: {  	s6 =	simm.s32 $0x0;
	s20 =	sshll.u32 s4, $0x1;
	s4 =	sadd.s32 s21, s2  }
0x9d: {  	[timem:s6], [sflag:s22] =	dma.local [hbm:s4], s20  }
0x9e: {  	_ =	swait.ge [sflag:s22], s20  }
0x9f: {  	s3 =	ssub.s32 $0x0, s20;
	[sflag:s22] =	ssyncset.done $0x0  }
0xa0: {  	[sflag:s22] =	ssyncadd.s32 s3;
	_ =	sdelay $0x1  }
0xa1: {  	s23 =	simm.s32 $0x1B8B  }
0xa2: {  	_ =	swait.ge [sflag:s23], $0x1  }
0xa3: {  	[sflag:s23] =	ssyncset.done $0x0  }
0xa4: {  	s25 =	simm.s32 $0x1B8E;
	s24 =	sld [smem:$0x3FFE];
	[sflag:s23] =	ssyncadd.s32 $0xFFFFFFFF  }
0xa5: {  	s26 =	simm.s32 $execute0_lowered;
	[smem:$0x3FD2] =	sst s25  }
0xa6: {  	s4 =	sshll.u32 s26, $0x1;
	_ =	strace $0x8000004F;
	[dreg:$0x1] =	wrdreg $0xFFFFFFFF  }
0xa7: {  	s28 =	simm.s32 $_size_execute0_lowered;
	s2 =	sadd.s32 s2, s4;
	[dreg:$0x0] =	wrdreg $0x0  }
0xa8: {  	s4 =	sshll.u32 s28, $0x1;
	[dreg:$0x2] =	wrdreg s2  }
0xa9: {  	[dreg:$0x3] =	wrdreg s4  }
0xaa: {  	[dreg:$0x4] =	wrdreg $0xC0  }
0xab: {  	_ =	task [dreg:s6], $0x5FFFF  }
0xac: {  	[dreg:$0x1] =	wrdreg $0xFFFFFFFF  }
0xad: {  	[dreg:$0x0] =	wrdreg $0x60  }
0xae: {  	[dreg:$0x2] =	wrdreg s24  }
0xaf: {  	[dreg:$0x3] =	wrdreg $0x9  }
0xb0: {  	_ =	task.clear_ibuf [dreg:s6], $0x4FFFF;
	_ =	strace $0x9000004F  }
0xb1: {  	s29 =	simm.s32 $0x9;
	_ =	strace $0x80000051  }
0xb2: {  	_ =	swait.ge [sflag:s29], $0x1  }
0xb3: {  	[sflag:s29] =	ssyncadd.s32 $0xFFFFFFFF  }
0xb4: {  	_ =	strace $0x90000051  }
0xb5: {  	_ =	sfence  }
0xb6: {  	s30 =	sld [smem:$0x0];
	_ =	sdelay $0x2  }
0xb7: {  	s31 =	sshll.u32 s1, $0xD;
	s1 =	sshrl.u32 s1, $0x2  }
0xb8: {  	s3 =	sand.u32 $0x4000, s31;
	s1 =	sadd.s32 s1, s30  }
0xb9: {  	s0 =	sor.u32 s3, s0;
	s1 =	sshll.u32 s1, $0x11  }
0xba: {  	s0 =	sor.u32 s1, s0  }
0xbb: {  	s0 =	sadd.s32 $0x8F2B, s0  }
0xbc: {  	[sflag:s0] =	ssyncadd.remote.s32 $0x1  }
0xbd: {  	_ =	sfence.sel $0xFFFF  }
0xbe: {  	[dreg:$0x0] =	wrdreg $0xFFFFFFFF;
	(pc) =	sbr.abs _section_cstart, $3  }
0xbf: {  	[dreg:$0x1] =	wrdreg $0xFFFFFFFF  }
0xc0: {  	_ =	task.clear_ibuf [dreg:s6], $0x2FFFF;
	_ =	strace $0x9FFFFFFF  }
0xc1: {  	(tm) =	ssettm $0x7FFFFFFF  }
tec
execute0_lowered:
.L_overlay_start_1:
0x0: {  	(tag) =	ssettag $0x1  }
0x1: {  	s1 =	srdreg.scid;
	s0 =	stileid.u32  }
0x2: {  	s4 =	rddreg [dreg:$0x0];
	s2 =	simm.s32 $0x0;
	s10 =	simm.s32 $0x2  }
0x3: {  	s11 =	simm.s32 $0x1;
	s3 =	sand.u32 $0x1, s1;
	s31 =	sshll.u32 s0, $0x1  }
0x4: {  	s12 =	simm.s32 $0xA180;
	s13 =	simm.s32 $0xC580;
	s5 =	sor.u32 s3, s31  }
0x5: {  	s14 =	simm.s32 $0xE980;
	s15 =	simm.s32 $0x0;
	s6 =	smul.u32 $0x1400, s5  }
0x6: {  	s1 =	rddreg [dreg:$0x1];
	s3 =	ssub.s32 $0x2, s3;
	s7 =	smul.u32 $0x28, s5  }
0x7: {  	[smem:$0x7FF] =	sst s2;
	s5 =	smul.u32 $0x480, s5;
	s8 =	sshrl.u32 s3, $0x1  }
0x8: {  	_ =	strace $0x80000050;
	s8 =	ssub.s32 s3, s8;
	s6 =	sadd.s32 s6, s4  }
0x9: {  	s7 =	sadd.s32 s7, s4;
	s9 =	sadd.s32 s5, s4;
	s8 =	smax.u32 s8, $0x1  }
0xa: {  	s3 =	sadd.s32 $0x90C00, s7;
	s4 =	sadd.s32 $0x5000, s6;
	s5 =	sadd.s32 $0x2D000, s9  }
0xb: {  	v0 =	vimm.f32 $0.0e+00;
	v1 =	vimm.f32 $-3.402823470e+38;
	s6 =	sadd.s32 $0x36000, s9;
	s7 =	sadd.s32 $0x3F000, s9;
	s9 =	simm.s32 $0xA000  }
.LBB2_1:
0xc: {  	s16 =	simm.s32 $0x0;
	s17 =	simm.s32 $0x200  }
.LBB2_2:
0xd: {  	p0 =	sne.s32 s17, $0x8E00;
	[tilespmem:s16+$0xE980] =	vst v0  }
0xe: {  	[tilespmem:s16+$0xA180] =	vst v0  }
0xf: {  	[tilespmem:s16+$0xC580] =	vst v1  }
0x10: {  	[tilespmem:s16+$0xA190] =	vst v0  }
0x11: {  	[tilespmem:s16+$0xC590] =	vst v1  }
0x12: {  	[tilespmem:s16+$0xA1A0] =	vst v0  }
0x13: {  	[tilespmem:s16+$0xC5A0] =	vst v1  }
0x14: {  	[tilespmem:s16+$0xA1B0] =	vst v0  }
0x15: {  	[tilespmem:s16+$0xC5B0] =	vst v1  }
0x16: {  	[tilespmem:s16+$0xA1C0] =	vst v0  }
0x17: {  	[tilespmem:s16+$0xC5C0] =	vst v1  }
0x18: {  	[tilespmem:s16+$0xA1D0] =	vst v0  }
.Ltmp0:
0x19: {  	[tilespmem:s16+$0xC5D0] =	vst v1;
	(pc) =	sbr.rel @p0 .LBB2_2-.Ltmp0, $4  }
0x1a: {  	[tilespmem:s16+$0xA1E0] =	vst v0  }
0x1b: {  	[tilespmem:s16+$0xC5E0] =	vst v1  }
0x1c: {  	[tilespmem:s16+$0xA1F0] =	vst v0  }
0x1d: {  	[tilespmem:s16+$0xC5F0] =	vst v1;
	s16 =	sshra.s32 s17, $0x2;
	s17 =	sadd.s32 $0x200, s17  }
0x1e: {  	[tilespmem:s16+$0xE980] =	vst v0  }
0x1f: {  	[tilespmem:s16+$0xA180] =	vst v0  }
0x20: {  	[tilespmem:s16+$0xC580] =	vst v1  }
0x21: {  	[tilespmem:s16+$0xA190] =	vst v0  }
0x22: {  	[tilespmem:s16+$0xC590] =	vst v1  }
0x23: {  	[tilespmem:s16+$0xA1A0] =	vst v0  }
0x24: {  	[tilespmem:s16+$0xC5A0] =	vst v1  }
0x25: {  	[tilespmem:s16+$0xA1B0] =	vst v0  }
0x26: {  	[tilespmem:s16+$0xC5B0] =	vst v1  }
0x27: {  	[tilespmem:s16+$0xA1C0] =	vst v0  }
0x28: {  	[tilespmem:s16+$0xC5C0] =	vst v1  }
0x29: {  	[tilespmem:s16+$0xA1D0] =	vst v0  }
0x2a: {  	[tilespmem:s16+$0xC5D0] =	vst v1  }
0x2b: {  	[tilespmem:s16+$0xA1E0] =	vst v0  }
0x2c: {  	[tilespmem:s16+$0xC5E0] =	vst v1  }
0x2d: {  	[tilespmem:s16+$0xA1F0] =	vst v0  }
0x2e: {  	[tilespmem:s16+$0xC5F0] =	vst v1;
	s30 =	simm.s32 $0x0  }
0x2f: {  	[tilespmem:s9], [sflag:$0x2] =	stream.linear.gather [hbm4b:s3+s30], $0x140, $0x38;
	[tilespmem:$0x10D80] =	vst v63  }
0x30: {  	_ =	swait.ge [sflag:s10], $0x140  }
0x31: {  	[sflag:s10] =	ssyncset.done $0x0  }
0x32: {  	[sflag:s10] =	ssyncadd.s32 $0xFFFFFEC0  }
0x33: {  	[tilespmem:s30], [sflag:$0x1] =	stream.linear.gather [hbm4b:s4+s30], $0xA000, $0x38;
	[tilespmem:$0x10D80] =	vst v63  }
0x34: {  	_ =	swait.ge [sflag:s11], $0xA000  }
0x35: {  	[sflag:s11] =	ssyncset.done $0x0  }
0x36: {  	s31 =	simm.s32 $0x0;
	[sflag:s11] =	ssyncadd.s32 $0xFFFF6000  }
0x37: {  	v2 =	vld [tilespmem:s31+$0xA000];
	_ =	sdelay $0x4  }
0x38: {  	(v2sf) =	vpush v2, $0x0;
	_ =	sdelay $0xe  }
0x39: {  	s16 =	simm.s32 $0x40;
	s17 =	spop (v2sf)  }
0x3a: {  	v2 =	vld [tilespmem:s16+$0xFFFFFFC0];
	s17 =	sshll.u32 s17, $0x7  }
0x3b: {  	v3 =	vld [tilespmem:s17+$0xA180]  }
0x3c: {  	v4 =	vld [tilespmem:s17+$0xC580];
	_ =	sdelay $0x4  }
0x3d: {  	v3 =	vadd.f32 v3, v2;
	v2 =	vmax.f32 v4, v2  }
0x3e: {  	v4 =	vld [tilespmem:s17+$0xA190];
	[tilespmem:s17+$0xC580] =	vst v2  }
0x3f: {  	[tilespmem:s17+$0xA180] =	vst v3;
	v3 =	vld [tilespmem:s17+$0xC590]  }
0x40: {  	v2 =	vld [tilespmem:s16+$0xFFFFFFD0];
	_ =	sdelay $0x4  }
0x41: {  	v3 =	vmax.f32 v3, v2;
	v2 =	vadd.f32 v4, v2  }
0x42: {  	v4 =	vld [tilespmem:s17+$0xA1A0];
	[tilespmem:s17+$0xC590] =	vst v3  }
0x43: {  	v3 =	vld [tilespmem:s17+$0xC5A0];
	[tilespmem:s17+$0xA190] =	vst v2  }
0x44: {  	v2 =	vld [tilespmem:s16+$0xFFFFFFE0];
	_ =	sdelay $0x4  }
0x45: {  	v3 =	vmax.f32 v3, v2;
	v2 =	vadd.f32 v4, v2  }
0x46: {  	v4 =	vld [tilespmem:s17+$0xA1B0];
	[tilespmem:s17+$0xC5A0] =	vst v3  }
0x47: {  	v3 =	vld [tilespmem:s17+$0xC5B0];
	[tilespmem:s17+$0xA1A0] =	vst v2  }
0x48: {  	v2 =	vld [tilespmem:s16+$0xFFFFFFF0];
	_ =	sdelay $0x4  }
0x49: {  	v3 =	vmax.f32 v3, v2;
	v2 =	vadd.f32 v4, v2  }
0x4a: {  	v4 =	vld [tilespmem:s17+$0xA1C0];
	[tilespmem:s17+$0xC5B0] =	vst v3  }
0x4b: {  	v3 =	vld [tilespmem:s17+$0xC5C0];
	[tilespmem:s17+$0xA1B0] =	vst v2  }
0x4c: {  	v2 =	vld [tilespmem:s16+$0x0];
	_ =	sdelay $0x4  }
0x4d: {  	v3 =	vmax.f32 v3, v2;
	v2 =	vadd.f32 v4, v2  }
0x4e: {  	v4 =	vld [tilespmem:s17+$0xA1D0];
	[tilespmem:s17+$0xC5C0] =	vst v3  }
0x4f: {  	v3 =	vld [tilespmem:s17+$0xC5D0];
	[tilespmem:s17+$0xA1C0] =	vst v2  }
0x50: {  	v2 =	vld [tilespmem:s16+$0x10];
	_ =	sdelay $0x4  }
0x51: {  	v3 =	vmax.f32 v3, v2;
	v2 =	vadd.f32 v4, v2  }
0x52: {  	v4 =	vld [tilespmem:s17+$0xA1E0];
	[tilespmem:s17+$0xC5D0] =	vst v3  }
0x53: {  	v3 =	vld [tilespmem:s17+$0xC5E0];
	[tilespmem:s17+$0xA1D0] =	vst v2  }
0x54: {  	v2 =	vld [tilespmem:s16+$0x20];
	_ =	sdelay $0x4  }
0x55: {  	v5 =	vld [tilespmem:s17+$0xE980];
	v3 =	vmax.f32 v3, v2;
	v2 =	vadd.f32 v4, v2  }
0x56: {  	[tilespmem:s17+$0xC5E0] =	vst v3;
	v3 =	vld [tilespmem:s17+$0xC5F0]  }
0x57: {  	[tilespmem:s17+$0xA1E0] =	vst v2;
	v2 =	vld [tilespmem:s17+$0xA1F0]  }
0x58: {  	v4 =	vld [tilespmem:s16+$0x30];
	_ =	sdelay $0x2  }
0x59: {  	v5 =	vadd.f32 $1.000000000e+00, v5;
	_ =	sdelay $0x1  }
0x5a: {  	s18 =	simm.s32 $0x4;
	[tilespmem:s17+$0xE980] =	vst v5;
	v2 =	vadd.f32 v2, v4;
	v3 =	vmax.f32 v3, v4  }
.LBB2_4:
0x5b: {  	p0 =	sne.s32 s18, $0x4FC  }
0x5c: {  	[tilespmem:s17+$0xC5F0] =	vst v3;
	s16 =	sadd.s32 $0x80, s16;
	s19 =	smov.u32 s18;
	s18 =	sadd.s32 $0x4, s18  }
0x5d: {  	s19 =	sshra.s32 s19, $0x2;
	[tilespmem:s17+$0xA1F0] =	vst v2  }
0x5e: {  	v2 =	vld [tilespmem:s19+$0xA000];
	_ =	sdelay $0x4  }
0x5f: {  	(v2sf) =	vpush v2, $0x0;
	_ =	sdelay $0xe  }
0x60: {  	s17 =	spop (v2sf)  }
0x61: {  	v2 =	vld [tilespmem:s16+$0xFFFFFFC0];
	s17 =	sshll.u32 s17, $0x7  }
0x62: {  	v3 =	vld [tilespmem:s17+$0xA180]  }
0x63: {  	v4 =	vld [tilespmem:s17+$0xC580];
	_ =	sdelay $0x3  }
0x64: {  	v3 =	vadd.f32 v3, v2  }
0x65: {  	v2 =	vmax.f32 v4, v2  }
0x66: {  	[tilespmem:s17+$0xA180] =	vst v3;
	v3 =	vld [tilespmem:s17+$0xC590]  }
0x67: {  	[tilespmem:s17+$0xC580] =	vst v2;
	v2 =	vld [tilespmem:s17+$0xA190]  }
0x68: {  	v4 =	vld [tilespmem:s16+$0xFFFFFFD0];
	_ =	sdelay $0x4  }
0x69: {  	v2 =	vadd.f32 v2, v4;
	v3 =	vmax.f32 v3, v4  }
0x6a: {  	[tilespmem:s17+$0xC590] =	vst v3;
	v3 =	vld [tilespmem:s17+$0xC5A0]  }
0x6b: {  	[tilespmem:s17+$0xA190] =	vst v2;
	v2 =	vld [tilespmem:s17+$0xA1A0]  }
0x6c: {  	v4 =	vld [tilespmem:s16+$0xFFFFFFE0];
	_ =	sdelay $0x4  }
0x6d: {  	v2 =	vadd.f32 v2, v4;
	v3 =	vmax.f32 v3, v4  }
0x6e: {  	[tilespmem:s17+$0xC5A0] =	vst v3;
	v3 =	vld [tilespmem:s17+$0xC5B0]  }
0x6f: {  	[tilespmem:s17+$0xA1A0] =	vst v2;
	v2 =	vld [tilespmem:s17+$0xA1B0]  }
0x70: {  	v4 =	vld [tilespmem:s16+$0xFFFFFFF0];
	_ =	sdelay $0x4  }
0x71: {  	v2 =	vadd.f32 v2, v4;
	v3 =	vmax.f32 v3, v4  }
0x72: {  	[tilespmem:s17+$0xC5B0] =	vst v3;
	v3 =	vld [tilespmem:s17+$0xC5C0]  }
0x73: {  	[tilespmem:s17+$0xA1B0] =	vst v2;
	v2 =	vld [tilespmem:s17+$0xA1C0]  }
0x74: {  	v4 =	vld [tilespmem:s16+$0x0];
	_ =	sdelay $0x4  }
0x75: {  	v2 =	vadd.f32 v2, v4;
	v3 =	vmax.f32 v3, v4  }
0x76: {  	[tilespmem:s17+$0xC5C0] =	vst v3;
	v3 =	vld [tilespmem:s17+$0xC5D0]  }
0x77: {  	[tilespmem:s17+$0xA1C0] =	vst v2;
	v2 =	vld [tilespmem:s17+$0xA1D0]  }
0x78: {  	v4 =	vld [tilespmem:s16+$0x10];
	_ =	sdelay $0x4  }
0x79: {  	v2 =	vadd.f32 v2, v4;
	v3 =	vmax.f32 v3, v4  }
0x7a: {  	[tilespmem:s17+$0xC5D0] =	vst v3;
	v3 =	vld [tilespmem:s17+$0xC5E0]  }
0x7b: {  	[tilespmem:s17+$0xA1D0] =	vst v2;
	v2 =	vld [tilespmem:s17+$0xA1E0]  }
0x7c: {  	v4 =	vld [tilespmem:s16+$0x20];
	_ =	sdelay $0x1  }
0x7d: {  	v5 =	vld [tilespmem:s17+$0xE980];
	_ =	sdelay $0x2  }
0x7e: {  	v2 =	vadd.f32 v2, v4;
	v3 =	vmax.f32 v3, v4  }
0x7f: {  	[tilespmem:s17+$0xC5E0] =	vst v3;
	v3 =	vld [tilespmem:s17+$0xC5F0]  }
0x80: {  	[tilespmem:s17+$0xA1E0] =	vst v2;
	v2 =	vld [tilespmem:s17+$0xA1F0];
	v4 =	vadd.f32 $1.000000000e+00, v5  }
0x81: {  	v5 =	vld [tilespmem:s16+$0x30]  }
.Ltmp1:
0x82: {  	[tilespmem:s17+$0xE980] =	vst v4;
	(pc) =	sbr.rel @p0 .LBB2_4-.Ltmp1, $2  }
0x83: {  	_ =	sdelay $0x2  }
0x84: {  	v2 =	vadd.f32 v2, v5;
	v3 =	vmax.f32 v3, v5  }
0x85: {  	[tilespmem:s17+$0xC5F0] =	vst v3  }
0x86: {  	[tilespmem:s17+$0xA1F0] =	vst v2  }
0x87: {  	[hbm4b:s5+s2] =	stream.linear.scatter [tilespmem:s12], [sflag:$0x2], $0x2400, $0x38;
	[tilespmem:$0x10D80] =	vst v63  }
0x88: {  	_ =	swait.ge [sflag:s10], $0x2400  }
0x89: {  	[sflag:s10] =	ssyncset.done $0x0  }
0x8a: {  	[sflag:s10] =	ssyncadd.s32 $0xFFFFDC00  }
0x8b: {  	[hbm4b:s6+s2] =	stream.linear.scatter [tilespmem:s13], [sflag:$0x2], $0x2400, $0x38;
	[tilespmem:$0x10D80] =	vst v63  }
0x8c: {  	s15 =	sadd.s32 $0x1, s15;
	_ =	swait.ge [sflag:s10], $0x2400  }
0x8d: {  	p0 =	sne.s32 s15, s8;
	[sflag:s10] =	ssyncset.done $0x0  }
.Ltmp2:
0x8e: {  	[sflag:s10] =	ssyncadd.s32 $0xFFFFDC00;
	(pc) =	sbr.rel @p0 .LBB2_1-.Ltmp2, $4  }
0x8f: {  	[hbm4b:s7+s2] =	stream.linear.scatter [tilespmem:s14], [sflag:$0x2], $0x2400, $0x38;
	[tilespmem:$0x10D80] =	vst v63  }
0x90: {  	_ =	swait.ge [sflag:s10], $0x2400  }
0x91: {  	[sflag:s10] =	ssyncset.done $0x0  }
0x92: {  	[sflag:s10] =	ssyncadd.s32 $0xFFFFDC00  }
0x93: {  	_ =	sfence.sel $0x180000  }
0x94: {  	[bflag:$0x0] =	sbarrier.arrive $0xFFFF  }
0x95: {  	p0 =	sne.s32 s0, $0x0;
	_ =	strace $0x90000050  }
0x96: {  	s0 =	sadd.s32 @!p0 $0x100000, s1;
	[bflag:$0x2] =	sbarrier.arrive $0xFFFF  }
0x97: {  	[sflag:s0] =	ssyncadd.tile.s32 @!p0 $0x1;
	_ =	shalt  }
.Lfunc_end2:
_tile_overlayer_lowered:
.L_overlay_start_2:
0x98: {  	(tag) =	ssettag $0x2  }
0x99: {  	s0 =	rddreg [dreg:$0x0];
	s2 =	stileid.u32  }
0x9a: {  	s1 =	rddreg [dreg:$0x1];
	p0 =	sne.s32 s2, $0x0  }
0x9b: {  	s3 =	rddreg [dreg:$0x2];
	[bflag:$0x3] =	sbarrier.arrive $0xFFFF;
	s2 =	simm.s32 @!p0 $0x1C02  }
0x9c: {  	[timem:s3], [sflag:s2] =	dma.local @!p0 [hbm:s0], s1  }
0x9d: {  	s0 =	simm.s32 @!p0 $0x2  }
0x9e: {  	_ =	swait.ge @!p0 [sflag:s0], s1  }
0x9f: {  	s1 =	ssub.s32 @!p0 $0x0, s1;
	[sflag:s0] =	ssyncset.done @!p0 $0x0  }
0xa0: {  	[sflag:s0] =	ssyncadd.s32 @!p0 s1  }
0xa1: {  	[bflag:$0x3] =	sbarrier.arrive $0xFFFF  }
0xa2: {  	_ =	shalt  }

</sc_bundles>
